<compile_context>
chip_gen: v7x
topology: tpu7x:2x2x1
jax: 0.10.2.dev20260603
libtpu: 0.0.44.dev20260713+nightly
codegen_flags: <defaults>
</compile_context>

<pallas_src>
import functools

import jax
import jax.numpy as jnp
from jax import lax
from jax.experimental import pallas as pl
from jax.experimental.pallas import tpu as pltpu
from jax.experimental.pallas import tpu_sc as plsc

B, D, K_NEG, N_HARD = 1024, 256, 65536, 1024
N1 = N2 = N3 = 128
N_SYN = N1 + N2 + N3
TEMP = 0.2
HARD_ALPHA, HARD_BETA, HARD_GAMMA = 0.5, 1.5, 1.0
OUT_W = K_NEG + N_SYN

RB = 128
CB = 4096
NI = B // RB
NJ = K_NEG // CB
INV_TEMP = 1.0 / TEMP

CAP = 2048
CNT_TARGET = 1536


def _logits_body(q_ref, w_ref, o_ref, qtn_ref, colnorm_ref, cn_ref):
    i = pl.program_id(1)

    @pl.when(i == 0)
    def _():
        w = w_ref[...]
        cn = jnp.maximum(jnp.sqrt(jnp.sum(w * w, axis=0, keepdims=True)), 1e-12)
        cn_ref[...] = cn
        colnorm_ref[...] = cn
        qtn_ref[...] = w.T / cn.T

    q = q_ref[...]
    qn = q / jnp.maximum(
        jnp.sqrt(jnp.sum(q * q, axis=1, keepdims=True)), 1e-12)
    acc = jax.lax.dot_general(
        qn, w_ref[...], (((1,), (0,)), ((), ())),
        preferred_element_type=jnp.float32,
        precision=jax.lax.Precision.HIGHEST)
    o_ref[...] = acc * (INV_TEMP / cn_ref[...])


def _logits_call(q, queue):
    return pl.pallas_call(
        _logits_body,
        grid=(NJ, NI),
        in_specs=[
            pl.BlockSpec((RB, D), lambda j, i: (i, 0)),
            pl.BlockSpec((D, CB), lambda j, i: (0, j)),
        ],
        out_specs=[
            pl.BlockSpec((RB, CB), lambda j, i: (i, j)),
            pl.BlockSpec((CB, D), lambda j, i: (j, 0)),
            pl.BlockSpec((1, CB), lambda j, i: (0, j)),
        ],
        out_shape=[
            jax.ShapeDtypeStruct((B, OUT_W), jnp.float32),
            jax.ShapeDtypeStruct((K_NEG, D), jnp.float32),
            jax.ShapeDtypeStruct((1, K_NEG), jnp.float32),
        ],
        scratch_shapes=[pltpu.VMEM((1, CB), jnp.float32)],
    )(q, queue)


RBB = 8


def _bisect_body(o_ref, thr_ref, cnt_ref):
    x = o_ref[...]
    u = pltpu.bitcast(x, jnp.uint32)
    key = u ^ jnp.where(u >> 31 == 0, jnp.uint32(0x80000000),
                        jnp.uint32(0xFFFFFFFF))

    def count_ge(t):
        return jnp.sum((key >= t).astype(jnp.int32), axis=1, keepdims=True)

    def cond(carry):
        _, width, cnt = carry
        return jnp.logical_and(width > 0, jnp.any(cnt > CNT_TARGET))

    def body(carry):
        lo, width, cnt = carry
        mid = lo + width
        c = count_ge(mid)
        ok = jnp.logical_and(mid > lo, c >= N_HARD)
        lo = jnp.where(ok, mid, lo)
        cnt = jnp.where(ok, c, cnt)
        return lo, width // 2, cnt

    lo0 = jnp.zeros((RBB, 1), jnp.uint32)
    cnt0 = jnp.full((RBB, 1), K_NEG, jnp.int32)
    lo, _, cnt = jax.lax.while_loop(
        cond, body, (lo0, jnp.uint32(1 << 31), cnt0))
    thr_u = jnp.where(lo >> 31 == 1, lo ^ jnp.uint32(0x80000000), ~lo)
    thr = pltpu.bitcast(thr_u, jnp.float32)
    thr_ref[...] = jnp.broadcast_to(thr, (RBB, 128))
    cnt_ref[...] = jnp.broadcast_to(cnt, (RBB, 128))


def _bisect_call(out_main):
    return pl.pallas_call(
        _bisect_body,
        grid=(B // RBB,),
        in_specs=[pl.BlockSpec((RBB, K_NEG), lambda i: (i, 0))],
        out_specs=[
            pl.BlockSpec((RBB, 128), lambda i: (i, 0)),
            pl.BlockSpec((RBB, 128), lambda i: (i, 0)),
        ],
        out_shape=[
            jax.ShapeDtypeStruct((B, 128), jnp.float32),
            jax.ShapeDtypeStruct((B, 128), jnp.int32),
        ],
    )(out_main)


def _compact_xla(out_main, thr, cnt):
    lv = out_main[:, :K_NEG]
    mask = lv >= thr[:, :1]
    order = jnp.argsort(~mask, axis=1, stable=True)
    cand_idx = order[:, :CAP].astype(jnp.int32)
    cand_val = jnp.take_along_axis(lv, cand_idx, axis=1)
    return cand_val, cand_idx


WINW = 8192
NWIN = K_NEG // WINW


def _compact_call(out_main, thr1):
    info = plsc.get_sparse_core_info()
    NC, NS = info.num_cores, info.num_subcores
    NW = NC * NS
    RPW = B // NW
    mesh = plsc.VectorSubcoreMesh(core_axis_name="c", subcore_axis_name="s")

    @functools.partial(
        pl.kernel, mesh=mesh,
        out_type=[
            jax.ShapeDtypeStruct((B, CAP), jnp.float32),
            jax.ShapeDtypeStruct((B, CAP), jnp.int32),
        ],
        scratch_types=[
            pltpu.VMEM((RPW * 16,), jnp.float32),
            pltpu.VMEM((WINW,), jnp.float32),
            pltpu.VMEM((WINW,), jnp.float32),
            pltpu.VMEM((CAP,), jnp.float32),
            pltpu.VMEM((CAP,), jnp.int32),
            pltpu.SemaphoreType.DMA,
            pltpu.SemaphoreType.DMA,
        ],
    )
    def compact(out_hbm, thr_hbm, cval_hbm, cidx_hbm,
                thr_ts, win0, win1, cval, cidx, sem0, sem1):
        wid = lax.axis_index("s") * NC + lax.axis_index("c")
        base = wid * RPW
        pltpu.sync_copy(thr_hbm.at[pl.ds(base * 16, RPW * 16)], thr_ts)
        iota16 = lax.iota(jnp.int32, 16)
        wins = (win0, win1)
        sems = (sem0, sem1)

        def do_row(r, _):
            row = base + r
            thr_v = thr_ts[pl.ds(pl.multiple_of(r * 16, 16), 16)]
            cps = {0: pltpu.async_copy(
                out_hbm.at[row, pl.ds(0, WINW)], win0, sem0)}
            off = jnp.int32(0)
            for w in range(NWIN):
                if w + 1 < NWIN:
                    cps[w + 1] = pltpu.async_copy(
                        out_hbm.at[row, pl.ds((w + 1) * WINW, WINW)],
                        wins[(w + 1) % 2], sems[(w + 1) % 2])
                cps[w].wait()
                buf = wins[w % 2]

                def vstep(k, off, w=w, buf=buf):
                    v = buf[pl.ds(pl.multiple_of(k * 16, 16), 16)]
                    mb = v >= thr_v
                    m = mb.astype(jnp.int32)
                    tot = plsc.all_reduce_population_count(mb)[0]

                    @pl.when(tot > 0)
                    def _():
                        key = iota16 + (1 - m) * 16
                        colv = iota16 + (w * WINW + k * 16)
                        _, sv = plsc.sort_key_val(key, v)
                        _, si = plsc.sort_key_val(key, colv)
                        pos = off + iota16
                        mask = jnp.logical_and(iota16 < tot, pos < CAP)
                        plsc.store_scatter(cval, [pos], sv, mask=mask)
                        plsc.store_scatter(cidx, [pos], si, mask=mask)

                    return off + tot

                off = lax.fori_loop(0, WINW // 16, vstep, off)
            pltpu.sync_copy(cval, cval_hbm.at[row])
            pltpu.sync_copy(cidx, cidx_hbm.at[row])
            return 0

        lax.fori_loop(0, RPW, do_row, 0)

    return compact(out_main, thr1)


RBD = 8
_STAGES = []
for _k in [2 << s for s in range(11)]:
    _j = _k // 2
    while _j >= 1:
        _STAGES.append((_k, _j))
        _j //= 2


def _sort_body(cv_ref, ci_ref, cnt_ref, sv_ref, si_ref):
    iota = jax.lax.broadcasted_iota(jnp.int32, (RBD, CAP), 1)
    cnt = cnt_ref[...][:, :1]
    valid = iota < cnt
    v = jnp.where(valid, cv_ref[...], -jnp.inf)
    ix = jnp.where(valid, ci_ref[...], jnp.int32(0x3FFFFFFF))

    def stage(k, j, carry):
        v, ix = carry
        upper = (iota & j) != 0
        pv = jnp.where(upper, pltpu.roll(v, j, 1), pltpu.roll(v, -j, 1))
        pi = jnp.where(upper, pltpu.roll(ix, j, 1), pltpu.roll(ix, -j, 1))
        desc = (iota & k) == 0
        take_max = desc != upper
        p_gt = jnp.logical_or(pv > v, jnp.logical_and(pv == v, pi < ix))
        sel_p = take_max == p_gt
        v = jnp.where(sel_p, pv, v)
        ix = jnp.where(sel_p, pi, ix)
        return v, ix

    def phase(p, carry):
        k = jnp.int32(1) << p

        def inner(m, carry):
            j = jnp.int32(1) << (p - 1 - m)
            return stage(k, j, carry)

        return jax.lax.fori_loop(0, p, inner, carry)

    v, ix = jax.lax.fori_loop(1, 12, phase, (v, ix))
    sv_ref[...] = v[:, :N_HARD]
    si_ref[...] = ix[:, :N_HARD]


def _sort_call(cand_val, cand_idx, cnt):
    return pl.pallas_call(
        _sort_body,
        grid=(B // RBD,),
        in_specs=[
            pl.BlockSpec((RBD, CAP), lambda i: (i, 0)),
            pl.BlockSpec((RBD, CAP), lambda i: (i, 0)),
            pl.BlockSpec((RBD, 128), lambda i: (i, 0)),
        ],
        out_specs=[
            pl.BlockSpec((RBD, N_HARD), lambda i: (i, 0)),
            pl.BlockSpec((RBD, N_HARD), lambda i: (i, 0)),
        ],
        out_shape=[
            jax.ShapeDtypeStruct((B, N_HARD), jnp.float32),
            jax.ShapeDtypeStruct((B, N_HARD), jnp.int32),
        ],
    )(cand_val, cand_idx, cnt)


def _gather_xla(svals, sidx, qtn, ranks):
    c = jnp.take_along_axis(svals, ranks, axis=1)
    c1, c2, c3a, c3b = jnp.split(c, 4, axis=1)
    sel3a = jnp.take_along_axis(sidx, ranks[:, 256:384], axis=1)
    sel3b = jnp.take_along_axis(sidx, ranks[:, 384:], axis=1)
    d = jnp.sum(qtn[sel3a] * qtn[sel3b], axis=-1)
    return c1, c2, c3a, c3b, d


def _gather_call(svals, sidx, qtn, ranks):
    info = plsc.get_sparse_core_info()
    NC, NS = info.num_cores, info.num_subcores
    NW = NC * NS
    RPW = B // NW
    mesh = plsc.VectorSubcoreMesh(core_axis_name="c", subcore_axis_name="s")

    svals_flat = svals.reshape(B * N_HARD)
    sidx_flat = sidx.reshape(B * N_HARD)
    ranks_abs = ranks + (jnp.arange(B, dtype=jnp.int32) * N_HARD)[:, None]
    ra1 = ranks_abs[:, :128]
    ra2 = ranks_abs[:, 128:256]
    ra3a = ranks_abs[:, 256:384]
    ra3b = ranks_abs[:, 384:]

    @functools.partial(
        pl.kernel, mesh=mesh,
        out_type=[
            jax.ShapeDtypeStruct((B, 512), jnp.float32),
            jax.ShapeDtypeStruct((B, 2048), jnp.float32),
        ],
        scratch_types=[
            pltpu.VMEM((128,), jnp.int32),
            pltpu.VMEM((128,), jnp.int32),
            pltpu.VMEM((128,), jnp.int32),
            pltpu.VMEM((128,), jnp.int32),
            pltpu.VMEM((512,), jnp.float32),
            pltpu.VMEM((128,), jnp.int32),
            pltpu.VMEM((128,), jnp.int32),
            pltpu.VMEM((128, D), jnp.float32),
            pltpu.VMEM((128, D), jnp.float32),
            pltpu.VMEM((2048,), jnp.float32),
            pltpu.SemaphoreType.DMA,
        ],
    )
    def gatherk(svals_hbm, sidx_hbm, ra1_hbm, ra2_hbm, ra3a_hbm, ra3b_hbm,
                qtn_hbm, cg_hbm, d_hbm,
                r1_ts, r2_ts, r3a_ts, r3b_ts, csel_ts, sela_ts, selb_ts,
                colsa, colsb, outd, sem):
        wid = lax.axis_index("s") * NC + lax.axis_index("c")
        base = wid * RPW
        iota16 = lax.iota(jnp.int32, 16)

        def do_row(r, carry):
            row = base + r
            pltpu.sync_copy(ra1_hbm.at[row], r1_ts)
            pltpu.sync_copy(ra2_hbm.at[row], r2_ts)
            pltpu.sync_copy(ra3a_hbm.at[row], r3a_ts)
            pltpu.sync_copy(ra3b_hbm.at[row], r3b_ts)
            pltpu.sync_copy(svals_hbm.at[r1_ts], csel_ts.at[pl.ds(0, 128)])
            pltpu.sync_copy(svals_hbm.at[r2_ts], csel_ts.at[pl.ds(128, 128)])
            pltpu.sync_copy(svals_hbm.at[r3a_ts], csel_ts.at[pl.ds(256, 128)])
            pltpu.sync_copy(svals_hbm.at[r3b_ts], csel_ts.at[pl.ds(384, 128)])
            pltpu.sync_copy(sidx_hbm.at[r3a_ts], sela_ts)
            pltpu.sync_copy(sidx_hbm.at[r3b_ts], selb_ts)
            cpa = pltpu.async_copy(qtn_hbm.at[sela_ts], colsa, sem)
            cpa.wait()
            cpb = pltpu.async_copy(qtn_hbm.at[selb_ts], colsb, sem)
            cpb.wait()

            def pair(p, c):
                acc = jnp.zeros((16,), jnp.float32)
                for kk in range(D // 16):
                    va = colsa[p, pl.ds(16 * kk, 16)]
                    vb = colsb[p, pl.ds(16 * kk, 16)]
                    acc = acc + va * vb
                for j in (1, 2, 4, 8):
                    acc = acc + acc[(iota16 ^ j,)]
                outd[pl.ds(pl.multiple_of(p * 16, 16), 16)] = acc
                return c

            lax.fori_loop(0, 128, pair, 0)
            pltpu.sync_copy(csel_ts, cg_hbm.at[row])
            pltpu.sync_copy(outd, d_hbm.at[row])
            return carry

        lax.fori_loop(0, RPW, do_row, 0)

    cg, dwide = gatherk(svals_flat, sidx_flat, ra1, ra2, ra3a, ra3b, qtn)
    return cg, dwide[:, ::16]


def _lhard_body(out_in_ref, c1_ref, a_ref, c2_ref, b_ref, c3a_ref, c3b_ref,
                g_ref, d_ref, o_ref):
    del out_in_ref
    k = pl.program_id(1)
    c1 = c1_ref[...] * TEMP
    a = a_ref[...]
    l1 = (a + (1.0 - a) * c1) * jax.lax.rsqrt(
        a * a + (1.0 - a) * (1.0 - a) + 2.0 * a * (1.0 - a) * c1)
    c2 = c2_ref[...] * TEMP
    b = b_ref[...]
    u = 1.0 - b
    l2 = (u + b * c2) * jax.lax.rsqrt(u * u + b * b + 2.0 * u * b * c2)
    c3a = c3a_ref[...] * TEMP
    c3b = c3b_ref[...] * TEMP
    g = g_ref[...]
    d = d_ref[...]
    l3 = (g * c3a + (1.0 - g) * c3b) * jax.lax.rsqrt(
        g * g + (1.0 - g) * (1.0 - g) + 2.0 * g * (1.0 - g) * d)
    o_ref[...] = jnp.where(k == 0, l1, jnp.where(k == 1, l2, l3)) * INV_TEMP


def _lhard_call(out_main, c1, a, c2, b, c3a, c3b, g, d):
    small = lambda: pl.BlockSpec((RB, 128), lambda i, k: (i, 0))
    return pl.pallas_call(
        _lhard_body,
        grid=(NI, 3),
        in_specs=[pl.BlockSpec(memory_space=pl.ANY)] + [small() for _ in range(8)],
        out_specs=pl.BlockSpec((RB, 128), lambda i, k: (i, K_NEG // 128 + k)),
        out_shape=jax.ShapeDtypeStruct((B, OUT_W), jnp.float32),
        input_output_aliases={0: 0},
    )(out_main, c1, a, c2, b, c3a, c3b, g, d)


def _fixed_constants():
    rk = jax.random.key(42)
    k_i1, k_a1, k_i2, k_b2, k_i3a, k_i3b, k_g3 = jax.random.split(rk, 7)
    idxs1 = jax.random.randint(k_i1, (B, N1), 0, N_HARD)
    alpha = jax.random.uniform(k_a1, (B, N1, 1), dtype=jnp.float32)[..., 0] * HARD_ALPHA
    idxs2 = jax.random.randint(k_i2, (B, N2), 0, N_HARD)
    beta = 1.0 + jax.random.uniform(k_b2, (B, N2, 1), dtype=jnp.float32)[..., 0] * (
        HARD_BETA - 1.0)
    idxs3a = jax.random.randint(k_i3a, (B, N3), 0, N_HARD)
    idxs3b = jax.random.randint(k_i3b, (B, N3), 0, N_HARD)
    gamma = jax.random.uniform(k_g3, (B, N3, 1), dtype=jnp.float32)[..., 0] * HARD_GAMMA
    return idxs1, alpha, idxs2, beta, idxs3a, idxs3b, gamma


def _compact_bridge(out_main, thr):
    lv = out_main[:, :K_NEG]
    mask = lv >= thr[:, :1]
    cs = jnp.cumsum(mask.astype(jnp.int32), axis=1)
    targets = jnp.arange(1, CAP + 1, dtype=jnp.int32)
    cand_pos = jax.vmap(
        lambda c: jnp.searchsorted(c, targets, side="left"))(cs)
    cand_idx = jnp.minimum(cand_pos, K_NEG - 1).astype(jnp.int32)
    cand_val = jnp.take_along_axis(lv, cand_idx, axis=1)
    return cand_val, cand_idx


def kernel(q, queue):
    out_main, qtn, _colnorm = _logits_call(q, queue)
    thr, cnt = _bisect_call(out_main)
    cand_val, cand_idx = _compact_bridge(out_main, thr)
    svals, sidx = _sort_call(cand_val, cand_idx, cnt)

    idxs1, alpha, idxs2, beta, idxs3a, idxs3b, gamma = _fixed_constants()
    ranks = jnp.concatenate([idxs1, idxs2, idxs3a, idxs3b], axis=1)
    cg, d = _gather_call(svals, sidx, qtn, ranks)
    c1 = cg[:, :128]
    c2 = cg[:, 128:256]
    c3a = cg[:, 256:384]
    c3b = cg[:, 384:]

    return _lhard_call(out_main, c1, alpha, c2, beta, c3a, c3b, gamma, d)

# --- scband reference (transcript-rebuilt; emitter-appended) ---
"""Pipeline reference for scband-syn-co-17695265259639 (READ-ONLY COPY).

The authoritative reference and input builder live on the scoring server;
editing this copy changes nothing except your own understanding.
"""

import jax, jax.numpy as jnp
import numpy as np

B, D, K_NEG, N_HARD = 1024, 256, 65536, 1024
N1, N2, N3 = 128, 128, 128
TEMP = 0.2
HARD_ALPHA = 0.5
HARD_BETA = 1.5
HARD_GAMMA = 1.0

def _normalize(x, axis=-1):
    n = jnp.linalg.norm(x, axis=axis, keepdims=True)
    return x / jnp.clip(n, 1e-12, None)

def setup_inputs(seed: int = 0) -> dict:
    key = jax.random.key(seed)
    k1, k2 = jax.random.split(key)
    q = jax.random.normal(k1, (B, D), dtype=jnp.float32)
    queue = jax.random.normal(k2, (D, K_NEG), dtype=jnp.float32)
    return {"q": q, "queue": queue}

def reference(q, queue):
    # q is the predictor output (normalized); queue is the negative buffer (normalized along dim 0)
    q = _normalize(q, axis=-1)
    queue = _normalize(queue, axis=0)
    # logits against the negative queue: [B, K_NEG]
    logits = q @ queue
    # find_hard_negatives: top-n_hard indices per query (detached in torch)
    _, idxs_hard = jax.lax.top_k(jax.lax.stop_gradient(logits), N_HARD)
    rk = jax.random.key(42)
    k_i1, k_a1, k_i2, k_b2, k_i3a, k_i3b, k_g3 = jax.random.split(rk, 7)
    q_d = jax.lax.stop_gradient(q)
    queue_t = jax.lax.stop_gradient(queue.T)  # [K_NEG, D]
    # Type 1: interpolation  s = a*q + (1-a)*n
    idxs1 = jax.random.randint(k_i1, (B, N1), 0, N_HARD)
    alpha = jax.random.uniform(k_a1, (B, N1, 1), dtype=jnp.float32) * HARD_ALPHA
    sel1 = jnp.take_along_axis(idxs_hard, idxs1, axis=1)
    hn1 = queue_t[sel1]
    s1 = _normalize(alpha * q_d[:, None, :] + (1.0 - alpha) * hn1)
    # Type 2: extrapolation  s = q + b*(n - q)
    idxs2 = jax.random.randint(k_i2, (B, N2), 0, N_HARD)
    beta = 1.0 + jax.random.uniform(k_b2, (B, N2, 1), dtype=jnp.float32) * (HARD_BETA - 1.0)
    sel2 = jnp.take_along_axis(idxs_hard, idxs2, axis=1)
    hn2 = queue_t[sel2]
    s2 = _normalize(q_d[:, None, :] + beta * (hn2 - q_d[:, None, :]))
    # Type 3: mixup  s = g*n1 + (1-g)*n2
    idxs3a = jax.random.randint(k_i3a, (B, N3), 0, N_HARD)
    idxs3b = jax.random.randint(k_i3b, (B, N3), 0, N_HARD)
    gamma = jax.random.uniform(k_g3, (B, N3, 1), dtype=jnp.float32) * HARD_GAMMA
    hn3a = queue_t[jnp.take_along_axis(idxs_hard, idxs3a, axis=1)]
    hn3b = queue_t[jnp.take_along_axis(idxs_hard, idxs3b, axis=1)]
    s3 = _normalize(gamma * hn3a + (1.0 - gamma) * hn3b)
    # logits against synthetic hard negatives (negatives are detached)
    neg = jax.lax.stop_gradient(jnp.concatenate([s1, s2, s3], axis=1))  # [B, N1+N2+N3, D]
    l_hard = jnp.einsum('bd,bnd->bn', q, neg)
    out = jnp.concatenate([logits, l_hard], axis=1) / TEMP
    return out

if __name__ == "__main__":
    import jax
    _d = setup_inputs()
    print(jax.jit(kernel)(*tuple(_d.values())))

</pallas_src>

<mosaic_0001>
#map = affine_map<(d0, d1) -> (0)>
#map1 = affine_map<(d0, d1) -> (0, 0)>
module attributes {stable_mosaic.version = 14 : i64} {
  func.func @gatherk(%arg0: i32, %arg1: i32, %arg2: memref<1048576xf32, #tpu.memory_space<hbm>>, %arg3: memref<1048576xi32, #tpu.memory_space<hbm>>, %arg4: memref<1024x128xi32, #tpu.memory_space<hbm>>, %arg5: memref<1024x128xi32, #tpu.memory_space<hbm>>, %arg6: memref<1024x128xi32, #tpu.memory_space<hbm>>, %arg7: memref<1024x128xi32, #tpu.memory_space<hbm>>, %arg8: memref<65536x256xf32, #tpu.memory_space<hbm>>, %arg9: memref<1024x512xf32, #tpu.memory_space<hbm>>, %arg10: memref<1024x2048xf32, #tpu.memory_space<hbm>>, %arg11: memref<128xi32, #tpu.memory_space<vmem>>, %arg12: memref<128xi32, #tpu.memory_space<vmem>>, %arg13: memref<128xi32, #tpu.memory_space<vmem>>, %arg14: memref<128xi32, #tpu.memory_space<vmem>>, %arg15: memref<512xf32, #tpu.memory_space<vmem>>, %arg16: memref<128xi32, #tpu.memory_space<vmem>>, %arg17: memref<128xi32, #tpu.memory_space<vmem>>, %arg18: memref<128x256xf32, #tpu.memory_space<vmem>>, %arg19: memref<128x256xf32, #tpu.memory_space<vmem>>, %arg20: memref<2048xf32, #tpu.memory_space<vmem>>, %arg21: memref<!tpu.dma_semaphore, #tpu.memory_space<semaphore_mem>>) attributes {dimension_semantics = [#tpu.dimension_semantics<core_parallel>, #tpu.dimension_semantics<subcore_parallel>], iteration_bounds = array<i64: 2, 16>, scalar_prefetch = 0 : i64, scratch_operands = 11 : i64, tpu.core_type = #tpu.core_type<sc_vector_subcore>, window_params = [{transform_indices = #map}, {transform_indices = #map}, {transform_indices = #map1}, {transform_indices = #map1}, {transform_indices = #map1}, {transform_indices = #map1}, {transform_indices = #map1}, {transform_indices = #map1}, {transform_indices = #map1}]} {
    %mul3A = arith.constant 2 : i32
    %mul3A_0 = arith.muli %arg1, %mul3A : i32
    %add3A = arith.addi %mul3A_0, %arg0 : i32
    %mul3A_1 = arith.constant 32 : i32
    %mul3A_2 = arith.muli %add3A, %mul3A_1 : i32
    %iota3A = tpu.iota {dimensions = array<i32: 0>} : vector<16xi32>
    %scan3A = arith.constant 0 : i32
    %scan3A_3 = arith.constant 0 : i32
    %scan3A_4 = arith.constant 32 : i32
    %scan3A_5 = arith.addi %scan3A_3, %scan3A_4 : i32
    %scan3A_6 = arith.constant 1 : i32
    scf.for %scan3A_8 = %scan3A_3 to %scan3A_5 step %scan3A_6  : i32 {
      %add3A_9 = arith.addi %mul3A_2, %scan3A_8 : i32
      "tpu.region"() ({
        %run_scoped3A = tpu.sem_alloc : memref<!tpu.dma_semaphore, #tpu.memory_space<semaphore_mem>>
        %dma_start3A_26 = arith.constant 0 : i32
        %dma_start3A_27 = tpu.memref_slice %arg4[%add3A_9, %dma_start3A_26] : memref<1024x128xi32, #tpu.memory_space<hbm>> -> memref<1x128xi32, #tpu.memory_space<hbm>>
        %dma_start3A_28 = tpu.memref_squeeze %dma_start3A_27 : memref<1x128xi32, #tpu.memory_space<hbm>> -> memref<128xi32, #tpu.memory_space<hbm>>
        %dma_start3A_29 = arith.constant 0 : i32
        %dma_start3A_30 = tpu.memref_slice %arg4[%add3A_9, %dma_start3A_29] : memref<1024x128xi32, #tpu.memory_space<hbm>> -> memref<1x128xi32, #tpu.memory_space<hbm>>
        %dma_start3A_31 = tpu.memref_squeeze %dma_start3A_30 : memref<1x128xi32, #tpu.memory_space<hbm>> -> memref<128xi32, #tpu.memory_space<hbm>>
        tpu.enqueue_dma source(%dma_start3A_31 : memref<128xi32, #tpu.memory_space<hbm>>) target(%arg11 : memref<128xi32, #tpu.memory_space<vmem>>) target_semaphore(%run_scoped3A : memref<!tpu.dma_semaphore, #tpu.memory_space<semaphore_mem>>)
        %dma_wait3A_32 = arith.constant 0 : i32
        %dma_wait3A_33 = tpu.memref_slice %arg4[%add3A_9, %dma_wait3A_32] : memref<1024x128xi32, #tpu.memory_space<hbm>> -> memref<1x128xi32, #tpu.memory_space<hbm>>
        %dma_wait3A_34 = tpu.memref_squeeze %dma_wait3A_33 : memref<1x128xi32, #tpu.memory_space<hbm>> -> memref<128xi32, #tpu.memory_space<hbm>>
        %dma_wait3A_35 = arith.constant 0 : i32
        %dma_wait3A_36 = tpu.memref_slice %arg4[%add3A_9, %dma_wait3A_35] : memref<1024x128xi32, #tpu.memory_space<hbm>> -> memref<1x128xi32, #tpu.memory_space<hbm>>
        %dma_wait3A_37 = tpu.memref_squeeze %dma_wait3A_36 : memref<1x128xi32, #tpu.memory_space<hbm>> -> memref<128xi32, #tpu.memory_space<hbm>>
        tpu.wait_dma2 semaphore(%run_scoped3A : memref<!tpu.dma_semaphore, #tpu.memory_space<semaphore_mem>>) src(%dma_wait3A_37 : memref<128xi32, #tpu.memory_space<hbm>>) dst(%arg11 : memref<128xi32, #tpu.memory_space<vmem>>)
        tpu.yield
      }) : () -> ()
      "tpu.region"() ({
        %run_scoped3A = tpu.sem_alloc : memref<!tpu.dma_semaphore, #tpu.memory_space<semaphore_mem>>
        %dma_start3A_26 = arith.constant 0 : i32
        %dma_start3A_27 = tpu.memref_slice %arg5[%add3A_9, %dma_start3A_26] : memref<1024x128xi32, #tpu.memory_space<hbm>> -> memref<1x128xi32, #tpu.memory_space<hbm>>
        %dma_start3A_28 = tpu.memref_squeeze %dma_start3A_27 : memref<1x128xi32, #tpu.memory_space<hbm>> -> memref<128xi32, #tpu.memory_space<hbm>>
        %dma_start3A_29 = arith.constant 0 : i32
        %dma_start3A_30 = tpu.memref_slice %arg5[%add3A_9, %dma_start3A_29] : memref<1024x128xi32, #tpu.memory_space<hbm>> -> memref<1x128xi32, #tpu.memory_space<hbm>>
        %dma_start3A_31 = tpu.memref_squeeze %dma_start3A_30 : memref<1x128xi32, #tpu.memory_space<hbm>> -> memref<128xi32, #tpu.memory_space<hbm>>
        tpu.enqueue_dma source(%dma_start3A_31 : memref<128xi32, #tpu.memory_space<hbm>>) target(%arg12 : memref<128xi32, #tpu.memory_space<vmem>>) target_semaphore(%run_scoped3A : memref<!tpu.dma_semaphore, #tpu.memory_space<semaphore_mem>>)
        %dma_wait3A_32 = arith.constant 0 : i32
        %dma_wait3A_33 = tpu.memref_slice %arg5[%add3A_9, %dma_wait3A_32] : memref<1024x128xi32, #tpu.memory_space<hbm>> -> memref<1x128xi32, #tpu.memory_space<hbm>>
        %dma_wait3A_34 = tpu.memref_squeeze %dma_wait3A_33 : memref<1x128xi32, #tpu.memory_space<hbm>> -> memref<128xi32, #tpu.memory_space<hbm>>
        %dma_wait3A_35 = arith.constant 0 : i32
        %dma_wait3A_36 = tpu.memref_slice %arg5[%add3A_9, %dma_wait3A_35] : memref<1024x128xi32, #tpu.memory_space<hbm>> -> memref<1x128xi32, #tpu.memory_space<hbm>>
        %dma_wait3A_37 = tpu.memref_squeeze %dma_wait3A_36 : memref<1x128xi32, #tpu.memory_space<hbm>> -> memref<128xi32, #tpu.memory_space<hbm>>
        tpu.wait_dma2 semaphore(%run_scoped3A : memref<!tpu.dma_semaphore, #tpu.memory_space<semaphore_mem>>) src(%dma_wait3A_37 : memref<128xi32, #tpu.memory_space<hbm>>) dst(%arg12 : memref<128xi32, #tpu.memory_space<vmem>>)
        tpu.yield
      }) : () -> ()
      "tpu.region"() ({
        %run_scoped3A = tpu.sem_alloc : memref<!tpu.dma_semaphore, #tpu.memory_space<semaphore_mem>>
        %dma_start3A_26 = arith.constant 0 : i32
        %dma_start3A_27 = tpu.memref_slice %arg6[%add3A_9, %dma_start3A_26] : memref<1024x128xi32, #tpu.memory_space<hbm>> -> memref<1x128xi32, #tpu.memory_space<hbm>>
        %dma_start3A_28 = tpu.memref_squeeze %dma_start3A_27 : memref<1x128xi32, #tpu.memory_space<hbm>> -> memref<128xi32, #tpu.memory_space<hbm>>
        %dma_start3A_29 = arith.constant 0 : i32
        %dma_start3A_30 = tpu.memref_slice %arg6[%add3A_9, %dma_start3A_29] : memref<1024x128xi32, #tpu.memory_space<hbm>> -> memref<1x128xi32, #tpu.memory_space<hbm>>
        %dma_start3A_31 = tpu.memref_squeeze %dma_start3A_30 : memref<1x128xi32, #tpu.memory_space<hbm>> -> memref<128xi32, #tpu.memory_space<hbm>>
        tpu.enqueue_dma source(%dma_start3A_31 : memref<128xi32, #tpu.memory_space<hbm>>) target(%arg13 : memref<128xi32, #tpu.memory_space<vmem>>) target_semaphore(%run_scoped3A : memref<!tpu.dma_semaphore, #tpu.memory_space<semaphore_mem>>)
        %dma_wait3A_32 = arith.constant 0 : i32
        %dma_wait3A_33 = tpu.memref_slice %arg6[%add3A_9, %dma_wait3A_32] : memref<1024x128xi32, #tpu.memory_space<hbm>> -> memref<1x128xi32, #tpu.memory_space<hbm>>
        %dma_wait3A_34 = tpu.memref_squeeze %dma_wait3A_33 : memref<1x128xi32, #tpu.memory_space<hbm>> -> memref<128xi32, #tpu.memory_space<hbm>>
        %dma_wait3A_35 = arith.constant 0 : i32
        %dma_wait3A_36 = tpu.memref_slice %arg6[%add3A_9, %dma_wait3A_35] : memref<1024x128xi32, #tpu.memory_space<hbm>> -> memref<1x128xi32, #tpu.memory_space<hbm>>
        %dma_wait3A_37 = tpu.memref_squeeze %dma_wait3A_36 : memref<1x128xi32, #tpu.memory_space<hbm>> -> memref<128xi32, #tpu.memory_space<hbm>>
        tpu.wait_dma2 semaphore(%run_scoped3A : memref<!tpu.dma_semaphore, #tpu.memory_space<semaphore_mem>>) src(%dma_wait3A_37 : memref<128xi32, #tpu.memory_space<hbm>>) dst(%arg13 : memref<128xi32, #tpu.memory_space<vmem>>)
        tpu.yield
      }) : () -> ()
      "tpu.region"() ({
        %run_scoped3A = tpu.sem_alloc : memref<!tpu.dma_semaphore, #tpu.memory_space<semaphore_mem>>
        %dma_start3A_26 = arith.constant 0 : i32
        %dma_start3A_27 = tpu.memref_slice %arg7[%add3A_9, %dma_start3A_26] : memref<1024x128xi32, #tpu.memory_space<hbm>> -> memref<1x128xi32, #tpu.memory_space<hbm>>
        %dma_start3A_28 = tpu.memref_squeeze %dma_start3A_27 : memref<1x128xi32, #tpu.memory_space<hbm>> -> memref<128xi32, #tpu.memory_space<hbm>>
        %dma_start3A_29 = arith.constant 0 : i32
        %dma_start3A_30 = tpu.memref_slice %arg7[%add3A_9, %dma_start3A_29] : memref<1024x128xi32, #tpu.memory_space<hbm>> -> memref<1x128xi32, #tpu.memory_space<hbm>>
        %dma_start3A_31 = tpu.memref_squeeze %dma_start3A_30 : memref<1x128xi32, #tpu.memory_space<hbm>> -> memref<128xi32, #tpu.memory_space<hbm>>
        tpu.enqueue_dma source(%dma_start3A_31 : memref<128xi32, #tpu.memory_space<hbm>>) target(%arg14 : memref<128xi32, #tpu.memory_space<vmem>>) target_semaphore(%run_scoped3A : memref<!tpu.dma_semaphore, #tpu.memory_space<semaphore_mem>>)
        %dma_wait3A_32 = arith.constant 0 : i32
        %dma_wait3A_33 = tpu.memref_slice %arg7[%add3A_9, %dma_wait3A_32] : memref<1024x128xi32, #tpu.memory_space<hbm>> -> memref<1x128xi32, #tpu.memory_space<hbm>>
        %dma_wait3A_34 = tpu.memref_squeeze %dma_wait3A_33 : memref<1x128xi32, #tpu.memory_space<hbm>> -> memref<128xi32, #tpu.memory_space<hbm>>
        %dma_wait3A_35 = arith.constant 0 : i32
        %dma_wait3A_36 = tpu.memref_slice %arg7[%add3A_9, %dma_wait3A_35] : memref<1024x128xi32, #tpu.memory_space<hbm>> -> memref<1x128xi32, #tpu.memory_space<hbm>>
        %dma_wait3A_37 = tpu.memref_squeeze %dma_wait3A_36 : memref<1x128xi32, #tpu.memory_space<hbm>> -> memref<128xi32, #tpu.memory_space<hbm>>
        tpu.wait_dma2 semaphore(%run_scoped3A : memref<!tpu.dma_semaphore, #tpu.memory_space<semaphore_mem>>) src(%dma_wait3A_37 : memref<128xi32, #tpu.memory_space<hbm>>) dst(%arg14 : memref<128xi32, #tpu.memory_space<vmem>>)
        tpu.yield
      }) : () -> ()
      "tpu.region"() ({
        %run_scoped3A = tpu.sem_alloc : memref<!tpu.dma_semaphore, #tpu.memory_space<semaphore_mem>>
        %dma_start3A_26 = arith.constant 0 : i32
        %dma_start3A_27 = tpu.memref_slice %arg15[%dma_start3A_26] : memref<512xf32, #tpu.memory_space<vmem>> -> memref<128xf32, #tpu.memory_space<vmem>>
        %dma_start3A_28 = arith.constant 0 : i32
        %dma_start3A_29 = tpu.memref_slice %arg2[%dma_start3A_28] : memref<1048576xf32, #tpu.memory_space<hbm>> -> memref<1048576xf32, #tpu.memory_space<hbm>>
        tpu.enqueue_indirect_dma source(%dma_start3A_29 : memref<1048576xf32, #tpu.memory_space<hbm>>) target(%dma_start3A_27 : memref<128xf32, #tpu.memory_space<vmem>>) offsets(%arg11 : memref<128xi32, #tpu.memory_space<vmem>>) semaphore(%run_scoped3A : memref<!tpu.dma_semaphore, #tpu.memory_space<semaphore_mem>>)
        %dma_wait3A_30 = arith.constant 0 : i32
        %dma_wait3A_31 = tpu.memref_slice %arg15[%dma_wait3A_30] : memref<512xf32, #tpu.memory_space<vmem>> -> memref<128xf32, #tpu.memory_space<vmem>>
        %dma_wait3A_32 = arith.constant 0 : i32
        %dma_wait3A_33 = tpu.memref_slice %arg2[%dma_wait3A_32] : memref<1048576xf32, #tpu.memory_space<hbm>> -> memref<1048576xf32, #tpu.memory_space<hbm>>
        tpu.wait_indirect_dma semaphore(%run_scoped3A : memref<!tpu.dma_semaphore, #tpu.memory_space<semaphore_mem>>) src(%dma_wait3A_33 : memref<1048576xf32, #tpu.memory_space<hbm>>) dst(%dma_wait3A_31 : memref<128xf32, #tpu.memory_space<vmem>>)
        tpu.yield
      }) : () -> ()
      "tpu.region"() ({
        %run_scoped3A = tpu.sem_alloc : memref<!tpu.dma_semaphore, #tpu.memory_space<semaphore_mem>>
        %dma_start3A_26 = arith.constant 128 : i32
        %dma_start3A_27 = tpu.memref_slice %arg15[%dma_start3A_26] : memref<512xf32, #tpu.memory_space<vmem>> -> memref<128xf32, #tpu.memory_space<vmem>>
        %dma_start3A_28 = arith.constant 0 : i32
        %dma_start3A_29 = tpu.memref_slice %arg2[%dma_start3A_28] : memref<1048576xf32, #tpu.memory_space<hbm>> -> memref<1048576xf32, #tpu.memory_space<hbm>>
        tpu.enqueue_indirect_dma source(%dma_start3A_29 : memref<1048576xf32, #tpu.memory_space<hbm>>) target(%dma_start3A_27 : memref<128xf32, #tpu.memory_space<vmem>>) offsets(%arg12 : memref<128xi32, #tpu.memory_space<vmem>>) semaphore(%run_scoped3A : memref<!tpu.dma_semaphore, #tpu.memory_space<semaphore_mem>>)
        %dma_wait3A_30 = arith.constant 128 : i32
        %dma_wait3A_31 = tpu.memref_slice %arg15[%dma_wait3A_30] : memref<512xf32, #tpu.memory_space<vmem>> -> memref<128xf32, #tpu.memory_space<vmem>>
        %dma_wait3A_32 = arith.constant 0 : i32
        %dma_wait3A_33 = tpu.memref_slice %arg2[%dma_wait3A_32] : memref<1048576xf32, #tpu.memory_space<hbm>> -> memref<1048576xf32, #tpu.memory_space<hbm>>
        tpu.wait_indirect_dma semaphore(%run_scoped3A : memref<!tpu.dma_semaphore, #tpu.memory_space<semaphore_mem>>) src(%dma_wait3A_33 : memref<1048576xf32, #tpu.memory_space<hbm>>) dst(%dma_wait3A_31 : memref<128xf32, #tpu.memory_space<vmem>>)
        tpu.yield
      }) : () -> ()
      "tpu.region"() ({
        %run_scoped3A = tpu.sem_alloc : memref<!tpu.dma_semaphore, #tpu.memory_space<semaphore_mem>>
        %dma_start3A_26 = arith.constant 256 : i32
        %dma_start3A_27 = tpu.memref_slice %arg15[%dma_start3A_26] : memref<512xf32, #tpu.memory_space<vmem>> -> memref<128xf32, #tpu.memory_space<vmem>>
        %dma_start3A_28 = arith.constant 0 : i32
        %dma_start3A_29 = tpu.memref_slice %arg2[%dma_start3A_28] : memref<1048576xf32, #tpu.memory_space<hbm>> -> memref<1048576xf32, #tpu.memory_space<hbm>>
        tpu.enqueue_indirect_dma source(%dma_start3A_29 : memref<1048576xf32, #tpu.memory_space<hbm>>) target(%dma_start3A_27 : memref<128xf32, #tpu.memory_space<vmem>>) offsets(%arg13 : memref<128xi32, #tpu.memory_space<vmem>>) semaphore(%run_scoped3A : memref<!tpu.dma_semaphore, #tpu.memory_space<semaphore_mem>>)
        %dma_wait3A_30 = arith.constant 256 : i32
        %dma_wait3A_31 = tpu.memref_slice %arg15[%dma_wait3A_30] : memref<512xf32, #tpu.memory_space<vmem>> -> memref<128xf32, #tpu.memory_space<vmem>>
        %dma_wait3A_32 = arith.constant 0 : i32
        %dma_wait3A_33 = tpu.memref_slice %arg2[%dma_wait3A_32] : memref<1048576xf32, #tpu.memory_space<hbm>> -> memref<1048576xf32, #tpu.memory_space<hbm>>
        tpu.wait_indirect_dma semaphore(%run_scoped3A : memref<!tpu.dma_semaphore, #tpu.memory_space<semaphore_mem>>) src(%dma_wait3A_33 : memref<1048576xf32, #tpu.memory_space<hbm>>) dst(%dma_wait3A_31 : memref<128xf32, #tpu.memory_space<vmem>>)
        tpu.yield
      }) : () -> ()
      "tpu.region"() ({
        %run_scoped3A = tpu.sem_alloc : memref<!tpu.dma_semaphore, #tpu.memory_space<semaphore_mem>>
        %dma_start3A_26 = arith.constant 384 : i32
        %dma_start3A_27 = tpu.memref_slice %arg15[%dma_start3A_26] : memref<512xf32, #tpu.memory_space<vmem>> -> memref<128xf32, #tpu.memory_space<vmem>>
        %dma_start3A_28 = arith.constant 0 : i32
        %dma_start3A_29 = tpu.memref_slice %arg2[%dma_start3A_28] : memref<1048576xf32, #tpu.memory_space<hbm>> -> memref<1048576xf32, #tpu.memory_space<hbm>>
        tpu.enqueue_indirect_dma source(%dma_start3A_29 : memref<1048576xf32, #tpu.memory_space<hbm>>) target(%dma_start3A_27 : memref<128xf32, #tpu.memory_space<vmem>>) offsets(%arg14 : memref<128xi32, #tpu.memory_space<vmem>>) semaphore(%run_scoped3A : memref<!tpu.dma_semaphore, #tpu.memory_space<semaphore_mem>>)
        %dma_wait3A_30 = arith.constant 384 : i32
        %dma_wait3A_31 = tpu.memref_slice %arg15[%dma_wait3A_30] : memref<512xf32, #tpu.memory_space<vmem>> -> memref<128xf32, #tpu.memory_space<vmem>>
        %dma_wait3A_32 = arith.constant 0 : i32
        %dma_wait3A_33 = tpu.memref_slice %arg2[%dma_wait3A_32] : memref<1048576xf32, #tpu.memory_space<hbm>> -> memref<1048576xf32, #tpu.memory_space<hbm>>
        tpu.wait_indirect_dma semaphore(%run_scoped3A : memref<!tpu.dma_semaphore, #tpu.memory_space<semaphore_mem>>) src(%dma_wait3A_33 : memref<1048576xf32, #tpu.memory_space<hbm>>) dst(%dma_wait3A_31 : memref<128xf32, #tpu.memory_space<vmem>>)
        tpu.yield
      }) : () -> ()
      "tpu.region"() ({
        %run_scoped3A = tpu.sem_alloc : memref<!tpu.dma_semaphore, #tpu.memory_space<semaphore_mem>>
        %dma_start3A_26 = arith.constant 0 : i32
        %dma_start3A_27 = tpu.memref_slice %arg3[%dma_start3A_26] : memref<1048576xi32, #tpu.memory_space<hbm>> -> memref<1048576xi32, #tpu.memory_space<hbm>>
        tpu.enqueue_indirect_dma source(%dma_start3A_27 : memref<1048576xi32, #tpu.memory_space<hbm>>) target(%arg16 : memref<128xi32, #tpu.memory_space<vmem>>) offsets(%arg13 : memref<128xi32, #tpu.memory_space<vmem>>) semaphore(%run_scoped3A : memref<!tpu.dma_semaphore, #tpu.memory_space<semaphore_mem>>)
        %dma_wait3A_28 = arith.constant 0 : i32
        %dma_wait3A_29 = tpu.memref_slice %arg3[%dma_wait3A_28] : memref<1048576xi32, #tpu.memory_space<hbm>> -> memref<1048576xi32, #tpu.memory_space<hbm>>
        tpu.wait_indirect_dma semaphore(%run_scoped3A : memref<!tpu.dma_semaphore, #tpu.memory_space<semaphore_mem>>) src(%dma_wait3A_29 : memref<1048576xi32, #tpu.memory_space<hbm>>) dst(%arg16 : memref<128xi32, #tpu.memory_space<vmem>>)
        tpu.yield
      }) : () -> ()
      "tpu.region"() ({
        %run_scoped3A = tpu.sem_alloc : memref<!tpu.dma_semaphore, #tpu.memory_space<semaphore_mem>>
        %dma_start3A_26 = arith.constant 0 : i32
        %dma_start3A_27 = tpu.memref_slice %arg3[%dma_start3A_26] : memref<1048576xi32, #tpu.memory_space<hbm>> -> memref<1048576xi32, #tpu.memory_space<hbm>>
        tpu.enqueue_indirect_dma source(%dma_start3A_27 : memref<1048576xi32, #tpu.memory_space<hbm>>) target(%arg17 : memref<128xi32, #tpu.memory_space<vmem>>) offsets(%arg14 : memref<128xi32, #tpu.memory_space<vmem>>) semaphore(%run_scoped3A : memref<!tpu.dma_semaphore, #tpu.memory_space<semaphore_mem>>)
        %dma_wait3A_28 = arith.constant 0 : i32
        %dma_wait3A_29 = tpu.memref_slice %arg3[%dma_wait3A_28] : memref<1048576xi32, #tpu.memory_space<hbm>> -> memref<1048576xi32, #tpu.memory_space<hbm>>
        tpu.wait_indirect_dma semaphore(%run_scoped3A : memref<!tpu.dma_semaphore, #tpu.memory_space<semaphore_mem>>) src(%dma_wait3A_29 : memref<1048576xi32, #tpu.memory_space<hbm>>) dst(%arg17 : memref<128xi32, #tpu.memory_space<vmem>>)
        tpu.yield
      }) : () -> ()
      %dma_start3A = arith.constant 0 : i32
      %dma_start3A_10 = arith.constant 0 : i32
      %dma_start3A_11 = tpu.memref_slice %arg8[%dma_start3A, %dma_start3A_10] : memref<65536x256xf32, #tpu.memory_space<hbm>> -> memref<65536x256xf32, #tpu.memory_space<hbm>>
      tpu.enqueue_indirect_dma source(%dma_start3A_11 : memref<65536x256xf32, #tpu.memory_space<hbm>>) target(%arg18 : memref<128x256xf32, #tpu.memory_space<vmem>>) offsets(%arg16 : memref<128xi32, #tpu.memory_space<vmem>>) semaphore(%arg21 : memref<!tpu.dma_semaphore, #tpu.memory_space<semaphore_mem>>)
      %dma_wait3A = arith.constant 0 : i32
      %dma_wait3A_12 = arith.constant 0 : i32
      %dma_wait3A_13 = tpu.memref_slice %arg8[%dma_wait3A, %dma_wait3A_12] : memref<65536x256xf32, #tpu.memory_space<hbm>> -> memref<65536x256xf32, #tpu.memory_space<hbm>>
      tpu.wait_indirect_dma semaphore(%arg21 : memref<!tpu.dma_semaphore, #tpu.memory_space<semaphore_mem>>) src(%dma_wait3A_13 : memref<65536x256xf32, #tpu.memory_space<hbm>>) dst(%arg18 : memref<128x256xf32, #tpu.memory_space<vmem>>)
      %dma_start3A_14 = arith.constant 0 : i32
      %dma_start3A_15 = arith.constant 0 : i32
      %dma_start3A_16 = tpu.memref_slice %arg8[%dma_start3A_14, %dma_start3A_15] : memref<65536x256xf32, #tpu.memory_space<hbm>> -> memref<65536x256xf32, #tpu.memory_space<hbm>>
      tpu.enqueue_indirect_dma source(%dma_start3A_16 : memref<65536x256xf32, #tpu.memory_space<hbm>>) target(%arg19 : memref<128x256xf32, #tpu.memory_space<vmem>>) offsets(%arg17 : memref<128xi32, #tpu.memory_space<vmem>>) semaphore(%arg21 : memref<!tpu.dma_semaphore, #tpu.memory_space<semaphore_mem>>)
      %dma_wait3A_17 = arith.constant 0 : i32
      %dma_wait3A_18 = arith.constant 0 : i32
      %dma_wait3A_19 = tpu.memref_slice %arg8[%dma_wait3A_17, %dma_wait3A_18] : memref<65536x256xf32, #tpu.memory_space<hbm>> -> memref<65536x256xf32, #tpu.memory_space<hbm>>
      tpu.wait_indirect_dma semaphore(%arg21 : memref<!tpu.dma_semaphore, #tpu.memory_space<semaphore_mem>>) src(%dma_wait3A_19 : memref<65536x256xf32, #tpu.memory_space<hbm>>) dst(%arg19 : memref<128x256xf32, #tpu.memory_space<vmem>>)
      %scan3A_20 = arith.constant 0 : i32
      %scan3A_21 = arith.constant 0 : i32
      %scan3A_22 = arith.constant 128 : i32
      %scan3A_23 = arith.addi %scan3A_21, %scan3A_22 : i32
      %scan3A_24 = arith.constant 1 : i32
      scf.for %scan3A_26 = %scan3A_21 to %scan3A_23 step %scan3A_24  : i32 {
        %broadcast_in_dim3A = arith.constant 0.000000e+00 : f32
        %broadcast_in_dim3A_27 = vector.broadcast %broadcast_in_dim3A : f32 to vector<16xf32>
        %get3A = arith.index_cast %scan3A_26 : i32 to index
        %get3A_28 = arith.constant 0 : index
        %get3A_29 = tpu.vector_load %arg18[%get3A, %get3A_28] {strides = array<i32>} : memref<128x256xf32, #tpu.memory_space<vmem>>, vector<1x16xf32>,
        %get3A_30 = vector.shape_cast %get3A_29 : vector<1x16xf32> to vector<16xf32>
        %get3A_31 = arith.index_cast %scan3A_26 : i32 to index
        %get3A_32 = arith.constant 0 : index
        %get3A_33 = tpu.vector_load %arg19[%get3A_31, %get3A_32] {strides = array<i32>} : memref<128x256xf32, #tpu.memory_space<vmem>>, vector<1x16xf32>,
        %get3A_34 = vector.shape_cast %get3A_33 : vector<1x16xf32> to vector<16xf32>
        %mul3A_35 = arith.mulf %get3A_30, %get3A_34 : vector<16xf32>
        %add3A_36 = arith.addf %broadcast_in_dim3A_27, %mul3A_35 : vector<16xf32>
        %get3A_37 = arith.index_cast %scan3A_26 : i32 to index
        %get3A_38 = arith.constant 16 : index
        %get3A_39 = tpu.vector_load %arg18[%get3A_37, %get3A_38] {strides = array<i32>} : memref<128x256xf32, #tpu.memory_space<vmem>>, vector<1x16xf32>,
        %get3A_40 = vector.shape_cast %get3A_39 : vector<1x16xf32> to vector<16xf32>
        %get3A_41 = arith.index_cast %scan3A_26 : i32 to index
        %get3A_42 = arith.constant 16 : index
        %get3A_43 = tpu.vector_load %arg19[%get3A_41, %get3A_42] {strides = array<i32>} : memref<128x256xf32, #tpu.memory_space<vmem>>, vector<1x16xf32>,
        %get3A_44 = vector.shape_cast %get3A_43 : vector<1x16xf32> to vector<16xf32>
        %mul3A_45 = arith.mulf %get3A_40, %get3A_44 : vector<16xf32>
        %add3A_46 = arith.addf %add3A_36, %mul3A_45 : vector<16xf32>
        %get3A_47 = arith.index_cast %scan3A_26 : i32 to index
        %get3A_48 = arith.constant 32 : index
        %get3A_49 = tpu.vector_load %arg18[%get3A_47, %get3A_48] {strides = array<i32>} : memref<128x256xf32, #tpu.memory_space<vmem>>, vector<1x16xf32>,
        %get3A_50 = vector.shape_cast %get3A_49 : vector<1x16xf32> to vector<16xf32>
        %get3A_51 = arith.index_cast %scan3A_26 : i32 to index
        %get3A_52 = arith.constant 32 : index
        %get3A_53 = tpu.vector_load %arg19[%get3A_51, %get3A_52] {strides = array<i32>} : memref<128x256xf32, #tpu.memory_space<vmem>>, vector<1x16xf32>,
        %get3A_54 = vector.shape_cast %get3A_53 : vector<1x16xf32> to vector<16xf32>
        %mul3A_55 = arith.mulf %get3A_50, %get3A_54 : vector<16xf32>
        %add3A_56 = arith.addf %add3A_46, %mul3A_55 : vector<16xf32>
        %get3A_57 = arith.index_cast %scan3A_26 : i32 to index
        %get3A_58 = arith.constant 48 : index
        %get3A_59 = tpu.vector_load %arg18[%get3A_57, %get3A_58] {strides = array<i32>} : memref<128x256xf32, #tpu.memory_space<vmem>>, vector<1x16xf32>,
        %get3A_60 = vector.shape_cast %get3A_59 : vector<1x16xf32> to vector<16xf32>
        %get3A_61 = arith.index_cast %scan3A_26 : i32 to index
        %get3A_62 = arith.constant 48 : index
        %get3A_63 = tpu.vector_load %arg19[%get3A_61, %get3A_62] {strides = array<i32>} : memref<128x256xf32, #tpu.memory_space<vmem>>, vector<1x16xf32>,
        %get3A_64 = vector.shape_cast %get3A_63 : vector<1x16xf32> to vector<16xf32>
        %mul3A_65 = arith.mulf %get3A_60, %get3A_64 : vector<16xf32>
        %add3A_66 = arith.addf %add3A_56, %mul3A_65 : vector<16xf32>
        %get3A_67 = arith.index_cast %scan3A_26 : i32 to index
        %get3A_68 = arith.constant 64 : index
        %get3A_69 = tpu.vector_load %arg18[%get3A_67, %get3A_68] {strides = array<i32>} : memref<128x256xf32, #tpu.memory_space<vmem>>, vector<1x16xf32>,
        %get3A_70 = vector.shape_cast %get3A_69 : vector<1x16xf32> to vector<16xf32>
        %get3A_71 = arith.index_cast %scan3A_26 : i32 to index
        %get3A_72 = arith.constant 64 : index
        %get3A_73 = tpu.vector_load %arg19[%get3A_71, %get3A_72] {strides = array<i32>} : memref<128x256xf32, #tpu.memory_space<vmem>>, vector<1x16xf32>,
        %get3A_74 = vector.shape_cast %get3A_73 : vector<1x16xf32> to vector<16xf32>
        %mul3A_75 = arith.mulf %get3A_70, %get3A_74 : vector<16xf32>
        %add3A_76 = arith.addf %add3A_66, %mul3A_75 : vector<16xf32>
        %get3A_77 = arith.index_cast %scan3A_26 : i32 to index
        %get3A_78 = arith.constant 80 : index
        %get3A_79 = tpu.vector_load %arg18[%get3A_77, %get3A_78] {strides = array<i32>} : memref<128x256xf32, #tpu.memory_space<vmem>>, vector<1x16xf32>,
        %get3A_80 = vector.shape_cast %get3A_79 : vector<1x16xf32> to vector<16xf32>
        %get3A_81 = arith.index_cast %scan3A_26 : i32 to index
        %get3A_82 = arith.constant 80 : index
        %get3A_83 = tpu.vector_load %arg19[%get3A_81, %get3A_82] {strides = array<i32>} : memref<128x256xf32, #tpu.memory_space<vmem>>, vector<1x16xf32>,
        %get3A_84 = vector.shape_cast %get3A_83 : vector<1x16xf32> to vector<16xf32>
        %mul3A_85 = arith.mulf %get3A_80, %get3A_84 : vector<16xf32>
        %add3A_86 = arith.addf %add3A_76, %mul3A_85 : vector<16xf32>
        %get3A_87 = arith.index_cast %scan3A_26 : i32 to index
        %get3A_88 = arith.constant 96 : index
        %get3A_89 = tpu.vector_load %arg18[%get3A_87, %get3A_88] {strides = array<i32>} : memref<128x256xf32, #tpu.memory_space<vmem>>, vector<1x16xf32>,
        %get3A_90 = vector.shape_cast %get3A_89 : vector<1x16xf32> to vector<16xf32>
        %get3A_91 = arith.index_cast %scan3A_26 : i32 to index
        %get3A_92 = arith.constant 96 : index
        %get3A_93 = tpu.vector_load %arg19[%get3A_91, %get3A_92] {strides = array<i32>} : memref<128x256xf32, #tpu.memory_space<vmem>>, vector<1x16xf32>,
        %get3A_94 = vector.shape_cast %get3A_93 : vector<1x16xf32> to vector<16xf32>
        %mul3A_95 = arith.mulf %get3A_90, %get3A_94 : vector<16xf32>
        %add3A_96 = arith.addf %add3A_86, %mul3A_95 : vector<16xf32>
        %get3A_97 = arith.index_cast %scan3A_26 : i32 to index
        %get3A_98 = arith.constant 112 : index
        %get3A_99 = tpu.vector_load %arg18[%get3A_97, %get3A_98] {strides = array<i32>} : memref<128x256xf32, #tpu.memory_space<vmem>>, vector<1x16xf32>,
        %get3A_100 = vector.shape_cast %get3A_99 : vector<1x16xf32> to vector<16xf32>
        %get3A_101 = arith.index_cast %scan3A_26 : i32 to index
        %get3A_102 = arith.constant 112 : index
        %get3A_103 = tpu.vector_load %arg19[%get3A_101, %get3A_102] {strides = array<i32>} : memref<128x256xf32, #tpu.memory_space<vmem>>, vector<1x16xf32>,
        %get3A_104 = vector.shape_cast %get3A_103 : vector<1x16xf32> to vector<16xf32>
        %mul3A_105 = arith.mulf %get3A_100, %get3A_104 : vector<16xf32>
        %add3A_106 = arith.addf %add3A_96, %mul3A_105 : vector<16xf32>
        %get3A_107 = arith.index_cast %scan3A_26 : i32 to index
        %get3A_108 = arith.constant 128 : index
        %get3A_109 = tpu.vector_load %arg18[%get3A_107, %get3A_108] {strides = array<i32>} : memref<128x256xf32, #tpu.memory_space<vmem>>, vector<1x16xf32>,
        %get3A_110 = vector.shape_cast %get3A_109 : vector<1x16xf32> to vector<16xf32>
        %get3A_111 = arith.index_cast %scan3A_26 : i32 to index
        %get3A_112 = arith.constant 128 : index
        %get3A_113 = tpu.vector_load %arg19[%get3A_111, %get3A_112] {strides = array<i32>} : memref<128x256xf32, #tpu.memory_space<vmem>>, vector<1x16xf32>,
        %get3A_114 = vector.shape_cast %get3A_113 : vector<1x16xf32> to vector<16xf32>
        %mul3A_115 = arith.mulf %get3A_110, %get3A_114 : vector<16xf32>
        %add3A_116 = arith.addf %add3A_106, %mul3A_115 : vector<16xf32>
        %get3A_117 = arith.index_cast %scan3A_26 : i32 to index
        %get3A_118 = arith.constant 144 : index
        %get3A_119 = tpu.vector_load %arg18[%get3A_117, %get3A_118] {strides = array<i32>} : memref<128x256xf32, #tpu.memory_space<vmem>>, vector<1x16xf32>,
        %get3A_120 = vector.shape_cast %get3A_119 : vector<1x16xf32> to vector<16xf32>
        %get3A_121 = arith.index_cast %scan3A_26 : i32 to index
        %get3A_122 = arith.constant 144 : index
        %get3A_123 = tpu.vector_load %arg19[%get3A_121, %get3A_122] {strides = array<i32>} : memref<128x256xf32, #tpu.memory_space<vmem>>, vector<1x16xf32>,
        %get3A_124 = vector.shape_cast %get3A_123 : vector<1x16xf32> to vector<16xf32>
        %mul3A_125 = arith.mulf %get3A_120, %get3A_124 : vector<16xf32>
        %add3A_126 = arith.addf %add3A_116, %mul3A_125 : vector<16xf32>
        %get3A_127 = arith.index_cast %scan3A_26 : i32 to index
        %get3A_128 = arith.constant 160 : index
        %get3A_129 = tpu.vector_load %arg18[%get3A_127, %get3A_128] {strides = array<i32>} : memref<128x256xf32, #tpu.memory_space<vmem>>, vector<1x16xf32>,
        %get3A_130 = vector.shape_cast %get3A_129 : vector<1x16xf32> to vector<16xf32>
        %get3A_131 = arith.index_cast %scan3A_26 : i32 to index
        %get3A_132 = arith.constant 160 : index
        %get3A_133 = tpu.vector_load %arg19[%get3A_131, %get3A_132] {strides = array<i32>} : memref<128x256xf32, #tpu.memory_space<vmem>>, vector<1x16xf32>,
        %get3A_134 = vector.shape_cast %get3A_133 : vector<1x16xf32> to vector<16xf32>
        %mul3A_135 = arith.mulf %get3A_130, %get3A_134 : vector<16xf32>
        %add3A_136 = arith.addf %add3A_126, %mul3A_135 : vector<16xf32>
        %get3A_137 = arith.index_cast %scan3A_26 : i32 to index
        %get3A_138 = arith.constant 176 : index
        %get3A_139 = tpu.vector_load %arg18[%get3A_137, %get3A_138] {strides = array<i32>} : memref<128x256xf32, #tpu.memory_space<vmem>>, vector<1x16xf32>,
        %get3A_140 = vector.shape_cast %get3A_139 : vector<1x16xf32> to vector<16xf32>
        %get3A_141 = arith.index_cast %scan3A_26 : i32 to index
        %get3A_142 = arith.constant 176 : index
        %get3A_143 = tpu.vector_load %arg19[%get3A_141, %get3A_142] {strides = array<i32>} : memref<128x256xf32, #tpu.memory_space<vmem>>, vector<1x16xf32>,
        %get3A_144 = vector.shape_cast %get3A_143 : vector<1x16xf32> to vector<16xf32>
        %mul3A_145 = arith.mulf %get3A_140, %get3A_144 : vector<16xf32>
        %add3A_146 = arith.addf %add3A_136, %mul3A_145 : vector<16xf32>
        %get3A_147 = arith.index_cast %scan3A_26 : i32 to index
        %get3A_148 = arith.constant 192 : index
        %get3A_149 = tpu.vector_load %arg18[%get3A_147, %get3A_148] {strides = array<i32>} : memref<128x256xf32, #tpu.memory_space<vmem>>, vector<1x16xf32>,
        %get3A_150 = vector.shape_cast %get3A_149 : vector<1x16xf32> to vector<16xf32>
        %get3A_151 = arith.index_cast %scan3A_26 : i32 to index
        %get3A_152 = arith.constant 192 : index
        %get3A_153 = tpu.vector_load %arg19[%get3A_151, %get3A_152] {strides = array<i32>} : memref<128x256xf32, #tpu.memory_space<vmem>>, vector<1x16xf32>,
        %get3A_154 = vector.shape_cast %get3A_153 : vector<1x16xf32> to vector<16xf32>
        %mul3A_155 = arith.mulf %get3A_150, %get3A_154 : vector<16xf32>
        %add3A_156 = arith.addf %add3A_146, %mul3A_155 : vector<16xf32>
        %get3A_157 = arith.index_cast %scan3A_26 : i32 to index
        %get3A_158 = arith.constant 208 : index
        %get3A_159 = tpu.vector_load %arg18[%get3A_157, %get3A_158] {strides = array<i32>} : memref<128x256xf32, #tpu.memory_space<vmem>>, vector<1x16xf32>,
        %get3A_160 = vector.shape_cast %get3A_159 : vector<1x16xf32> to vector<16xf32>
        %get3A_161 = arith.index_cast %scan3A_26 : i32 to index
        %get3A_162 = arith.constant 208 : index
        %get3A_163 = tpu.vector_load %arg19[%get3A_161, %get3A_162] {strides = array<i32>} : memref<128x256xf32, #tpu.memory_space<vmem>>, vector<1x16xf32>,
        %get3A_164 = vector.shape_cast %get3A_163 : vector<1x16xf32> to vector<16xf32>
        %mul3A_165 = arith.mulf %get3A_160, %get3A_164 : vector<16xf32>
        %add3A_166 = arith.addf %add3A_156, %mul3A_165 : vector<16xf32>
        %get3A_167 = arith.index_cast %scan3A_26 : i32 to index
        %get3A_168 = arith.constant 224 : index
        %get3A_169 = tpu.vector_load %arg18[%get3A_167, %get3A_168] {strides = array<i32>} : memref<128x256xf32, #tpu.memory_space<vmem>>, vector<1x16xf32>,
        %get3A_170 = vector.shape_cast %get3A_169 : vector<1x16xf32> to vector<16xf32>
        %get3A_171 = arith.index_cast %scan3A_26 : i32 to index
        %get3A_172 = arith.constant 224 : index
        %get3A_173 = tpu.vector_load %arg19[%get3A_171, %get3A_172] {strides = array<i32>} : memref<128x256xf32, #tpu.memory_space<vmem>>, vector<1x16xf32>,
        %get3A_174 = vector.shape_cast %get3A_173 : vector<1x16xf32> to vector<16xf32>
        %mul3A_175 = arith.mulf %get3A_170, %get3A_174 : vector<16xf32>
        %add3A_176 = arith.addf %add3A_166, %mul3A_175 : vector<16xf32>
        %get3A_177 = arith.index_cast %scan3A_26 : i32 to index
        %get3A_178 = arith.constant 240 : index
        %get3A_179 = tpu.vector_load %arg18[%get3A_177, %get3A_178] {strides = array<i32>} : memref<128x256xf32, #tpu.memory_space<vmem>>, vector<1x16xf32>,
        %get3A_180 = vector.shape_cast %get3A_179 : vector<1x16xf32> to vector<16xf32>
        %get3A_181 = arith.index_cast %scan3A_26 : i32 to index
        %get3A_182 = arith.constant 240 : index
        %get3A_183 = tpu.vector_load %arg19[%get3A_181, %get3A_182] {strides = array<i32>} : memref<128x256xf32, #tpu.memory_space<vmem>>, vector<1x16xf32>,
        %get3A_184 = vector.shape_cast %get3A_183 : vector<1x16xf32> to vector<16xf32>
        %mul3A_185 = arith.mulf %get3A_180, %get3A_184 : vector<16xf32>
        %add3A_186 = arith.addf %add3A_176, %mul3A_185 : vector<16xf32>
        %xor3A = arith.constant 1 : i32
        %xor3A_187 = vector.broadcast %xor3A : i32 to vector<16xi32>
        %xor3A_188 = arith.xori %iota3A, %xor3A_187 : vector<16xi32>
        %lt3A = arith.constant 0 : i32
        %lt3A_189 = vector.broadcast %lt3A : i32 to vector<16xi32>
        %lt3A_190 = arith.cmpi slt, %xor3A_188, %lt3A_189 : vector<16xi32>
        %add3A_191 = arith.constant 16 : i32
        %add3A_192 = vector.broadcast %add3A_191 : i32 to vector<16xi32>
        %add3A_193 = arith.addi %xor3A_188, %add3A_192 : vector<16xi32>
        %select_n3A = arith.select %lt3A_190, %add3A_193, %xor3A_188 : vector<16xi1>, vector<16xi32>
        %broadcast_in_dim3A_194 = vector.shape_cast %select_n3A : vector<16xi32> to vector<16x1xi32>
        %gather3A = vector.shape_cast %broadcast_in_dim3A_194 : vector<16x1xi32> to vector<16xi32>
        %gather3A_195 = tpu.dynamic_gather %add3A_186[%gather3A] in [0] : vector<16xf32>, vector<16xi32> -> vector<16xf32>
        %add3A_196 = arith.addf %add3A_186, %gather3A_195 : vector<16xf32>
        %xor3A_197 = arith.constant 2 : i32
        %xor3A_198 = vector.broadcast %xor3A_197 : i32 to vector<16xi32>
        %xor3A_199 = arith.xori %iota3A, %xor3A_198 : vector<16xi32>
        %lt3A_200 = arith.constant 0 : i32
        %lt3A_201 = vector.broadcast %lt3A_200 : i32 to vector<16xi32>
        %lt3A_202 = arith.cmpi slt, %xor3A_199, %lt3A_201 : vector<16xi32>
        %add3A_203 = arith.constant 16 : i32
        %add3A_204 = vector.broadcast %add3A_203 : i32 to vector<16xi32>
        %add3A_205 = arith.addi %xor3A_199, %add3A_204 : vector<16xi32>
        %select_n3A_206 = arith.select %lt3A_202, %add3A_205, %xor3A_199 : vector<16xi1>, vector<16xi32>
        %broadcast_in_dim3A_207 = vector.shape_cast %select_n3A_206 : vector<16xi32> to vector<16x1xi32>
        %gather3A_208 = vector.shape_cast %broadcast_in_dim3A_207 : vector<16x1xi32> to vector<16xi32>
        %gather3A_209 = tpu.dynamic_gather %add3A_196[%gather3A_208] in [0] : vector<16xf32>, vector<16xi32> -> vector<16xf32>
        %add3A_210 = arith.addf %add3A_196, %gather3A_209 : vector<16xf32>
        %xor3A_211 = arith.constant 4 : i32
        %xor3A_212 = vector.broadcast %xor3A_211 : i32 to vector<16xi32>
        %xor3A_213 = arith.xori %iota3A, %xor3A_212 : vector<16xi32>
        %lt3A_214 = arith.constant 0 : i32
        %lt3A_215 = vector.broadcast %lt3A_214 : i32 to vector<16xi32>
        %lt3A_216 = arith.cmpi slt, %xor3A_213, %lt3A_215 : vector<16xi32>
        %add3A_217 = arith.constant 16 : i32
        %add3A_218 = vector.broadcast %add3A_217 : i32 to vector<16xi32>
        %add3A_219 = arith.addi %xor3A_213, %add3A_218 : vector<16xi32>
        %select_n3A_220 = arith.select %lt3A_216, %add3A_219, %xor3A_213 : vector<16xi1>, vector<16xi32>
        %broadcast_in_dim3A_221 = vector.shape_cast %select_n3A_220 : vector<16xi32> to vector<16x1xi32>
        %gather3A_222 = vector.shape_cast %broadcast_in_dim3A_221 : vector<16x1xi32> to vector<16xi32>
        %gather3A_223 = tpu.dynamic_gather %add3A_210[%gather3A_222] in [0] : vector<16xf32>, vector<16xi32> -> vector<16xf32>
        %add3A_224 = arith.addf %add3A_210, %gather3A_223 : vector<16xf32>
        %xor3A_225 = arith.constant 8 : i32
        %xor3A_226 = vector.broadcast %xor3A_225 : i32 to vector<16xi32>
        %xor3A_227 = arith.xori %iota3A, %xor3A_226 : vector<16xi32>
        %lt3A_228 = arith.constant 0 : i32
        %lt3A_229 = vector.broadcast %lt3A_228 : i32 to vector<16xi32>
        %lt3A_230 = arith.cmpi slt, %xor3A_227, %lt3A_229 : vector<16xi32>
        %add3A_231 = arith.constant 16 : i32
        %add3A_232 = vector.broadcast %add3A_231 : i32 to vector<16xi32>
        %add3A_233 = arith.addi %xor3A_227, %add3A_232 : vector<16xi32>
        %select_n3A_234 = arith.select %lt3A_230, %add3A_233, %xor3A_227 : vector<16xi1>, vector<16xi32>
        %broadcast_in_dim3A_235 = vector.shape_cast %select_n3A_234 : vector<16xi32> to vector<16x1xi32>
        %gather3A_236 = vector.shape_cast %broadcast_in_dim3A_235 : vector<16x1xi32> to vector<16xi32>
        %gather3A_237 = tpu.dynamic_gather %add3A_224[%gather3A_236] in [0] : vector<16xf32>, vector<16xi32> -> vector<16xf32>
        %add3A_238 = arith.addf %add3A_224, %gather3A_237 : vector<16xf32>
        %mul3A_239 = arith.constant 16 : i32
        %mul3A_240 = arith.muli %scan3A_26, %mul3A_239 : i32
        %multiple_of3A = tpu.assume_multiple %mul3A_240, 16 : i32
        %swap3A = arith.index_cast %multiple_of3A : i32 to index
        %swap3A_241 = tpu.vector_load %arg20[%swap3A] {strides = array<i32>} : memref<2048xf32, #tpu.memory_space<vmem>>, vector<16xf32>,
        %swap3A_242 = vector.shape_cast %swap3A_241 : vector<16xf32> to vector<16xf32>
        %swap3A_243 = vector.shape_cast %add3A_238 : vector<16xf32> to vector<16xf32>
        tpu.vector_store %arg20[%swap3A], %swap3A_243 {strides = array<i32>} : memref<2048xf32, #tpu.memory_space<vmem>>, vector<16xf32>,
      }
      %scan3A_25 = arith.constant 128 : i32
      "tpu.region"() ({
        %run_scoped3A = tpu.sem_alloc : memref<!tpu.dma_semaphore, #tpu.memory_space<semaphore_mem>>
        %dma_start3A_26 = arith.constant 0 : i32
        %dma_start3A_27 = tpu.memref_slice %arg9[%add3A_9, %dma_start3A_26] : memref<1024x512xf32, #tpu.memory_space<hbm>> -> memref<1x512xf32, #tpu.memory_space<hbm>>
        %dma_start3A_28 = tpu.memref_squeeze %dma_start3A_27 : memref<1x512xf32, #tpu.memory_space<hbm>> -> memref<512xf32, #tpu.memory_space<hbm>>
        %dma_start3A_29 = arith.constant 0 : i32
        %dma_start3A_30 = tpu.memref_slice %arg9[%add3A_9, %dma_start3A_29] : memref<1024x512xf32, #tpu.memory_space<hbm>> -> memref<1x512xf32, #tpu.memory_space<hbm>>
        %dma_start3A_31 = tpu.memref_squeeze %dma_start3A_30 : memref<1x512xf32, #tpu.memory_space<hbm>> -> memref<512xf32, #tpu.memory_space<hbm>>
        tpu.enqueue_dma source(%arg15 : memref<512xf32, #tpu.memory_space<vmem>>) target(%dma_start3A_31 : memref<512xf32, #tpu.memory_space<hbm>>) target_semaphore(%run_scoped3A : memref<!tpu.dma_semaphore, #tpu.memory_space<semaphore_mem>>)
        %dma_wait3A_32 = arith.constant 0 : i32
        %dma_wait3A_33 = tpu.memref_slice %arg9[%add3A_9, %dma_wait3A_32] : memref<1024x512xf32, #tpu.memory_space<hbm>> -> memref<1x512xf32, #tpu.memory_space<hbm>>
        %dma_wait3A_34 = tpu.memref_squeeze %dma_wait3A_33 : memref<1x512xf32, #tpu.memory_space<hbm>> -> memref<512xf32, #tpu.memory_space<hbm>>
        %dma_wait3A_35 = arith.constant 0 : i32
        %dma_wait3A_36 = tpu.memref_slice %arg9[%add3A_9, %dma_wait3A_35] : memref<1024x512xf32, #tpu.memory_space<hbm>> -> memref<1x512xf32, #tpu.memory_space<hbm>>
        %dma_wait3A_37 = tpu.memref_squeeze %dma_wait3A_36 : memref<1x512xf32, #tpu.memory_space<hbm>> -> memref<512xf32, #tpu.memory_space<hbm>>
        tpu.wait_dma2 semaphore(%run_scoped3A : memref<!tpu.dma_semaphore, #tpu.memory_space<semaphore_mem>>) src(%arg15 : memref<512xf32, #tpu.memory_space<vmem>>) dst(%dma_wait3A_37 : memref<512xf32, #tpu.memory_space<hbm>>)
        tpu.yield
      }) : () -> ()
      "tpu.region"() ({
        %run_scoped3A = tpu.sem_alloc : memref<!tpu.dma_semaphore, #tpu.memory_space<semaphore_mem>>
        %dma_start3A_26 = arith.constant 0 : i32
        %dma_start3A_27 = tpu.memref_slice %arg10[%add3A_9, %dma_start3A_26] : memref<1024x2048xf32, #tpu.memory_space<hbm>> -> memref<1x2048xf32, #tpu.memory_space<hbm>>
        %dma_start3A_28 = tpu.memref_squeeze %dma_start3A_27 : memref<1x2048xf32, #tpu.memory_space<hbm>> -> memref<2048xf32, #tpu.memory_space<hbm>>
        %dma_start3A_29 = arith.constant 0 : i32
        %dma_start3A_30 = tpu.memref_slice %arg10[%add3A_9, %dma_start3A_29] : memref<1024x2048xf32, #tpu.memory_space<hbm>> -> memref<1x2048xf32, #tpu.memory_space<hbm>>
        %dma_start3A_31 = tpu.memref_squeeze %dma_start3A_30 : memref<1x2048xf32, #tpu.memory_space<hbm>> -> memref<2048xf32, #tpu.memory_space<hbm>>
        tpu.enqueue_dma source(%arg20 : memref<2048xf32, #tpu.memory_space<vmem>>) target(%dma_start3A_31 : memref<2048xf32, #tpu.memory_space<hbm>>) target_semaphore(%run_scoped3A : memref<!tpu.dma_semaphore, #tpu.memory_space<semaphore_mem>>)
        %dma_wait3A_32 = arith.constant 0 : i32
        %dma_wait3A_33 = tpu.memref_slice %arg10[%add3A_9, %dma_wait3A_32] : memref<1024x2048xf32, #tpu.memory_space<hbm>> -> memref<1x2048xf32, #tpu.memory_space<hbm>>
        %dma_wait3A_34 = tpu.memref_squeeze %dma_wait3A_33 : memref<1x2048xf32, #tpu.memory_space<hbm>> -> memref<2048xf32, #tpu.memory_space<hbm>>
        %dma_wait3A_35 = arith.constant 0 : i32
        %dma_wait3A_36 = tpu.memref_slice %arg10[%add3A_9, %dma_wait3A_35] : memref<1024x2048xf32, #tpu.memory_space<hbm>> -> memref<1x2048xf32, #tpu.memory_space<hbm>>
        %dma_wait3A_37 = tpu.memref_squeeze %dma_wait3A_36 : memref<1x2048xf32, #tpu.memory_space<hbm>> -> memref<2048xf32, #tpu.memory_space<hbm>>
        tpu.wait_dma2 semaphore(%run_scoped3A : memref<!tpu.dma_semaphore, #tpu.memory_space<semaphore_mem>>) src(%arg20 : memref<2048xf32, #tpu.memory_space<vmem>>) dst(%dma_wait3A_37 : memref<2048xf32, #tpu.memory_space<hbm>>)
        tpu.yield
      }) : () -> ()
    }
    %scan3A_7 = arith.constant 32 : i32
    return
  }
}

module attributes {stable_mosaic.version = 14 : i64} {
  func.func @_logits_body(%arg0: i32, %arg1: i32, %arg2: memref<128x256xf32, #tpu.memory_space<vmem>>, %arg3: memref<256x4096xf32, #tpu.memory_space<vmem>>, %arg4: memref<128x4096xf32, #tpu.memory_space<vmem>>, %arg5: memref<4096x256xf32, #tpu.memory_space<vmem>>, %arg6: memref<1x4096xf32, #tpu.memory_space<vmem>>, %arg7: memref<1x4096xf32, #tpu.memory_space<vmem>>) attributes {dimension_semantics = [#tpu.dimension_semantics<arbitrary>, #tpu.dimension_semantics<arbitrary>], iteration_bounds = array<i64: 16, 8>, scalar_prefetch = 0 : i64, scratch_operands = 1 : i64, tpu.core_type = #tpu.core_type<tc>, window_params = [{transform_indices = @transform_0, window_bounds = array<i64: 128, 256>}, {transform_indices = @transform_1, window_bounds = array<i64: 256, 4096>}, {transform_indices = @transform_2, window_bounds = array<i64: 128, 4096>}, {transform_indices = @transform_3, window_bounds = array<i64: 4096, 256>}, {transform_indices = @transform_4, window_bounds = array<i64: 1, 4096>}]} {
    %eq3A = arith.constant 0 : i32
    %eq3A_0 = arith.cmpi eq, %arg1, %eq3A : i32
    %convert_element_type3A = arith.extui %eq3A_0 : i1 to i32
    %cond3A = arith.constant 0 : i32
    %cond3A_1 = arith.cmpi ne, %convert_element_type3A, %cond3A : i32
    scf.if %cond3A_1 {
      %get3A_22 = arith.constant 0 : index
      %get3A_23 = arith.constant 0 : index
      %get3A_24 = vector.load %arg3[%get3A_22, %get3A_23] : memref<256x4096xf32, #tpu.memory_space<vmem>>, vector<256x4096xf32>
      %mul3A_25 = arith.mulf %get3A_24, %get3A_24 : vector<256x4096xf32>
      %reduce_sum3A_26 = arith.constant dense<0.000000e+00> : vector<4096xf32>
      %reduce_sum3A_27 = vector.multi_reduction <add>, %mul3A_25, %reduce_sum3A_26 [0] : vector<256x4096xf32> to vector<4096xf32>
      %broadcast_in_dim3A_28 = vector.shape_cast %reduce_sum3A_27 : vector<4096xf32> to vector<1x4096xf32>
      %sqrt3A_29 = math.sqrt %broadcast_in_dim3A_28 : vector<1x4096xf32>
      %max3A_30 = arith.constant 9.99999996E-13 : f32
      %max3A_31 = vector.broadcast %max3A_30 : f32 to vector<1x4096xf32>
      %max3A_32 = arith.maximumf %sqrt3A_29, %max3A_31 : vector<1x4096xf32>
      %swap3A_33 = arith.constant 0 : index
      %swap3A_34 = arith.constant 0 : index
      %swap3A_35 = vector.load %arg7[%swap3A_33, %swap3A_34] : memref<1x4096xf32, #tpu.memory_space<vmem>>, vector<1x4096xf32>
      tpu.vector_store %arg7[%swap3A_33, %swap3A_34], %max3A_32 {strides = array<i32>} : memref<1x4096xf32, #tpu.memory_space<vmem>>, vector<1x4096xf32>,
      %swap3A_36 = arith.constant 0 : index
      %swap3A_37 = arith.constant 0 : index
      %swap3A_38 = vector.load %arg6[%swap3A_36, %swap3A_37] : memref<1x4096xf32, #tpu.memory_space<vmem>>, vector<1x4096xf32>
      tpu.vector_store %arg6[%swap3A_36, %swap3A_37], %max3A_32 {strides = array<i32>} : memref<1x4096xf32, #tpu.memory_space<vmem>>, vector<1x4096xf32>,
      %transpose3A = tpu.transpose %get3A_24, [1, 0] : vector<256x4096xf32> -> vector<4096x256xf32>
      %transpose3A_39 = tpu.transpose %max3A_32, [1, 0] : vector<1x4096xf32> -> vector<4096x1xf32>
      %div3A_40 = vector.broadcast %transpose3A_39 : vector<4096x1xf32> to vector<4096x256xf32>
      %div3A_41 = arith.divf %transpose3A, %div3A_40 : vector<4096x256xf32>
      %swap3A_42 = arith.constant 0 : index
      %swap3A_43 = arith.constant 0 : index
      %swap3A_44 = vector.load %arg5[%swap3A_42, %swap3A_43] : memref<4096x256xf32, #tpu.memory_space<vmem>>, vector<4096x256xf32>
      tpu.vector_store %arg5[%swap3A_42, %swap3A_43], %div3A_41 {strides = array<i32>} : memref<4096x256xf32, #tpu.memory_space<vmem>>, vector<4096x256xf32>,
    } else {
    }
    %get3A = arith.constant 0 : index
    %get3A_2 = arith.constant 0 : index
    %get3A_3 = vector.load %arg2[%get3A, %get3A_2] : memref<128x256xf32, #tpu.memory_space<vmem>>, vector<128x256xf32>
    %mul3A = arith.mulf %get3A_3, %get3A_3 : vector<128x256xf32>
    %reduce_sum3A = arith.constant dense<0.000000e+00> : vector<128xf32>
    %reduce_sum3A_4 = vector.multi_reduction <add>, %mul3A, %reduce_sum3A [1] : vector<128x256xf32> to vector<128xf32>
    %broadcast_in_dim3A = vector.shape_cast %reduce_sum3A_4 : vector<128xf32> to vector<128x1xf32>
    %sqrt3A = math.sqrt %broadcast_in_dim3A : vector<128x1xf32>
    %max3A = arith.constant 9.99999996E-13 : f32
    %max3A_5 = vector.broadcast %max3A : f32 to vector<128x1xf32>
    %max3A_6 = arith.maximumf %sqrt3A, %max3A_5 : vector<128x1xf32>
    %div3A = vector.broadcast %max3A_6 : vector<128x1xf32> to vector<128x256xf32>
    %div3A_7 = arith.divf %get3A_3, %div3A : vector<128x256xf32>
    %get3A_8 = arith.constant 0 : index
    %get3A_9 = arith.constant 0 : index
    %get3A_10 = vector.load %arg3[%get3A_8, %get3A_9] : memref<256x4096xf32, #tpu.memory_space<vmem>>, vector<256x4096xf32>
    %dot_general3A = arith.constant dense<0.000000e+00> : vector<128x4096xf32>
    %dot_general3A_11 = tpu.matmul %div3A_7, %get3A_10, %dot_general3A {dimension_numbers = #tpu.dot_dimension_numbers<[1], [0], [0], [1], [0, 0, 1, 1], [], []>, precision = #tpu.contract_precision<fp32>, transpose_lhs_hint = false} : vector<128x256xf32>, vector<256x4096xf32>, vector<128x4096xf32> -> vector<128x4096xf32>
    %get3A_12 = arith.constant 0 : index
    %get3A_13 = arith.constant 0 : index
    %get3A_14 = vector.load %arg7[%get3A_12, %get3A_13] : memref<1x4096xf32, #tpu.memory_space<vmem>>, vector<1x4096xf32>
    %div3A_15 = arith.constant 5.000000e+00 : f32
    %div3A_16 = vector.broadcast %div3A_15 : f32 to vector<1x4096xf32>
    %div3A_17 = arith.divf %div3A_16, %get3A_14 : vector<1x4096xf32>
    %mul3A_18 = vector.broadcast %div3A_17 : vector<1x4096xf32> to vector<128x4096xf32>
    %mul3A_19 = arith.mulf %dot_general3A_11, %mul3A_18 : vector<128x4096xf32>
    %swap3A = arith.constant 0 : index
    %swap3A_20 = arith.constant 0 : index
    %swap3A_21 = vector.load %arg4[%swap3A, %swap3A_20] : memref<128x4096xf32, #tpu.memory_space<vmem>>, vector<128x4096xf32>
    tpu.vector_store %arg4[%swap3A, %swap3A_20], %mul3A_19 {strides = array<i32>} : memref<128x4096xf32, #tpu.memory_space<vmem>>, vector<128x4096xf32>,
    return
  }
  func.func @transform_0(%arg0: i32, %arg1: i32) -> (i32, i32) {
    %c0_i32 = arith.constant 0 : i32
    %c0_i32_0 = arith.constant 0 : i32
    return %arg1, %c0_i32 : i32, i32
  }
  func.func @transform_1(%arg0: i32, %arg1: i32) -> (i32, i32) {
    %c0_i32 = arith.constant 0 : i32
    %c0_i32_0 = arith.constant 0 : i32
    return %c0_i32, %arg0 : i32, i32
  }
  func.func @transform_2(%arg0: i32, %arg1: i32) -> (i32, i32) {
    %c0_i32 = arith.constant 0 : i32
    return %arg1, %arg0 : i32, i32
  }
  func.func @transform_3(%arg0: i32, %arg1: i32) -> (i32, i32) {
    %c0_i32 = arith.constant 0 : i32
    %c0_i32_0 = arith.constant 0 : i32
    return %arg0, %c0_i32 : i32, i32
  }
  func.func @transform_4(%arg0: i32, %arg1: i32) -> (i32, i32) {
    %c0_i32 = arith.constant 0 : i32
    %c0_i32_0 = arith.constant 0 : i32
    return %c0_i32, %arg0 : i32, i32
  }
}

module attributes {stable_mosaic.version = 14 : i64} {
  func.func @_bisect_body(%arg0: i32, %arg1: memref<8x65536xf32, #tpu.memory_space<vmem>>, %arg2: memref<8x128xf32, #tpu.memory_space<vmem>>, %arg3: memref<8x128xi32, #tpu.memory_space<vmem>>) attributes {dimension_semantics = [#tpu.dimension_semantics<arbitrary>], iteration_bounds = array<i64: 128>, scalar_prefetch = 0 : i64, scratch_operands = 0 : i64, tpu.core_type = #tpu.core_type<tc>, window_params = [{transform_indices = @transform_0, window_bounds = array<i64: 8, 65536>}, {transform_indices = @transform_1, window_bounds = array<i64: 8, 128>}, {transform_indices = @transform_2, window_bounds = array<i64: 8, 128>}]} {
    %get3A = arith.constant 0 : index
    %get3A_0 = arith.constant 0 : index
    %get3A_1 = vector.load %arg1[%get3A, %get3A_0] : memref<8x65536xf32, #tpu.memory_space<vmem>>, vector<8x65536xf32>
    %bitcast3A = tpu.bitcast %get3A_1 : vector<8x65536xf32> -> vector<8x65536xi32>
    %shift_right_logical3A = arith.constant 31 : i32
    %shift_right_logical3A_2 = vector.broadcast %shift_right_logical3A : i32 to vector<8x65536xi32>
    %shift_right_logical3A_3 = arith.shrui %bitcast3A, %shift_right_logical3A_2 : vector<8x65536xi32>
    %eq3A = arith.constant 0 : i32
    %eq3A_4 = vector.broadcast %eq3A : i32 to vector<8x65536xi32>
    %eq3A_5 = arith.cmpi eq, %shift_right_logical3A_3, %eq3A_4 : vector<8x65536xi32>
    %jit3A = arith.constant -2147483648 : i32
    %jit3A_6 = arith.constant -1 : i32
    %broadcast_in_dim3A = vector.broadcast %jit3A : i32 to vector<8x65536xi32>
    %broadcast_in_dim3A_7 = vector.broadcast %jit3A_6 : i32 to vector<8x65536xi32>
    %select_n3A = arith.select %eq3A_5, %broadcast_in_dim3A, %broadcast_in_dim3A_7 : vector<8x65536xi1>, vector<8x65536xi32>
    %xor3A = arith.xori %bitcast3A, %select_n3A : vector<8x65536xi32>
    %broadcast_in_dim3A_8 = arith.constant 0 : i32
    %broadcast_in_dim3A_9 = vector.broadcast %broadcast_in_dim3A_8 : i32 to vector<8x1xi32>
    %broadcast_in_dim3A_10 = arith.constant 65536 : i32
    %broadcast_in_dim3A_11 = vector.broadcast %broadcast_in_dim3A_10 : i32 to vector<8x1xi32>
    %while3A = arith.constant -2147483648 : i32
    %while3A_12:3 = scf.while (%while3A_34 = %broadcast_in_dim3A_9, %while3A_35 = %while3A, %while3A_36 = %broadcast_in_dim3A_11) : (vector<8x1xi32>, i32, vector<8x1xi32>) -> (vector<8x1xi32>, i32, vector<8x1xi32>) {
      %gt3A = arith.constant 0 : i32
      %gt3A_37 = arith.cmpi ugt, %while3A_35, %gt3A : i32
      %gt3A_38 = arith.constant 1536 : i32
      %gt3A_39 = vector.broadcast %gt3A_38 : i32 to vector<8x1xi32>
      %gt3A_40 = arith.cmpi sgt, %while3A_36, %gt3A_39 : vector<8x1xi32>
      %reduce_or3A = arith.constant 1.000000e+00 : f32
      %reduce_or3A_41 = arith.constant 0.000000e+00 : f32
      %reduce_or3A_42 = vector.broadcast %reduce_or3A : f32 to vector<8x1xf32>
      %reduce_or3A_43 = vector.broadcast %reduce_or3A_41 : f32 to vector<8x1xf32>
      %reduce_or3A_44 = arith.select %gt3A_40, %reduce_or3A_42, %reduce_or3A_43 : vector<8x1xi1>, vector<8x1xf32>
      %reduce_or3A_45 = vector.shape_cast %reduce_or3A_44 : vector<8x1xf32> to vector<1x8x1xf32>
      %reduce_or3A_46 = arith.constant dense<0xFF800000> : vector<1xf32>
      %reduce_or3A_47 = vector.multi_reduction <maximumf>, %reduce_or3A_45, %reduce_or3A_46 [1, 2] : vector<1x8x1xf32> to vector<1xf32>
      %reduce_or3A_48 = vector.shape_cast %reduce_or3A_47 : vector<1xf32> to vector<1x1x1xf32>
      %reduce_or3A_49 = vector.extract %reduce_or3A_48[0, 0, 0] : f32 from vector<1x1x1xf32>
      %reduce_or3A_50 = arith.constant 0.000000e+00 : f32
      %reduce_or3A_51 = arith.cmpf ogt, %reduce_or3A_49, %reduce_or3A_50 : f32
      %and3A = arith.andi %gt3A_37, %reduce_or3A_51 : i1
      scf.condition(%and3A) %while3A_34, %while3A_35, %while3A_36 : vector<8x1xi32>, i32, vector<8x1xi32>
    } do {
    ^bb0(%while3A_34: vector<8x1xi32>, %while3A_35: i32, %while3A_36: vector<8x1xi32>):
      %add3A = vector.broadcast %while3A_35 : i32 to vector<8x1xi32>
      %add3A_37 = arith.addi %while3A_34, %add3A : vector<8x1xi32>
      %ge3A = vector.broadcast %add3A_37 : vector<8x1xi32> to vector<8x65536xi32>
      %ge3A_38 = arith.cmpi uge, %xor3A, %ge3A : vector<8x65536xi32>
      %convert_element_type3A = arith.extui %ge3A_38 : vector<8x65536xi1> to vector<8x65536xi32>
      %reduce_sum3A = arith.constant dense<0> : vector<8xi32>
      %reduce_sum3A_39 = vector.multi_reduction <add>, %convert_element_type3A, %reduce_sum3A [1] : vector<8x65536xi32> to vector<8xi32>
      %broadcast_in_dim3A_40 = vector.shape_cast %reduce_sum3A_39 : vector<8xi32> to vector<8x1xi32>
      %gt3A = arith.cmpi ugt, %add3A_37, %while3A_34 : vector<8x1xi32>
      %ge3A_41 = arith.constant 1024 : i32
      %ge3A_42 = vector.broadcast %ge3A_41 : i32 to vector<8x1xi32>
      %ge3A_43 = arith.cmpi sge, %broadcast_in_dim3A_40, %ge3A_42 : vector<8x1xi32>
      %and3A = arith.andi %gt3A, %ge3A_43 : vector<8x1xi1>
      %select_n3A_44 = arith.select %and3A, %add3A_37, %while3A_34 : vector<8x1xi1>, vector<8x1xi32>
      %select_n3A_45 = arith.select %and3A, %broadcast_in_dim3A_40, %while3A_36 : vector<8x1xi1>, vector<8x1xi32>
      %jit3A_46 = arith.constant 2 : i32
      %div3A = arith.divui %while3A_35, %jit3A_46 : i32
      scf.yield %select_n3A_44, %div3A, %select_n3A_45 : vector<8x1xi32>, i32, vector<8x1xi32>
    }
    %shift_right_logical3A_13 = arith.constant 31 : i32
    %shift_right_logical3A_14 = vector.broadcast %shift_right_logical3A_13 : i32 to vector<8x1xi32>
    %shift_right_logical3A_15 = arith.shrui %while3A_12#0, %shift_right_logical3A_14 : vector<8x1xi32>
    %eq3A_16 = arith.constant 1 : i32
    %eq3A_17 = vector.broadcast %eq3A_16 : i32 to vector<8x1xi32>
    %eq3A_18 = arith.cmpi eq, %shift_right_logical3A_15, %eq3A_17 : vector<8x1xi32>
    %xor3A_19 = arith.constant -2147483648 : i32
    %xor3A_20 = vector.broadcast %xor3A_19 : i32 to vector<8x1xi32>
    %xor3A_21 = arith.xori %while3A_12#0, %xor3A_20 : vector<8x1xi32>
    %not3A = arith.constant dense<-1> : vector<8x1xi32>
    %not3A_22 = arith.xori %while3A_12#0, %not3A : vector<8x1xi32>
    %select_n3A_23 = arith.select %eq3A_18, %xor3A_21, %not3A_22 : vector<8x1xi1>, vector<8x1xi32>
    %bitcast3A_24 = tpu.bitcast %select_n3A_23 : vector<8x1xi32> -> vector<8x1xf32>
    %broadcast_in_dim3A_25 = vector.shape_cast %bitcast3A_24 : vector<8x1xf32> to vector<8x1xf32>
    %broadcast_in_dim3A_26 = vector.broadcast %broadcast_in_dim3A_25 : vector<8x1xf32> to vector<8x128xf32>
    %swap3A = arith.constant 0 : index
    %swap3A_27 = arith.constant 0 : index
    %swap3A_28 = vector.load %arg2[%swap3A, %swap3A_27] : memref<8x128xf32, #tpu.memory_space<vmem>>, vector<8x128xf32>
    tpu.vector_store %arg2[%swap3A, %swap3A_27], %broadcast_in_dim3A_26 {strides = array<i32>} : memref<8x128xf32, #tpu.memory_space<vmem>>, vector<8x128xf32>,
    %broadcast_in_dim3A_29 = vector.shape_cast %while3A_12#2 : vector<8x1xi32> to vector<8x1xi32>
    %broadcast_in_dim3A_30 = vector.broadcast %broadcast_in_dim3A_29 : vector<8x1xi32> to vector<8x128xi32>
    %swap3A_31 = arith.constant 0 : index
    %swap3A_32 = arith.constant 0 : index
    %swap3A_33 = vector.load %arg3[%swap3A_31, %swap3A_32] : memref<8x128xi32, #tpu.memory_space<vmem>>, vector<8x128xi32>
    tpu.vector_store %arg3[%swap3A_31, %swap3A_32], %broadcast_in_dim3A_30 {strides = array<i32>} : memref<8x128xi32, #tpu.memory_space<vmem>>, vector<8x128xi32>,
    return
  }
  func.func @transform_0(%arg0: i32) -> (i32, i32) {
    %c0_i32 = arith.constant 0 : i32
    %c0_i32_0 = arith.constant 0 : i32
    return %arg0, %c0_i32 : i32, i32
  }
  func.func @transform_1(%arg0: i32) -> (i32, i32) {
    %c0_i32 = arith.constant 0 : i32
    %c0_i32_0 = arith.constant 0 : i32
    return %arg0, %c0_i32 : i32, i32
  }
  func.func @transform_2(%arg0: i32) -> (i32, i32) {
    %c0_i32 = arith.constant 0 : i32
    %c0_i32_0 = arith.constant 0 : i32
    return %arg0, %c0_i32 : i32, i32
  }
}

module attributes {stable_mosaic.version = 14 : i64} {
  func.func @_sort_body(%arg0: i32, %arg1: memref<8x2048xf32, #tpu.memory_space<vmem>>, %arg2: memref<8x2048xi32, #tpu.memory_space<vmem>>, %arg3: memref<8x128xi32, #tpu.memory_space<vmem>>, %arg4: memref<8x1024xf32, #tpu.memory_space<vmem>>, %arg5: memref<8x1024xi32, #tpu.memory_space<vmem>>) attributes {dimension_semantics = [#tpu.dimension_semantics<arbitrary>], iteration_bounds = array<i64: 128>, scalar_prefetch = 0 : i64, scratch_operands = 0 : i64, tpu.core_type = #tpu.core_type<tc>, window_params = [{transform_indices = @transform_0, window_bounds = array<i64: 8, 2048>}, {transform_indices = @transform_1, window_bounds = array<i64: 8, 2048>}, {transform_indices = @transform_2, window_bounds = array<i64: 8, 128>}, {transform_indices = @transform_3, window_bounds = array<i64: 8, 1024>}, {transform_indices = @transform_4, window_bounds = array<i64: 8, 1024>}]} {
    %iota3A = tpu.iota {dimensions = array<i32: 1>} : vector<8x2048xi32>
    %get3A = arith.constant 0 : index
    %get3A_0 = arith.constant 0 : index
    %get3A_1 = vector.load %arg3[%get3A, %get3A_0] : memref<8x128xi32, #tpu.memory_space<vmem>>, vector<8x128xi32>
    %slice3A = vector.extract_strided_slice %get3A_1 {offsets = [0, 0], sizes = [8, 1], strides = [1, 1]} : vector<8x128xi32> to vector<8x1xi32>
    %lt3A = vector.broadcast %slice3A : vector<8x1xi32> to vector<8x2048xi32>
    %lt3A_2 = arith.cmpi slt, %iota3A, %lt3A : vector<8x2048xi32>
    %get3A_3 = arith.constant 0 : index
    %get3A_4 = arith.constant 0 : index
    %get3A_5 = vector.load %arg1[%get3A_3, %get3A_4] : memref<8x2048xf32, #tpu.memory_space<vmem>>, vector<8x2048xf32>
    %jit3A = arith.constant 0xFF800000 : f32
    %broadcast_in_dim3A = vector.broadcast %jit3A : f32 to vector<8x2048xf32>
    %select_n3A = arith.select %lt3A_2, %get3A_5, %broadcast_in_dim3A : vector<8x2048xi1>, vector<8x2048xf32>
    %get3A_6 = arith.constant 0 : index
    %get3A_7 = arith.constant 0 : index
    %get3A_8 = vector.load %arg2[%get3A_6, %get3A_7] : memref<8x2048xi32, #tpu.memory_space<vmem>>, vector<8x2048xi32>
    %jit3A_9 = arith.constant 1073741823 : i32
    %broadcast_in_dim3A_10 = vector.broadcast %jit3A_9 : i32 to vector<8x2048xi32>
    %select_n3A_11 = arith.select %lt3A_2, %get3A_8, %broadcast_in_dim3A_10 : vector<8x2048xi1>, vector<8x2048xi32>
    %scan3A = arith.constant 1 : i32
    %scan3A_12 = arith.constant 11 : i32
    %scan3A_13 = arith.addi %scan3A, %scan3A_12 : i32
    %scan3A_14 = arith.constant 1 : i32
    %scan3A_15:2 = scf.for %scan3A_24 = %scan3A to %scan3A_13 step %scan3A_14 iter_args(%scan3A_25 = %select_n3A, %scan3A_26 = %select_n3A_11) -> (vector<8x2048xf32>, vector<8x2048xi32>)  : i32 {
      %shift_left3A = arith.constant 1 : i32
      %shift_left3A_27 = arith.shli %shift_left3A, %scan3A_24 : i32
      %while3A = arith.constant 0 : i32
      %while3A_28 = arith.subi %scan3A_24, %while3A : i32
      %while3A_29 = arith.addi %while3A, %while3A_28 : i32
      %while3A_30 = arith.constant 1 : i32
      %while3A_31 = arith.divsi %while3A_28, %while3A_30 : i32
      %while3A_32 = arith.muli %while3A_31, %while3A_30 : i32
      %while3A_33 = arith.addi %while3A, %while3A_32 : i32
      %while3A_34 = arith.constant 1 : i32
      %while3A_35:2 = scf.for %while3A_38 = %while3A to %while3A_33 step %while3A_34 iter_args(%while3A_39 = %scan3A_25, %while3A_40 = %scan3A_26) -> (vector<8x2048xf32>, vector<8x2048xi32>)  : i32 {
        %sub3A = arith.constant 1 : i32
        %sub3A_41 = arith.subi %scan3A_24, %sub3A : i32
        %sub3A_42 = arith.subi %sub3A_41, %while3A_38 : i32
        %shift_left3A_43 = arith.constant 1 : i32
        %shift_left3A_44 = arith.shli %shift_left3A_43, %sub3A_42 : i32
        %and3A = vector.broadcast %shift_left3A_44 : i32 to vector<8x2048xi32>
        %and3A_45 = arith.andi %iota3A, %and3A : vector<8x2048xi32>
        %ne3A = arith.constant 0 : i32
        %ne3A_46 = vector.broadcast %ne3A : i32 to vector<8x2048xi32>
        %ne3A_47 = arith.cmpi ne, %and3A_45, %ne3A_46 : vector<8x2048xi32>
        %roll3A = tpu.dynamic_rotate %while3A_39 by %shift_left3A_44 dim 1 : vector<8x2048xf32>, i32 -> vector<8x2048xf32>
        %neg3A = arith.constant 0 : i32
        %neg3A_48 = arith.subi %neg3A, %shift_left3A_44 : i32
        %roll3A_49 = tpu.dynamic_rotate %while3A_39 by %neg3A_48 dim 1 : vector<8x2048xf32>, i32 -> vector<8x2048xf32>
        %select_n3A_50 = arith.select %ne3A_47, %roll3A, %roll3A_49 : vector<8x2048xi1>, vector<8x2048xf32>
        %roll3A_51 = tpu.dynamic_rotate %while3A_40 by %shift_left3A_44 dim 1 : vector<8x2048xi32>, i32 -> vector<8x2048xi32>
        %neg3A_52 = arith.constant 0 : i32
        %neg3A_53 = arith.subi %neg3A_52, %shift_left3A_44 : i32
        %roll3A_54 = tpu.dynamic_rotate %while3A_40 by %neg3A_53 dim 1 : vector<8x2048xi32>, i32 -> vector<8x2048xi32>
        %select_n3A_55 = arith.select %ne3A_47, %roll3A_51, %roll3A_54 : vector<8x2048xi1>, vector<8x2048xi32>
        %and3A_56 = vector.broadcast %shift_left3A_27 : i32 to vector<8x2048xi32>
        %and3A_57 = arith.andi %iota3A, %and3A_56 : vector<8x2048xi32>
        %eq3A = arith.constant 0 : i32
        %eq3A_58 = vector.broadcast %eq3A : i32 to vector<8x2048xi32>
        %eq3A_59 = arith.cmpi eq, %and3A_57, %eq3A_58 : vector<8x2048xi32>
        %ne3A_60 = arith.xori %eq3A_59, %ne3A_47 : vector<8x2048xi1>
        %gt3A = arith.cmpf ogt, %select_n3A_50, %while3A_39 : vector<8x2048xf32>
        %eq3A_61 = arith.cmpf oeq, %select_n3A_50, %while3A_39 : vector<8x2048xf32>
        %lt3A_62 = arith.cmpi slt, %select_n3A_55, %while3A_40 : vector<8x2048xi32>
        %and3A_63 = arith.andi %eq3A_61, %lt3A_62 : vector<8x2048xi1>
        %or3A = arith.ori %gt3A, %and3A_63 : vector<8x2048xi1>
        %eq3A_64 = arith.xori %ne3A_60, %or3A : vector<8x2048xi1>
        %eq3A_65 = arith.constant dense<true> : vector<8x2048xi1>
        %eq3A_66 = arith.xori %eq3A_64, %eq3A_65 : vector<8x2048xi1>
        %select_n3A_67 = arith.select %eq3A_66, %select_n3A_50, %while3A_39 : vector<8x2048xi1>, vector<8x2048xf32>
        %select_n3A_68 = arith.select %eq3A_66, %select_n3A_55, %while3A_40 : vector<8x2048xi1>, vector<8x2048xi32>
        scf.yield %select_n3A_67, %select_n3A_68 : vector<8x2048xf32>, vector<8x2048xi32>
      }
      %while3A_36 = arith.constant 1 : i32
      %while3A_37:2 = scf.for %while3A_38 = %while3A_33 to %while3A_29 step %while3A_36 iter_args(%while3A_39 = %while3A_35#0, %while3A_40 = %while3A_35#1) -> (vector<8x2048xf32>, vector<8x2048xi32>)  : i32 {
        %sub3A = arith.constant 1 : i32
        %sub3A_41 = arith.subi %scan3A_24, %sub3A : i32
        %sub3A_42 = arith.subi %sub3A_41, %while3A_38 : i32
        %shift_left3A_43 = arith.constant 1 : i32
        %shift_left3A_44 = arith.shli %shift_left3A_43, %sub3A_42 : i32
        %and3A = vector.broadcast %shift_left3A_44 : i32 to vector<8x2048xi32>
        %and3A_45 = arith.andi %iota3A, %and3A : vector<8x2048xi32>
        %ne3A = arith.constant 0 : i32
        %ne3A_46 = vector.broadcast %ne3A : i32 to vector<8x2048xi32>
        %ne3A_47 = arith.cmpi ne, %and3A_45, %ne3A_46 : vector<8x2048xi32>
        %roll3A = tpu.dynamic_rotate %while3A_39 by %shift_left3A_44 dim 1 : vector<8x2048xf32>, i32 -> vector<8x2048xf32>
        %neg3A = arith.constant 0 : i32
        %neg3A_48 = arith.subi %neg3A, %shift_left3A_44 : i32
        %roll3A_49 = tpu.dynamic_rotate %while3A_39 by %neg3A_48 dim 1 : vector<8x2048xf32>, i32 -> vector<8x2048xf32>
        %select_n3A_50 = arith.select %ne3A_47, %roll3A, %roll3A_49 : vector<8x2048xi1>, vector<8x2048xf32>
        %roll3A_51 = tpu.dynamic_rotate %while3A_40 by %shift_left3A_44 dim 1 : vector<8x2048xi32>, i32 -> vector<8x2048xi32>
        %neg3A_52 = arith.constant 0 : i32
        %neg3A_53 = arith.subi %neg3A_52, %shift_left3A_44 : i32
        %roll3A_54 = tpu.dynamic_rotate %while3A_40 by %neg3A_53 dim 1 : vector<8x2048xi32>, i32 -> vector<8x2048xi32>
        %select_n3A_55 = arith.select %ne3A_47, %roll3A_51, %roll3A_54 : vector<8x2048xi1>, vector<8x2048xi32>
        %and3A_56 = vector.broadcast %shift_left3A_27 : i32 to vector<8x2048xi32>
        %and3A_57 = arith.andi %iota3A, %and3A_56 : vector<8x2048xi32>
        %eq3A = arith.constant 0 : i32
        %eq3A_58 = vector.broadcast %eq3A : i32 to vector<8x2048xi32>
        %eq3A_59 = arith.cmpi eq, %and3A_57, %eq3A_58 : vector<8x2048xi32>
        %ne3A_60 = arith.xori %eq3A_59, %ne3A_47 : vector<8x2048xi1>
        %gt3A = arith.cmpf ogt, %select_n3A_50, %while3A_39 : vector<8x2048xf32>
        %eq3A_61 = arith.cmpf oeq, %select_n3A_50, %while3A_39 : vector<8x2048xf32>
        %lt3A_62 = arith.cmpi slt, %select_n3A_55, %while3A_40 : vector<8x2048xi32>
        %and3A_63 = arith.andi %eq3A_61, %lt3A_62 : vector<8x2048xi1>
        %or3A = arith.ori %gt3A, %and3A_63 : vector<8x2048xi1>
        %eq3A_64 = arith.xori %ne3A_60, %or3A : vector<8x2048xi1>
        %eq3A_65 = arith.constant dense<true> : vector<8x2048xi1>
        %eq3A_66 = arith.xori %eq3A_64, %eq3A_65 : vector<8x2048xi1>
        %select_n3A_67 = arith.select %eq3A_66, %select_n3A_50, %while3A_39 : vector<8x2048xi1>, vector<8x2048xf32>
        %select_n3A_68 = arith.select %eq3A_66, %select_n3A_55, %while3A_40 : vector<8x2048xi1>, vector<8x2048xi32>
        scf.yield %select_n3A_67, %select_n3A_68 : vector<8x2048xf32>, vector<8x2048xi32>
      }
      scf.yield %while3A_37#0, %while3A_37#1 : vector<8x2048xf32>, vector<8x2048xi32>
    }
    %scan3A_16 = arith.constant 11 : i32
    %slice3A_17 = vector.extract_strided_slice %scan3A_15#0 {offsets = [0, 0], sizes = [8, 1024], strides = [1, 1]} : vector<8x2048xf32> to vector<8x1024xf32>
    %swap3A = arith.constant 0 : index
    %swap3A_18 = arith.constant 0 : index
    %swap3A_19 = vector.load %arg4[%swap3A, %swap3A_18] : memref<8x1024xf32, #tpu.memory_space<vmem>>, vector<8x1024xf32>
    tpu.vector_store %arg4[%swap3A, %swap3A_18], %slice3A_17 {strides = array<i32>} : memref<8x1024xf32, #tpu.memory_space<vmem>>, vector<8x1024xf32>,
    %slice3A_20 = vector.extract_strided_slice %scan3A_15#1 {offsets = [0, 0], sizes = [8, 1024], strides = [1, 1]} : vector<8x2048xi32> to vector<8x1024xi32>
    %swap3A_21 = arith.constant 0 : index
    %swap3A_22 = arith.constant 0 : index
    %swap3A_23 = vector.load %arg5[%swap3A_21, %swap3A_22] : memref<8x1024xi32, #tpu.memory_space<vmem>>, vector<8x1024xi32>
    tpu.vector_store %arg5[%swap3A_21, %swap3A_22], %slice3A_20 {strides = array<i32>} : memref<8x1024xi32, #tpu.memory_space<vmem>>, vector<8x1024xi32>,
    return
  }
  func.func @transform_0(%arg0: i32) -> (i32, i32) {
    %c0_i32 = arith.constant 0 : i32
    %c0_i32_0 = arith.constant 0 : i32
    return %arg0, %c0_i32 : i32, i32
  }
  func.func @transform_1(%arg0: i32) -> (i32, i32) {
    %c0_i32 = arith.constant 0 : i32
    %c0_i32_0 = arith.constant 0 : i32
    return %arg0, %c0_i32 : i32, i32
  }
  func.func @transform_2(%arg0: i32) -> (i32, i32) {
    %c0_i32 = arith.constant 0 : i32
    %c0_i32_0 = arith.constant 0 : i32
    return %arg0, %c0_i32 : i32, i32
  }
  func.func @transform_3(%arg0: i32) -> (i32, i32) {
    %c0_i32 = arith.constant 0 : i32
    %c0_i32_0 = arith.constant 0 : i32
    return %arg0, %c0_i32 : i32, i32
  }
  func.func @transform_4(%arg0: i32) -> (i32, i32) {
    %c0_i32 = arith.constant 0 : i32
    %c0_i32_0 = arith.constant 0 : i32
    return %arg0, %c0_i32 : i32, i32
  }
}

module attributes {stable_mosaic.version = 14 : i64} {
  func.func @_lhard_body(%arg0: i32, %arg1: i32, %arg2: memref<1024x65920xf32, #tpu.memory_space<any>>, %arg3: memref<128x128xf32, #tpu.memory_space<vmem>>, %arg4: memref<128x128xf32, #tpu.memory_space<vmem>>, %arg5: memref<128x128xf32, #tpu.memory_space<vmem>>, %arg6: memref<128x128xf32, #tpu.memory_space<vmem>>, %arg7: memref<128x128xf32, #tpu.memory_space<vmem>>, %arg8: memref<128x128xf32, #tpu.memory_space<vmem>>, %arg9: memref<128x128xf32, #tpu.memory_space<vmem>>, %arg10: memref<128x128xf32, #tpu.memory_space<vmem>>, %arg11: memref<128x128xf32, #tpu.memory_space<vmem>>) attributes {dimension_semantics = [#tpu.dimension_semantics<arbitrary>, #tpu.dimension_semantics<arbitrary>], iteration_bounds = array<i64: 8, 3>, scalar_prefetch = 0 : i64, scratch_operands = 0 : i64, tpu.core_type = #tpu.core_type<tc>, window_params = [{}, {transform_indices = @transform_1, window_bounds = array<i64: 128, 128>}, {transform_indices = @transform_2, window_bounds = array<i64: 128, 128>}, {transform_indices = @transform_3, window_bounds = array<i64: 128, 128>}, {transform_indices = @transform_4, window_bounds = array<i64: 128, 128>}, {transform_indices = @transform_5, window_bounds = array<i64: 128, 128>}, {transform_indices = @transform_6, window_bounds = array<i64: 128, 128>}, {transform_indices = @transform_7, window_bounds = array<i64: 128, 128>}, {transform_indices = @transform_8, window_bounds = array<i64: 128, 128>}, {transform_indices = @transform_9, window_bounds = array<i64: 128, 128>}]} {
    %get3A = arith.constant 0 : index
    %get3A_0 = arith.constant 0 : index
    %get3A_1 = vector.load %arg3[%get3A, %get3A_0] : memref<128x128xf32, #tpu.memory_space<vmem>>, vector<128x128xf32>
    %mul3A = arith.constant 2.000000e-01 : f32
    %mul3A_2 = vector.broadcast %mul3A : f32 to vector<128x128xf32>
    %mul3A_3 = arith.mulf %get3A_1, %mul3A_2 : vector<128x128xf32>
    %get3A_4 = arith.constant 0 : index
    %get3A_5 = arith.constant 0 : index
    %get3A_6 = vector.load %arg4[%get3A_4, %get3A_5] : memref<128x128xf32, #tpu.memory_space<vmem>>, vector<128x128xf32>
    %sub3A = arith.constant 1.000000e+00 : f32
    %sub3A_7 = vector.broadcast %sub3A : f32 to vector<128x128xf32>
    %sub3A_8 = arith.subf %sub3A_7, %get3A_6 : vector<128x128xf32>
    %mul3A_9 = arith.mulf %sub3A_8, %mul3A_3 : vector<128x128xf32>
    %add3A = arith.addf %get3A_6, %mul3A_9 : vector<128x128xf32>
    %mul3A_10 = arith.mulf %get3A_6, %get3A_6 : vector<128x128xf32>
    %sub3A_11 = arith.constant 1.000000e+00 : f32
    %sub3A_12 = vector.broadcast %sub3A_11 : f32 to vector<128x128xf32>
    %sub3A_13 = arith.subf %sub3A_12, %get3A_6 : vector<128x128xf32>
    %sub3A_14 = arith.constant 1.000000e+00 : f32
    %sub3A_15 = vector.broadcast %sub3A_14 : f32 to vector<128x128xf32>
    %sub3A_16 = arith.subf %sub3A_15, %get3A_6 : vector<128x128xf32>
    %mul3A_17 = arith.mulf %sub3A_13, %sub3A_16 : vector<128x128xf32>
    %add3A_18 = arith.addf %mul3A_10, %mul3A_17 : vector<128x128xf32>
    %mul3A_19 = arith.constant 2.000000e+00 : f32
    %mul3A_20 = vector.broadcast %mul3A_19 : f32 to vector<128x128xf32>
    %mul3A_21 = arith.mulf %mul3A_20, %get3A_6 : vector<128x128xf32>
    %sub3A_22 = arith.constant 1.000000e+00 : f32
    %sub3A_23 = vector.broadcast %sub3A_22 : f32 to vector<128x128xf32>
    %sub3A_24 = arith.subf %sub3A_23, %get3A_6 : vector<128x128xf32>
    %mul3A_25 = arith.mulf %mul3A_21, %sub3A_24 : vector<128x128xf32>
    %mul3A_26 = arith.mulf %mul3A_25, %mul3A_3 : vector<128x128xf32>
    %add3A_27 = arith.addf %add3A_18, %mul3A_26 : vector<128x128xf32>
    %rsqrt3A = math.rsqrt %add3A_27 : vector<128x128xf32>
    %mul3A_28 = arith.mulf %add3A, %rsqrt3A : vector<128x128xf32>
    %get3A_29 = arith.constant 0 : index
    %get3A_30 = arith.constant 0 : index
    %get3A_31 = vector.load %arg5[%get3A_29, %get3A_30] : memref<128x128xf32, #tpu.memory_space<vmem>>, vector<128x128xf32>
    %mul3A_32 = arith.constant 2.000000e-01 : f32
    %mul3A_33 = vector.broadcast %mul3A_32 : f32 to vector<128x128xf32>
    %mul3A_34 = arith.mulf %get3A_31, %mul3A_33 : vector<128x128xf32>
    %get3A_35 = arith.constant 0 : index
    %get3A_36 = arith.constant 0 : index
    %get3A_37 = vector.load %arg6[%get3A_35, %get3A_36] : memref<128x128xf32, #tpu.memory_space<vmem>>, vector<128x128xf32>
    %sub3A_38 = arith.constant 1.000000e+00 : f32
    %sub3A_39 = vector.broadcast %sub3A_38 : f32 to vector<128x128xf32>
    %sub3A_40 = arith.subf %sub3A_39, %get3A_37 : vector<128x128xf32>
    %mul3A_41 = arith.mulf %get3A_37, %mul3A_34 : vector<128x128xf32>
    %add3A_42 = arith.addf %sub3A_40, %mul3A_41 : vector<128x128xf32>
    %mul3A_43 = arith.mulf %sub3A_40, %sub3A_40 : vector<128x128xf32>
    %mul3A_44 = arith.mulf %get3A_37, %get3A_37 : vector<128x128xf32>
    %add3A_45 = arith.addf %mul3A_43, %mul3A_44 : vector<128x128xf32>
    %mul3A_46 = arith.constant 2.000000e+00 : f32
    %mul3A_47 = vector.broadcast %mul3A_46 : f32 to vector<128x128xf32>
    %mul3A_48 = arith.mulf %mul3A_47, %sub3A_40 : vector<128x128xf32>
    %mul3A_49 = arith.mulf %mul3A_48, %get3A_37 : vector<128x128xf32>
    %mul3A_50 = arith.mulf %mul3A_49, %mul3A_34 : vector<128x128xf32>
    %add3A_51 = arith.addf %add3A_45, %mul3A_50 : vector<128x128xf32>
    %rsqrt3A_52 = math.rsqrt %add3A_51 : vector<128x128xf32>
    %mul3A_53 = arith.mulf %add3A_42, %rsqrt3A_52 : vector<128x128xf32>
    %get3A_54 = arith.constant 0 : index
    %get3A_55 = arith.constant 0 : index
    %get3A_56 = vector.load %arg7[%get3A_54, %get3A_55] : memref<128x128xf32, #tpu.memory_space<vmem>>, vector<128x128xf32>
    %mul3A_57 = arith.constant 2.000000e-01 : f32
    %mul3A_58 = vector.broadcast %mul3A_57 : f32 to vector<128x128xf32>
    %mul3A_59 = arith.mulf %get3A_56, %mul3A_58 : vector<128x128xf32>
    %get3A_60 = arith.constant 0 : index
    %get3A_61 = arith.constant 0 : index
    %get3A_62 = vector.load %arg8[%get3A_60, %get3A_61] : memref<128x128xf32, #tpu.memory_space<vmem>>, vector<128x128xf32>
    %mul3A_63 = arith.constant 2.000000e-01 : f32
    %mul3A_64 = vector.broadcast %mul3A_63 : f32 to vector<128x128xf32>
    %mul3A_65 = arith.mulf %get3A_62, %mul3A_64 : vector<128x128xf32>
    %get3A_66 = arith.constant 0 : index
    %get3A_67 = arith.constant 0 : index
    %get3A_68 = vector.load %arg9[%get3A_66, %get3A_67] : memref<128x128xf32, #tpu.memory_space<vmem>>, vector<128x128xf32>
    %get3A_69 = arith.constant 0 : index
    %get3A_70 = arith.constant 0 : index
    %get3A_71 = vector.load %arg10[%get3A_69, %get3A_70] : memref<128x128xf32, #tpu.memory_space<vmem>>, vector<128x128xf32>
    %mul3A_72 = arith.mulf %get3A_68, %mul3A_59 : vector<128x128xf32>
    %sub3A_73 = arith.constant 1.000000e+00 : f32
    %sub3A_74 = vector.broadcast %sub3A_73 : f32 to vector<128x128xf32>
    %sub3A_75 = arith.subf %sub3A_74, %get3A_68 : vector<128x128xf32>
    %mul3A_76 = arith.mulf %sub3A_75, %mul3A_65 : vector<128x128xf32>
    %add3A_77 = arith.addf %mul3A_72, %mul3A_76 : vector<128x128xf32>
    %mul3A_78 = arith.mulf %get3A_68, %get3A_68 : vector<128x128xf32>
    %sub3A_79 = arith.constant 1.000000e+00 : f32
    %sub3A_80 = vector.broadcast %sub3A_79 : f32 to vector<128x128xf32>
    %sub3A_81 = arith.subf %sub3A_80, %get3A_68 : vector<128x128xf32>
    %sub3A_82 = arith.constant 1.000000e+00 : f32
    %sub3A_83 = vector.broadcast %sub3A_82 : f32 to vector<128x128xf32>
    %sub3A_84 = arith.subf %sub3A_83, %get3A_68 : vector<128x128xf32>
    %mul3A_85 = arith.mulf %sub3A_81, %sub3A_84 : vector<128x128xf32>
    %add3A_86 = arith.addf %mul3A_78, %mul3A_85 : vector<128x128xf32>
    %mul3A_87 = arith.constant 2.000000e+00 : f32
    %mul3A_88 = vector.broadcast %mul3A_87 : f32 to vector<128x128xf32>
    %mul3A_89 = arith.mulf %mul3A_88, %get3A_68 : vector<128x128xf32>
    %sub3A_90 = arith.constant 1.000000e+00 : f32
    %sub3A_91 = vector.broadcast %sub3A_90 : f32 to vector<128x128xf32>
    %sub3A_92 = arith.subf %sub3A_91, %get3A_68 : vector<128x128xf32>
    %mul3A_93 = arith.mulf %mul3A_89, %sub3A_92 : vector<128x128xf32>
    %mul3A_94 = arith.mulf %mul3A_93, %get3A_71 : vector<128x128xf32>
    %add3A_95 = arith.addf %add3A_86, %mul3A_94 : vector<128x128xf32>
    %rsqrt3A_96 = math.rsqrt %add3A_95 : vector<128x128xf32>
    %mul3A_97 = arith.mulf %add3A_77, %rsqrt3A_96 : vector<128x128xf32>
    %eq3A = arith.constant 0 : i32
    %eq3A_98 = arith.cmpi eq, %arg1, %eq3A : i32
    %eq3A_99 = arith.constant 1 : i32
    %eq3A_100 = arith.cmpi eq, %arg1, %eq3A_99 : i32
    %select_n3A = arith.select %eq3A_100, %mul3A_53, %mul3A_97 : vector<128x128xf32>
    %select_n3A_101 = arith.select %eq3A_98, %mul3A_28, %select_n3A : vector<128x128xf32>
    %mul3A_102 = arith.constant 5.000000e+00 : f32
    %mul3A_103 = vector.broadcast %mul3A_102 : f32 to vector<128x128xf32>
    %mul3A_104 = arith.mulf %select_n3A_101, %mul3A_103 : vector<128x128xf32>
    %swap3A = arith.constant 0 : index
    %swap3A_105 = arith.constant 0 : index
    %swap3A_106 = vector.load %arg11[%swap3A, %swap3A_105] : memref<128x128xf32, #tpu.memory_space<vmem>>, vector<128x128xf32>
    tpu.vector_store %arg11[%swap3A, %swap3A_105], %mul3A_104 {strides = array<i32>} : memref<128x128xf32, #tpu.memory_space<vmem>>, vector<128x128xf32>,
    return
  }
  func.func @transform_1(%arg0: i32, %arg1: i32) -> (i32, i32) {
    %c0_i32 = arith.constant 0 : i32
    %c0_i32_0 = arith.constant 0 : i32
    return %arg0, %c0_i32 : i32, i32
  }
  func.func @transform_2(%arg0: i32, %arg1: i32) -> (i32, i32) {
    %c0_i32 = arith.constant 0 : i32
    %c0_i32_0 = arith.constant 0 : i32
    return %arg0, %c0_i32 : i32, i32
  }
  func.func @transform_3(%arg0: i32, %arg1: i32) -> (i32, i32) {
    %c0_i32 = arith.constant 0 : i32
    %c0_i32_0 = arith.constant 0 : i32
    return %arg0, %c0_i32 : i32, i32
  }
  func.func @transform_4(%arg0: i32, %arg1: i32) -> (i32, i32) {
    %c0_i32 = arith.constant 0 : i32
    %c0_i32_0 = arith.constant 0 : i32
    return %arg0, %c0_i32 : i32, i32
  }
  func.func @transform_5(%arg0: i32, %arg1: i32) -> (i32, i32) {
    %c0_i32 = arith.constant 0 : i32
    %c0_i32_0 = arith.constant 0 : i32
    return %arg0, %c0_i32 : i32, i32
  }
  func.func @transform_6(%arg0: i32, %arg1: i32) -> (i32, i32) {
    %c0_i32 = arith.constant 0 : i32
    %c0_i32_0 = arith.constant 0 : i32
    return %arg0, %c0_i32 : i32, i32
  }
  func.func @transform_7(%arg0: i32, %arg1: i32) -> (i32, i32) {
    %c0_i32 = arith.constant 0 : i32
    %c0_i32_0 = arith.constant 0 : i32
    return %arg0, %c0_i32 : i32, i32
  }
  func.func @transform_8(%arg0: i32, %arg1: i32) -> (i32, i32) {
    %c0_i32 = arith.constant 0 : i32
    %c0_i32_0 = arith.constant 0 : i32
    return %arg0, %c0_i32 : i32, i32
  }
  func.func @transform_9(%arg0: i32, %arg1: i32) -> (i32, i32) {
    %add3A = arith.constant 512 : i32
    %add3A_0 = arith.addi %add3A, %arg1 : i32
    %c0_i32 = arith.constant 0 : i32
    return %arg0, %add3A_0 : i32, i32
  }
}

</mosaic_0001>

<sc_bundles>
// kernel: gather_offload_async_start.1
scs
__scs_entry_jumppad:
0x0: {  	(pc) =	sbr.rel $0x88, $3  }
0x1: {  	(tag) =	ssettag $0x0;
	lr =	simm.s32 $0x1  }
0x2: {  	[smem:$0x3F9F] =	sst lr;
	_ =	strace $0xD0000000  }
0x3: {  	_ = 	snop  }
0x4: {  	_ = 	snop  }
0x5: {  	_ = 	snop  }
0x6: {  	_ = 	snop  }
0x7: {  	_ = 	snop  }
__scs_overlays_trampoline_lowered:
0x8: {  	[smem:$0x3FAE] =	sst s0  }
0x9: {  	[smem:$0x3FAF] =	sst s1  }
0xa: {  	[smem:$0x3FB0] =	sst s2  }
0xb: {  	[smem:$0x3FB1] =	sst s3  }
0xc: {  	[smem:$0x3FB2] =	sst s4  }
0xd: {  	[smem:$0x3FB3] =	sst s5  }
0xe: {  	[smem:$0x3FB4] =	sst s6  }
0xf: {  	[smem:$0x3FB5] =	sst s7  }
0x10: {  	[smem:$0x3FB6] =	sst s8  }
0x11: {  	[smem:$0x3FB7] =	sst s9;
	s0 =	simm.s32 @!p0 $0x0  }
0x12: {  	s1 =	sld [smem:$0x3F9D];
	s0 =	simm.s32 @p0 $0x1  }
0x13: {  	[smem:$0x3FB8] =	sst s0;
	s0 =	simm.s32 @!p1 $0x0  }
0x14: {  	s2 =	sld [smem:$0x3F9C];
	s0 =	simm.s32 @p1 $0x1  }
0x15: {  	[smem:$0x3FB9] =	sst s0;
	s0 =	simm.s32 @!p2 $0x0  }
0x16: {  	s3 =	sld [smem:$0x3FDB];
	s0 =	simm.s32 @p2 $0x1  }
0x17: {  	s4 =	simm.s32 $0x1BF5;
	[smem:$0x3FBB] =	sst s0  }
0x18: {  	s0 =	sld [smem:$0x3F9E];
	_ =	swait.ge [sflag:s4], $0x0  }
0x19: {  	s7 =	sld [smem:$0x3F9F]  }
0x1a: {  	s8 =	sadd.s32 $0xFFFFE003, lr  }
0x1b: {  	s9 =	sadd.s32 $0xFFFFFEF7, lr;
	s5 =	simm.s32 $0xFFFFFFFF;
	p2 =	slt.u32 s8, $0xFFFFF086  }
0x1c: {  	p1 =	slt.u32 s9, $0xF7A;
	s5 =	simm.s32 @!p2 $0x0  }
0x1d: {  	s5 =	simm.s32 @p1 $0x1;
	p0 =	seq.s32 s7, s2  }
0x1e: {  	s7 =	smul.u32 @!p0 $0xF7A, s2;
	p2 =	seq.s32 @!p0 s5, $0x0  }
0x1f: {  	s9 =	smul.u32 $0xF7A, s1;
	s8 =	simm.s32 @!p0 $0x1BF5;
	p2 =	por !p2, p0  }
0x20: {  	[sflag:s8] =	ssyncset.s32 @!p0 $0xFFFFF086;
	s6 =	sadd.s32 @!p0 s3, s7;
	s7 =	simm.s32 @!p0 $0x108  }
0x21: {  	s3 =	sadd.s32 s3, s9;
	s6 =	sadd.s32 @!p0 $0x88, s6;
	s7 =	simm.s32 @p2 $0x1082  }
0x22: {  	[simem:s7], [sflag:s8] =	dma.local @!p0 [hbm:s6], $0xF7A  }
0x23: {  	s9 =	sor.u32 $0xD0000000, s2;
	s6 =	simm.s32 $0x108;
	_ =	swait.ge @!p0 [sflag:s8], $0x0  }
0x24: {  	s3 =	sadd.s32 $0x88, s3;
	s6 =	simm.s32 @!p1 $0x1082;
	[sflag:s4] =	ssyncset.s32 $0xFFFFF086  }
0x25: {  	[simem:s6], [sflag:s4] =	dma.local [hbm:s3], $0xF7A  }
0x26: {  	[smem:$0x3F9F] =	sst s1;
	(tag) =	ssettag s2;
	_ =	strace s9  }
0x27: {  	s1 =	sld [smem:$0x3FAF]  }
0x28: {  	s2 =	sld [smem:$0x3FB0]  }
0x29: {  	s4 =	sld [smem:$0x3FB2]  }
0x2a: {  	p0 =	seq.s32 s5, $0x0;
	s5 =	sld [smem:$0x3FB3]  }
0x2b: {  	s6 =	sld [smem:$0x3FB4]  }
0x2c: {  	s7 =	sld [smem:$0x3FB5]  }
0x2d: {  	s3 =	simm.s32 $0x108;
	s8 =	sld [smem:$0x3FB6]  }
0x2e: {  	s3 =	simm.s32 @!p0 $0x1082;
	s9 =	sld [smem:$0x3FB7]  }
0x2f: {  	lr =	sadd.s32 s0, s3;
	s0 =	sld [smem:$0x3FAE]  }
0x30: {  	s3 =	sld [smem:$0x3FB1]  }
0x31: {  	[smem:$0x3FBA] =	sst s10  }
0x32: {  	s10 =	sld [smem:$0x3FB8];
	_ =	sdelay $0x3  }
0x33: {  	p0 =	seq.s32 s10, $0x1;
	s10 =	sld [smem:$0x3FBA];
	_ =	sdelay $0x3  }
0x34: {  	[smem:$0x3FBA] =	sst s10  }
0x35: {  	s10 =	sld [smem:$0x3FB9];
	_ =	sdelay $0x3  }
0x36: {  	p1 =	seq.s32 s10, $0x1;
	s10 =	sld [smem:$0x3FBA];
	_ =	sdelay $0x3  }
0x37: {  	[smem:$0x3FBA] =	sst s10  }
0x38: {  	s10 =	sld [smem:$0x3FBB]  }
0x39: {  	_ = 	snop;
	(pc) =	sbr.ind lr, $3  }
0x3a: {  	_ = 	snop  }
0x3b: {  	_ = 	snop  }
0x3c: {  	p2 =	seq.s32 s10, $0x1;
	s10 =	sld [smem:$0x3FBA]  }
0x3d: {  	_ =	shalt  }
0x3e: {  	_ =	shalt  }
0x3f: {  	_ =	shalt  }
0x40: {  	_ =	shalt  }
0x41: {  	_ =	shalt  }
0x42: {  	_ =	shalt  }
0x43: {  	_ =	shalt  }
0x44: {  	_ =	shalt  }
0x45: {  	_ =	shalt  }
0x46: {  	_ =	shalt  }
0x47: {  	_ =	shalt  }
0x48: {  	_ =	shalt  }
0x49: {  	_ =	shalt  }
0x4a: {  	_ =	shalt  }
0x4b: {  	_ =	shalt  }
0x4c: {  	_ =	shalt  }
0x4d: {  	_ =	shalt  }
0x4e: {  	_ =	shalt  }
0x4f: {  	_ =	shalt  }
0x50: {  	_ =	shalt  }
0x51: {  	_ =	shalt  }
0x52: {  	_ =	shalt  }
0x53: {  	_ =	shalt  }
0x54: {  	_ =	shalt  }
0x55: {  	_ =	shalt  }
0x56: {  	_ =	shalt  }
0x57: {  	_ =	shalt  }
0x58: {  	_ =	shalt  }
0x59: {  	_ =	shalt  }
0x5a: {  	_ =	shalt  }
0x5b: {  	_ =	shalt  }
0x5c: {  	_ =	shalt  }
0x5d: {  	_ =	shalt  }
0x5e: {  	_ =	shalt  }
0x5f: {  	_ =	shalt  }
0x60: {  	_ =	shalt  }
0x61: {  	_ =	shalt  }
0x62: {  	_ =	shalt  }
0x63: {  	_ =	shalt  }
0x64: {  	_ =	shalt  }
0x65: {  	_ =	shalt  }
0x66: {  	_ =	shalt  }
0x67: {  	_ =	shalt  }
0x68: {  	_ =	shalt  }
0x69: {  	_ =	shalt  }
0x6a: {  	_ =	shalt  }
0x6b: {  	_ =	shalt  }
0x6c: {  	_ =	shalt  }
0x6d: {  	_ =	shalt  }
0x6e: {  	_ =	shalt  }
0x6f: {  	_ =	shalt  }
0x70: {  	_ =	shalt  }
0x71: {  	_ =	shalt  }
0x72: {  	_ =	shalt  }
0x73: {  	_ =	shalt  }
0x74: {  	_ =	shalt  }
0x75: {  	_ =	shalt  }
0x76: {  	_ =	shalt  }
0x77: {  	_ =	shalt  }
0x78: {  	_ =	shalt  }
0x79: {  	_ =	shalt  }
0x7a: {  	_ =	shalt  }
0x7b: {  	_ =	shalt  }
0x7c: {  	_ =	shalt  }
0x7d: {  	_ =	shalt  }
0x7e: {  	_ =	shalt  }
0x7f: {  	_ =	shalt  }
0x80: {  	_ =	shalt  }
0x81: {  	_ =	shalt  }
0x82: {  	_ =	shalt  }
0x83: {  	_ =	shalt  }
0x84: {  	_ =	shalt  }
0x85: {  	_ =	shalt  }
0x86: {  	_ =	shalt  }
0x87: {  	_ =	shalt  }
.Lfunc_end0:
.L_simem_size_0:
called_computation.5_lowered:
.L_overlay_start_0:
0x88: {  	s2 =	sld [smem:$0x3FD9]  }
0x89: {  	s3 =	sld [smem:$0x3FFE];
	_ =	sdelay $0x1  }
0x8a: {  	s1 =	srdreg.scid  }
0x8b: {  	s0 =	sand.u32 $0x1, s1  }
0x8c: {  	s16 =	sshll.u32 s0, $0xA;
	s2 =	sadd.s32 s3, s2  }
0x8d: {  	s2 =	sadd.s32 s2, s16  }
0x8e: {  	[smem:$0x3FC6] =	sst s2  }
0x8f: {  	_ = 	snop  }
0x90: {  	(tm) =	ssettm $0x1  }
0x91: {  	s17 =	sld [smem:$0x3FFB];
	_ =	sdelay $0x3  }
0x92: {  	_ =	strace s17  }
0x93: {  	s2 =	sld [smem:$0x3FFC];
	_ =	sdelay $0x3  }
0x94: {  	_ =	strace s2  }
0x95: {  	s2 =	sld [smem:$0x3FFD];
	_ =	sdelay $0x3  }
0x96: {  	_ =	strace s2  }
0x97: {  	_ =	strace $0x8FFFFFFF  }
0x98: {  	s18 =	sld [smem:$0x3FDB];
	_ =	sdelay $0x1  }
0x99: {  	s19 =	simm.s32 $_scs_section_size  }
0x9a: {  	s4 =	simm.s32 $_size__tile_overlayer_lowered;
	s5 =	simm.s32 $_tile_overlayer_lowered  }
0x9b: {  	s22 =	simm.s32 $0x1BFF;
	s21 =	sshll.u32 s5, $0x1;
	s2 =	sadd.s32 s19, s18  }
0x9c: {  	s6 =	simm.s32 $0x0;
	s20 =	sshll.u32 s4, $0x1;
	s4 =	sadd.s32 s21, s2  }
0x9d: {  	[timem:s6], [sflag:s22] =	dma.local [hbm:s4], s20  }
0x9e: {  	_ =	swait.ge [sflag:s22], s20  }
0x9f: {  	s3 =	ssub.s32 $0x0, s20;
	[sflag:s22] =	ssyncset.done $0x0  }
0xa0: {  	[sflag:s22] =	ssyncadd.s32 s3;
	_ =	sdelay $0x1  }
0xa1: {  	s23 =	simm.s32 $0x1B8B  }
0xa2: {  	_ =	swait.ge [sflag:s23], $0x1  }
0xa3: {  	[sflag:s23] =	ssyncset.done $0x0  }
0xa4: {  	s25 =	simm.s32 $0x1B8E;
	s24 =	sld [smem:$0x3FFE];
	[sflag:s23] =	ssyncadd.s32 $0xFFFFFFFF  }
0xa5: {  	s26 =	simm.s32 $execute0_lowered;
	[smem:$0x3FD2] =	sst s25  }
0xa6: {  	s4 =	sshll.u32 s26, $0x1;
	_ =	strace $0x80000052;
	[dreg:$0x1] =	wrdreg $0xFFFFFFFF  }
0xa7: {  	s28 =	simm.s32 $_size_execute0_lowered;
	s2 =	sadd.s32 s2, s4;
	[dreg:$0x0] =	wrdreg $0x0  }
0xa8: {  	s4 =	sshll.u32 s28, $0x1;
	[dreg:$0x2] =	wrdreg s2  }
0xa9: {  	[dreg:$0x3] =	wrdreg s4  }
0xaa: {  	[dreg:$0x4] =	wrdreg $0xC0  }
0xab: {  	_ =	task [dreg:s6], $0x5FFFF  }
0xac: {  	[dreg:$0x1] =	wrdreg $0xFFFFFFFF  }
0xad: {  	[dreg:$0x0] =	wrdreg $0x60  }
0xae: {  	[dreg:$0x2] =	wrdreg s24  }
0xaf: {  	[dreg:$0x3] =	wrdreg $0x9  }
0xb0: {  	_ =	task.clear_ibuf [dreg:s6], $0x4FFFF;
	_ =	strace $0x90000052  }
0xb1: {  	s29 =	simm.s32 $0x9;
	_ =	strace $0x80000054  }
0xb2: {  	_ =	swait.ge [sflag:s29], $0x1  }
0xb3: {  	[sflag:s29] =	ssyncadd.s32 $0xFFFFFFFF  }
0xb4: {  	_ =	strace $0x90000054  }
0xb5: {  	_ =	sfence  }
0xb6: {  	s30 =	sld [smem:$0x0];
	_ =	sdelay $0x2  }
0xb7: {  	s31 =	sshll.u32 s1, $0xD;
	s1 =	sshrl.u32 s1, $0x2  }
0xb8: {  	s3 =	sand.u32 $0x4000, s31;
	s1 =	sadd.s32 s1, s30  }
0xb9: {  	s0 =	sor.u32 s3, s0;
	s1 =	sshll.u32 s1, $0x11  }
0xba: {  	s0 =	sor.u32 s1, s0  }
0xbb: {  	s0 =	sadd.s32 $0x8F2B, s0  }
0xbc: {  	[sflag:s0] =	ssyncadd.remote.s32 $0x1  }
0xbd: {  	_ =	sfence.sel $0xFFFF  }
0xbe: {  	[dreg:$0x0] =	wrdreg $0xFFFFFFFF;
	(pc) =	sbr.abs _section_cstart, $3  }
0xbf: {  	[dreg:$0x1] =	wrdreg $0xFFFFFFFF  }
0xc0: {  	_ =	task.clear_ibuf [dreg:s6], $0x2FFFF;
	_ =	strace $0x9FFFFFFF  }
0xc1: {  	(tm) =	ssettm $0x7FFFFFFF  }
tec
execute0_lowered:
.L_overlay_start_1:
0x0: {  	(tag) =	ssettag $0x1  }
0x1: {  	s0 =	srdreg.scid;
	s5 =	rddreg [dreg:$0x0]  }
0x2: {  	s1 =	stileid.u32;
	s6 =	simm.s32 $0x1;
	s9 =	simm.s32 $0x1  }
0x3: {  	s10 =	simm.s32 $0x3;
	s13 =	simm.s32 $0x0;
	s2 =	sshll.u32 s0, $0xF  }
0x4: {  	s12 =	simm.s32 $0x0;
	s3 =	sshll.u32 s1, $0x10;
	s4 =	sand.u32 $0x8000, s2  }
0x5: {  	s0 =	rddreg [dreg:$0x1];
	_ =	strace $0x80000053;
	s3 =	sor.u32 s3, s4  }
0x6: {  	s2 =	sadd.s32 $0x1288C00, s5;
	[sflag:s6] =	ssyncpa.u1 $0x0;
	s8 =	ssub.s32 $0x200000, s3  }
.Ltmp0:
0x7: {  	s4 =	sadd.s32 $0x288C00, s5;
	s7 =	sand.u32 $0xF8000, s8;
	(pc) =	sbr.rel .LBB2_1-.Ltmp0, $4  }
0x8: {  	s5 =	sadd.s32 $0x2C8C00, s5;
	s11 =	smov.u32 s3;
	p0 =	sne.s32 s7, $0x0  }
0x9: {  	s8 =	sshrl.u32 s8, $0x14;
	s7 =	simm.s32 $0x2;
	s9 =	simm.s32 @!p0 $0x0  }
0xa: {  	[sflag:s7] =	ssyncpa.u1 $0x0;
	p0 =	por $0x0, $0x0;
	s8 =	sadd.s32 s9, s8  }
0xb: {  	vm0 =	vmmov $0xffff;
	[sflag:s10] =	ssyncpa.u1 $0x0;
	s10 =	simm.s32 $0x0;
	s9 =	sadd.s32 $0x1, s8  }
.LBB2_4:
0xc: {  	vm1 =	veq.s32 v0, $0x80000000;
	v62 =	vand.u32 $0x3FF, v0;
	v2 =	vand.u32 $0xFFFF, v2  }
0xd: {  	v0 =	vsel vm1, $0xFFFFFFFF, v62;
	v2 =	vsel vm1, $0xFFFFFFFF, v2  }
0xe: {  	v3 =	vshll.u32 v0, $0x10;
	v4 =	vshll.u32 v2, $0x3  }
0xf: {  	v0 =	vshll.u32 v0, $0x7;
	v3 =	vand.u32 $0xFFF80000, v3;
	v4 =	vand.u32 $0xFFFFFC00, v4  }
0x10: {  	v0 =	vand.u32 $0x380, v0;
	v3 =	vadd.s32 v3, v4  }
0x11: {  	v2 =	vand.u32 $0x7F, v2;
	v0 =	vor.u32 v0, v3  }
0x12: {  	v0 =	vor.u32 v2, v0;
	_ =	sdelay $0x1  }
0x13: {  	(ifvalue) =	ssetifvalue $0x7FFFFFFF;
	s14 =	sadd.s32 $0x10, s14  }
0x14: {  	[tilespmem:s14], [sflag:$0x1] =	stream.indirect_vreg.gather [hbm4b:s2+s10], $0x1, v1, vm0, $0x4038;
	v63 =	vld [tilespmem:$0x0]  }
0x15: {  	(ifvalue) =	ssetifvalue $0x7FFFFFFF;
	s14 =	sadd.s32 $0x10, s14  }
0x16: {  	[tilespmem:s14], [sflag:$0x1] =	stream.indirect_vreg.gather [hbm4b:s2+s10], $0x1, v0, vm0, $0x4038;
	v63 =	vld [tilespmem:$0x0]  }
0x17: {  	_ =	swait.ge [sflag:s6], $0x8000  }
0x18: {  	s30 =	sshrl.u32 s13, $0x3;
	[sflag:s6] =	ssyncset.done $0x0  }
0x19: {  	s31 =	sand.u32 $0x7, s13;
	s14 =	sadd.s32 s5, s30;
	[sflag:s6] =	ssyncadd.s32 $0xFFFF8000  }
0x1a: {  	[hbm4b:s14+s31] =	stream.linear.scatter [tilespmem:s15], [sflag:$0x3], $0x8000, $0x38;
	v63 =	vld [tilespmem:$0x0]  }
.LBB2_5:
0x1b: {  	s15 =	sadd.s32 $0x100000, s11  }
0x1c: {  	p2 =	sgt.s32 s15, $0x1FFFFF  }
0x1d: {  	s15 =	smov.u32 @p2 s3;
	p2 =	sne.s32 s12, s9  }
.Ltmp1:
0x1e: {  	p1 =	slt.u32 s12, $0x2;
	(pc) =	sbr.rel @!p2 .LBB2_6-.Ltmp1, $4  }
0x1f: {  	s14 =	simm.s32 @!p1 $0x3  }
0x20: {  	s16 =	sadd.s32 $0x1, s12;
	_ =	swait.ge @!p1 [sflag:s14], $0x8000  }
0x21: {  	s13 =	smov.u32 s11;
	p0 =	por !p0, !p0;
	[sflag:s14] =	ssyncset.done @!p1 $0x0  }
0x22: {  	s12 =	smov.u32 s16;
	s11 =	smov.u32 s15;
	[sflag:s14] =	ssyncadd.s32 @!p1 $0xFFFF8000  }
.LBB2_1:
0x23: {  	p1 =	sge.u32 s12, s8  }
0x24: {  	s14 =	sxor.u32 @!p1 $0xFFFFFFFF, s12  }
0x25: {  	s31 =	sadd.s32 $0xFFFFFFFF, s12;
	s15 =	sshrl.u32 @!p1 s11, $0x3;
	s14 =	sshll.u32 @!p1 s14, $0xF  }
0x26: {  	s16 =	sand.u32 @!p1 $0x7, s11;
	s15 =	sadd.s32 @!p1 s4, s15;
	s14 =	sand.u32 @!p1 $0x8000, s14  }
0x27: {  	[tilespmem:s14], [sflag:$0x2] =	stream.linear.gather @!p1 [hbm4b:s15+s16], $0x8000, $0x38;
	v63 =	vld [tilespmem:$0x0]  }
0x28: {  	p1 =	sge.u32 s31, s8  }
.Ltmp2:
0x29: {  	_ = 	snop;
	(pc) =	sbr.rel @p1 .LBB2_5-.Ltmp2, $1  }
0x2a: {  	_ =	sdelay $0x3  }
0x2b: {  	s14 =	simm.s32 $0x1  }
0x2c: {  	_ =	swait.ge [sflag:s7], $0x8000;
	s14 =	simm.s32 @!p0 $0x0  }
0x2d: {  	[sflag:s7] =	ssyncset.done $0x0;
	s14 =	sshll.u32 s14, $0xF  }
0x2e: {  	[sflag:s7] =	ssyncadd.s32 $0xFFFF8000;
	(ifvalue) =	ssetifvalue $0x7FFFFFFF;
	v0 =	vld.msk [tilespmem:s14+$0x0 ss:$0x1], $0xffff;
	_ =	sdelay $0x3  }
0x2f: {  	s15 =	sadd.s32 $0x10, s14  }
0x30: {  	v2 =	vld.msk [tilespmem:s15+$0x0 ss:$0x1], $0xffff;
	v1 =	vshrl.u32 v0, $0xA  }
0x31: {  	vm1 =	veq.s32 v0, $0x80000000;
	v0 =	vand.u32 $0x3FF, v0;
	v1 =	vand.u32 $0xFFFF, v1  }
0x32: {  	v0 =	vsel vm1, $0xFFFFFFFF, v0;
	v1 =	vsel vm1, $0xFFFFFFFF, v1  }
0x33: {  	v3 =	vshll.u32 v0, $0x10;
	v4 =	vshll.u32 v1, $0x3  }
0x34: {  	v0 =	vshll.u32 v0, $0x7;
	v3 =	vand.u32 $0xFFF80000, v3;
	v4 =	vand.u32 $0xFFFFFC00, v4  }
0x35: {  	vm1 =	veq.s32 v2, $0x80000000;
	v0 =	vand.u32 $0x380, v0;
	v3 =	vadd.s32 v3, v4  }
0x36: {  	v1 =	vand.u32 $0x7F, v1;
	v0 =	vor.u32 v0, v3;
	v3 =	vshrl.u32 v2, $0xA  }
0x37: {  	s17 =	sadd.s32 $0x10, s15;
	v2 =	vand.u32 $0x3FF, v2;
	v1 =	vor.u32 v1, v0;
	v3 =	vand.u32 $0xFFFF, v3  }
0x38: {  	v0 =	vld.msk [tilespmem:s17+$0x0 ss:$0x1], $0xffff;
	v2 =	vsel vm1, $0xFFFFFFFF, v2;
	v3 =	vsel vm1, $0xFFFFFFFF, v3  }
0x39: {  	v62 =	vshll.u32 v2, $0x10;
	v5 =	vshll.u32 v3, $0x3  }
0x3a: {  	s31 =	sshll.u32 s12, $0xF;
	v2 =	vshll.u32 v2, $0x7;
	v4 =	vand.u32 $0xFFF80000, v62;
	v5 =	vand.u32 $0xFFFFFC00, v5  }
0x3b: {  	s14 =	sor.u32 $0x10000, s14;
	s15 =	sand.u32 $0x8000, s31;
	(ifvalue) =	ssetifvalue $0x7FFFFFFF;
	v2 =	vand.u32 $0x380, v2;
	v4 =	vadd.s32 v4, v5  }
0x3c: {  	[tilespmem:s14], [sflag:$0x1] =	stream.indirect_vreg.gather [hbm4b:s2+s10], $0x1, v1, vm0, $0x4038;
	v1 =	vand.u32 $0x7F, v3;
	v3 =	vor.u32 v2, v4;
	v63 =	vld [tilespmem:$0x0]  }
0x3d: {  	s16 =	simm.s32 $0x20;
	s15 =	sor.u32 $0x10000, s15;
	s17 =	sadd.s32 $0x10, s17;
	v2 =	vshrl.u32 v0, $0xA;
	v1 =	vor.u32 v1, v3  }
.LBB2_3:
0x3e: {  	s16 =	sadd.s32 $0x10, s16;
	vm1 =	veq.s32 v0, $0x80000000;
	v3 =	vand.u32 $0x3FF, v0;
	v0 =	vld.msk [tilespmem:s17+$0x0 ss:$0x1], $0xffff;
	v2 =	vand.u32 $0xFFFF, v2  }
0x3f: {  	p1 =	slt.u32 s16, $0x7FF0;
	v3 =	vsel vm1, $0xFFFFFFFF, v3;
	v2 =	vsel vm1, $0xFFFFFFFF, v2  }
.Ltmp3:
0x40: {  	v4 =	vshll.u32 v3, $0x10;
	v5 =	vshll.u32 v2, $0x3;
	(pc) =	sbr.rel @p1 .LBB2_3-.Ltmp3, $4  }
0x41: {  	s14 =	sadd.s32 $0x10, s14;
	v3 =	vshll.u32 v3, $0x7;
	v4 =	vand.u32 $0xFFF80000, v4;
	v5 =	vand.u32 $0xFFFFFC00, v5;
	(ifvalue) =	ssetifvalue $0x7FFFFFFF  }
0x42: {  	v3 =	vand.u32 $0x380, v3;
	v4 =	vadd.s32 v4, v5;
	[tilespmem:s14], [sflag:$0x1] =	stream.indirect_vreg.gather [hbm4b:s2+s10], $0x1, v1, vm0, $0x4038;
	v63 =	vld [tilespmem:$0x0]  }
0x43: {  	v1 =	vand.u32 $0x7F, v2;
	v3 =	vor.u32 v3, v4  }
0x44: {  	s17 =	sadd.s32 $0x10, s17;
	v2 =	vshrl.u32 v0, $0xA;
	v1 =	vor.u32 v1, v3  }
.Ltmp4:
0x45: {  	_ = 	snop;
	(pc) =	sbr.rel .LBB2_4-.Ltmp4, $1  }
0x46: {  	_ =	sdelay $0x3  }
.LBB2_6:
0x47: {  	_ =	sfence.sel $0x180000  }
0x48: {  	s2 =	simm.s32 $0x2;
	[bflag:$0x0] =	sbarrier.arrive $0xFFFF  }
0x49: {  	s30 =	simm.s32 $0x3;
	[sflag:s2] =	ssyncpa.u1 $0x1  }
0x4a: {  	s31 =	simm.s32 $0x1;
	[sflag:s30] =	ssyncpa.u1 $0x1  }
0x4b: {  	[sflag:s31] =	ssyncpa.u1 $0x1  }
0x4c: {  	p0 =	sne.s32 s1, $0x0;
	_ =	strace $0x90000053  }
0x4d: {  	s0 =	sadd.s32 @!p0 $0x100000, s0;
	[bflag:$0x2] =	sbarrier.arrive $0xFFFF  }
0x4e: {  	[sflag:s0] =	ssyncadd.tile.s32 @!p0 $0x1;
	_ =	shalt  }
.Lfunc_end2:
_tile_overlayer_lowered:
.L_overlay_start_2:
0x4f: {  	(tag) =	ssettag $0x2  }
0x50: {  	s0 =	rddreg [dreg:$0x0];
	s2 =	stileid.u32  }
0x51: {  	s1 =	rddreg [dreg:$0x1];
	p0 =	sne.s32 s2, $0x0  }
0x52: {  	s3 =	rddreg [dreg:$0x2];
	[bflag:$0x3] =	sbarrier.arrive $0xFFFF;
	s2 =	simm.s32 @!p0 $0x1C01  }
0x53: {  	[timem:s3], [sflag:s2] =	dma.local @!p0 [hbm:s0], s1  }
0x54: {  	s0 =	simm.s32 @!p0 $0x1  }
0x55: {  	_ =	swait.ge @!p0 [sflag:s0], s1  }
0x56: {  	s1 =	ssub.s32 @!p0 $0x0, s1;
	[sflag:s0] =	ssyncset.done @!p0 $0x0  }
0x57: {  	[sflag:s0] =	ssyncadd.s32 @!p0 s1  }
0x58: {  	[bflag:$0x3] =	sbarrier.arrive $0xFFFF  }
0x59: {  	_ =	shalt  }

// kernel: gather_offload_async_start
scs
__scs_entry_jumppad:
0x0: {  	(pc) =	sbr.rel $0x88, $3  }
0x1: {  	(tag) =	ssettag $0x0;
	lr =	simm.s32 $0x1  }
0x2: {  	[smem:$0x3F9F] =	sst lr;
	_ =	strace $0xD0000000  }
0x3: {  	_ = 	snop  }
0x4: {  	_ = 	snop  }
0x5: {  	_ = 	snop  }
0x6: {  	_ = 	snop  }
0x7: {  	_ = 	snop  }
__scs_overlays_trampoline_lowered:
0x8: {  	[smem:$0x3FAE] =	sst s0  }
0x9: {  	[smem:$0x3FAF] =	sst s1  }
0xa: {  	[smem:$0x3FB0] =	sst s2  }
0xb: {  	[smem:$0x3FB1] =	sst s3  }
0xc: {  	[smem:$0x3FB2] =	sst s4  }
0xd: {  	[smem:$0x3FB3] =	sst s5  }
0xe: {  	[smem:$0x3FB4] =	sst s6  }
0xf: {  	[smem:$0x3FB5] =	sst s7  }
0x10: {  	[smem:$0x3FB6] =	sst s8  }
0x11: {  	[smem:$0x3FB7] =	sst s9;
	s0 =	simm.s32 @!p0 $0x0  }
0x12: {  	s1 =	sld [smem:$0x3F9D];
	s0 =	simm.s32 @p0 $0x1  }
0x13: {  	[smem:$0x3FB8] =	sst s0;
	s0 =	simm.s32 @!p1 $0x0  }
0x14: {  	s2 =	sld [smem:$0x3F9C];
	s0 =	simm.s32 @p1 $0x1  }
0x15: {  	[smem:$0x3FB9] =	sst s0;
	s0 =	simm.s32 @!p2 $0x0  }
0x16: {  	s3 =	sld [smem:$0x3FDB];
	s0 =	simm.s32 @p2 $0x1  }
0x17: {  	s4 =	simm.s32 $0x1BF5;
	[smem:$0x3FBB] =	sst s0  }
0x18: {  	s0 =	sld [smem:$0x3F9E];
	_ =	swait.ge [sflag:s4], $0x0  }
0x19: {  	s7 =	sld [smem:$0x3F9F]  }
0x1a: {  	s8 =	sadd.s32 $0xFFFFE003, lr  }
0x1b: {  	s9 =	sadd.s32 $0xFFFFFEF7, lr;
	s5 =	simm.s32 $0xFFFFFFFF;
	p2 =	slt.u32 s8, $0xFFFFF086  }
0x1c: {  	p1 =	slt.u32 s9, $0xF7A;
	s5 =	simm.s32 @!p2 $0x0  }
0x1d: {  	s5 =	simm.s32 @p1 $0x1;
	p0 =	seq.s32 s7, s2  }
0x1e: {  	s7 =	smul.u32 @!p0 $0xF7A, s2;
	p2 =	seq.s32 @!p0 s5, $0x0  }
0x1f: {  	s9 =	smul.u32 $0xF7A, s1;
	s8 =	simm.s32 @!p0 $0x1BF5;
	p2 =	por !p2, p0  }
0x20: {  	[sflag:s8] =	ssyncset.s32 @!p0 $0xFFFFF086;
	s6 =	sadd.s32 @!p0 s3, s7;
	s7 =	simm.s32 @!p0 $0x108  }
0x21: {  	s3 =	sadd.s32 s3, s9;
	s6 =	sadd.s32 @!p0 $0x88, s6;
	s7 =	simm.s32 @p2 $0x1082  }
0x22: {  	[simem:s7], [sflag:s8] =	dma.local @!p0 [hbm:s6], $0xF7A  }
0x23: {  	s9 =	sor.u32 $0xD0000000, s2;
	s6 =	simm.s32 $0x108;
	_ =	swait.ge @!p0 [sflag:s8], $0x0  }
0x24: {  	s3 =	sadd.s32 $0x88, s3;
	s6 =	simm.s32 @!p1 $0x1082;
	[sflag:s4] =	ssyncset.s32 $0xFFFFF086  }
0x25: {  	[simem:s6], [sflag:s4] =	dma.local [hbm:s3], $0xF7A  }
0x26: {  	[smem:$0x3F9F] =	sst s1;
	(tag) =	ssettag s2;
	_ =	strace s9  }
0x27: {  	s1 =	sld [smem:$0x3FAF]  }
0x28: {  	s2 =	sld [smem:$0x3FB0]  }
0x29: {  	s4 =	sld [smem:$0x3FB2]  }
0x2a: {  	p0 =	seq.s32 s5, $0x0;
	s5 =	sld [smem:$0x3FB3]  }
0x2b: {  	s6 =	sld [smem:$0x3FB4]  }
0x2c: {  	s7 =	sld [smem:$0x3FB5]  }
0x2d: {  	s3 =	simm.s32 $0x108;
	s8 =	sld [smem:$0x3FB6]  }
0x2e: {  	s3 =	simm.s32 @!p0 $0x1082;
	s9 =	sld [smem:$0x3FB7]  }
0x2f: {  	lr =	sadd.s32 s0, s3;
	s0 =	sld [smem:$0x3FAE]  }
0x30: {  	s3 =	sld [smem:$0x3FB1]  }
0x31: {  	[smem:$0x3FBA] =	sst s10  }
0x32: {  	s10 =	sld [smem:$0x3FB8];
	_ =	sdelay $0x3  }
0x33: {  	p0 =	seq.s32 s10, $0x1;
	s10 =	sld [smem:$0x3FBA];
	_ =	sdelay $0x3  }
0x34: {  	[smem:$0x3FBA] =	sst s10  }
0x35: {  	s10 =	sld [smem:$0x3FB9];
	_ =	sdelay $0x3  }
0x36: {  	p1 =	seq.s32 s10, $0x1;
	s10 =	sld [smem:$0x3FBA];
	_ =	sdelay $0x3  }
0x37: {  	[smem:$0x3FBA] =	sst s10  }
0x38: {  	s10 =	sld [smem:$0x3FBB]  }
0x39: {  	_ = 	snop;
	(pc) =	sbr.ind lr, $3  }
0x3a: {  	_ = 	snop  }
0x3b: {  	_ = 	snop  }
0x3c: {  	p2 =	seq.s32 s10, $0x1;
	s10 =	sld [smem:$0x3FBA]  }
0x3d: {  	_ =	shalt  }
0x3e: {  	_ =	shalt  }
0x3f: {  	_ =	shalt  }
0x40: {  	_ =	shalt  }
0x41: {  	_ =	shalt  }
0x42: {  	_ =	shalt  }
0x43: {  	_ =	shalt  }
0x44: {  	_ =	shalt  }
0x45: {  	_ =	shalt  }
0x46: {  	_ =	shalt  }
0x47: {  	_ =	shalt  }
0x48: {  	_ =	shalt  }
0x49: {  	_ =	shalt  }
0x4a: {  	_ =	shalt  }
0x4b: {  	_ =	shalt  }
0x4c: {  	_ =	shalt  }
0x4d: {  	_ =	shalt  }
0x4e: {  	_ =	shalt  }
0x4f: {  	_ =	shalt  }
0x50: {  	_ =	shalt  }
0x51: {  	_ =	shalt  }
0x52: {  	_ =	shalt  }
0x53: {  	_ =	shalt  }
0x54: {  	_ =	shalt  }
0x55: {  	_ =	shalt  }
0x56: {  	_ =	shalt  }
0x57: {  	_ =	shalt  }
0x58: {  	_ =	shalt  }
0x59: {  	_ =	shalt  }
0x5a: {  	_ =	shalt  }
0x5b: {  	_ =	shalt  }
0x5c: {  	_ =	shalt  }
0x5d: {  	_ =	shalt  }
0x5e: {  	_ =	shalt  }
0x5f: {  	_ =	shalt  }
0x60: {  	_ =	shalt  }
0x61: {  	_ =	shalt  }
0x62: {  	_ =	shalt  }
0x63: {  	_ =	shalt  }
0x64: {  	_ =	shalt  }
0x65: {  	_ =	shalt  }
0x66: {  	_ =	shalt  }
0x67: {  	_ =	shalt  }
0x68: {  	_ =	shalt  }
0x69: {  	_ =	shalt  }
0x6a: {  	_ =	shalt  }
0x6b: {  	_ =	shalt  }
0x6c: {  	_ =	shalt  }
0x6d: {  	_ =	shalt  }
0x6e: {  	_ =	shalt  }
0x6f: {  	_ =	shalt  }
0x70: {  	_ =	shalt  }
0x71: {  	_ =	shalt  }
0x72: {  	_ =	shalt  }
0x73: {  	_ =	shalt  }
0x74: {  	_ =	shalt  }
0x75: {  	_ =	shalt  }
0x76: {  	_ =	shalt  }
0x77: {  	_ =	shalt  }
0x78: {  	_ =	shalt  }
0x79: {  	_ =	shalt  }
0x7a: {  	_ =	shalt  }
0x7b: {  	_ =	shalt  }
0x7c: {  	_ =	shalt  }
0x7d: {  	_ =	shalt  }
0x7e: {  	_ =	shalt  }
0x7f: {  	_ =	shalt  }
0x80: {  	_ =	shalt  }
0x81: {  	_ =	shalt  }
0x82: {  	_ =	shalt  }
0x83: {  	_ =	shalt  }
0x84: {  	_ =	shalt  }
0x85: {  	_ =	shalt  }
0x86: {  	_ =	shalt  }
0x87: {  	_ =	shalt  }
.Lfunc_end0:
.L_simem_size_0:
called_computation.4_lowered:
.L_overlay_start_0:
0x88: {  	s2 =	sld [smem:$0x3FD9]  }
0x89: {  	s3 =	sld [smem:$0x3FFE];
	_ =	sdelay $0x1  }
0x8a: {  	s1 =	srdreg.scid  }
0x8b: {  	s0 =	sand.u32 $0x1, s1  }
0x8c: {  	s16 =	sshll.u32 s0, $0xA;
	s2 =	sadd.s32 s3, s2  }
0x8d: {  	s2 =	sadd.s32 s2, s16  }
0x8e: {  	[smem:$0x3FC6] =	sst s2  }
0x8f: {  	_ = 	snop  }
0x90: {  	(tm) =	ssettm $0x1  }
0x91: {  	s17 =	sld [smem:$0x3FFB];
	_ =	sdelay $0x3  }
0x92: {  	_ =	strace s17  }
0x93: {  	s2 =	sld [smem:$0x3FFC];
	_ =	sdelay $0x3  }
0x94: {  	_ =	strace s2  }
0x95: {  	s2 =	sld [smem:$0x3FFD];
	_ =	sdelay $0x3  }
0x96: {  	_ =	strace s2  }
0x97: {  	_ =	strace $0x8FFFFFFF  }
0x98: {  	s18 =	sld [smem:$0x3FDB];
	_ =	sdelay $0x1  }
0x99: {  	s19 =	simm.s32 $_scs_section_size  }
0x9a: {  	s4 =	simm.s32 $_size__tile_overlayer_lowered;
	s5 =	simm.s32 $_tile_overlayer_lowered  }
0x9b: {  	s22 =	simm.s32 $0x1BFF;
	s21 =	sshll.u32 s5, $0x1;
	s2 =	sadd.s32 s19, s18  }
0x9c: {  	s6 =	simm.s32 $0x0;
	s20 =	sshll.u32 s4, $0x1;
	s4 =	sadd.s32 s21, s2  }
0x9d: {  	[timem:s6], [sflag:s22] =	dma.local [hbm:s4], s20  }
0x9e: {  	_ =	swait.ge [sflag:s22], s20  }
0x9f: {  	s3 =	ssub.s32 $0x0, s20;
	[sflag:s22] =	ssyncset.done $0x0  }
0xa0: {  	[sflag:s22] =	ssyncadd.s32 s3;
	_ =	sdelay $0x1  }
0xa1: {  	s23 =	simm.s32 $0x1B8B  }
0xa2: {  	_ =	swait.ge [sflag:s23], $0x1  }
0xa3: {  	[sflag:s23] =	ssyncset.done $0x0  }
0xa4: {  	s25 =	simm.s32 $0x1B8E;
	s24 =	sld [smem:$0x3FFE];
	[sflag:s23] =	ssyncadd.s32 $0xFFFFFFFF  }
0xa5: {  	s26 =	simm.s32 $execute0_lowered;
	[smem:$0x3FD2] =	sst s25  }
0xa6: {  	s4 =	sshll.u32 s26, $0x1;
	_ =	strace $0x80000058;
	[dreg:$0x1] =	wrdreg $0xFFFFFFFF  }
0xa7: {  	s28 =	simm.s32 $_size_execute0_lowered;
	s2 =	sadd.s32 s2, s4;
	[dreg:$0x0] =	wrdreg $0x0  }
0xa8: {  	s4 =	sshll.u32 s28, $0x1;
	[dreg:$0x2] =	wrdreg s2  }
0xa9: {  	[dreg:$0x3] =	wrdreg s4  }
0xaa: {  	[dreg:$0x4] =	wrdreg $0xC0  }
0xab: {  	_ =	task [dreg:s6], $0x5FFFF  }
0xac: {  	[dreg:$0x1] =	wrdreg $0xFFFFFFFF  }
0xad: {  	[dreg:$0x0] =	wrdreg $0x60  }
0xae: {  	[dreg:$0x2] =	wrdreg s24  }
0xaf: {  	[dreg:$0x3] =	wrdreg $0x9  }
0xb0: {  	_ =	task.clear_ibuf [dreg:s6], $0x4FFFF;
	_ =	strace $0x90000058  }
0xb1: {  	s29 =	simm.s32 $0x9;
	_ =	strace $0x8000005A  }
0xb2: {  	_ =	swait.ge [sflag:s29], $0x1  }
0xb3: {  	[sflag:s29] =	ssyncadd.s32 $0xFFFFFFFF  }
0xb4: {  	_ =	strace $0x9000005A  }
0xb5: {  	_ =	sfence  }
0xb6: {  	s30 =	sld [smem:$0x0];
	_ =	sdelay $0x2  }
0xb7: {  	s31 =	sshll.u32 s1, $0xD;
	s1 =	sshrl.u32 s1, $0x2  }
0xb8: {  	s3 =	sand.u32 $0x4000, s31;
	s1 =	sadd.s32 s1, s30  }
0xb9: {  	s0 =	sor.u32 s3, s0;
	s1 =	sshll.u32 s1, $0x11  }
0xba: {  	s0 =	sor.u32 s1, s0  }
0xbb: {  	s0 =	sadd.s32 $0x8F2B, s0  }
0xbc: {  	[sflag:s0] =	ssyncadd.remote.s32 $0x1  }
0xbd: {  	_ =	sfence.sel $0xFFFF  }
0xbe: {  	[dreg:$0x0] =	wrdreg $0xFFFFFFFF;
	(pc) =	sbr.abs _section_cstart, $3  }
0xbf: {  	[dreg:$0x1] =	wrdreg $0xFFFFFFFF  }
0xc0: {  	_ =	task.clear_ibuf [dreg:s6], $0x2FFFF;
	_ =	strace $0x9FFFFFFF  }
0xc1: {  	(tm) =	ssettm $0x7FFFFFFF  }
tec
execute0_lowered:
.L_overlay_start_1:
0x0: {  	(tag) =	ssettag $0x1  }
0x1: {  	s0 =	srdreg.scid;
	s5 =	rddreg [dreg:$0x0]  }
0x2: {  	s1 =	stileid.u32;
	s6 =	simm.s32 $0x1;
	s9 =	simm.s32 $0x1  }
0x3: {  	s10 =	simm.s32 $0x3;
	s13 =	simm.s32 $0x0;
	s2 =	sshll.u32 s0, $0xF  }
0x4: {  	s12 =	simm.s32 $0x0;
	s3 =	sshll.u32 s1, $0x10;
	s4 =	sand.u32 $0x8000, s2  }
0x5: {  	s0 =	rddreg [dreg:$0x1];
	_ =	strace $0x80000059;
	s3 =	sor.u32 s3, s4  }
0x6: {  	s2 =	sadd.s32 $0xA08C00, s5;
	[sflag:s6] =	ssyncpa.u1 $0x0;
	s8 =	ssub.s32 $0x200000, s3  }
.Ltmp0:
0x7: {  	s4 =	sadd.s32 $0x208C00, s5;
	s7 =	sand.u32 $0xF8000, s8;
	(pc) =	sbr.rel .LBB2_1-.Ltmp0, $4  }
0x8: {  	s5 =	sadd.s32 $0x248C00, s5;
	s11 =	smov.u32 s3;
	p0 =	sne.s32 s7, $0x0  }
0x9: {  	s8 =	sshrl.u32 s8, $0x14;
	s7 =	simm.s32 $0x2;
	s9 =	simm.s32 @!p0 $0x0  }
0xa: {  	[sflag:s7] =	ssyncpa.u1 $0x0;
	p0 =	por $0x0, $0x0;
	s8 =	sadd.s32 s9, s8  }
0xb: {  	vm0 =	vmmov $0xffff;
	[sflag:s10] =	ssyncpa.u1 $0x0;
	s10 =	simm.s32 $0x0;
	s9 =	sadd.s32 $0x1, s8  }
.LBB2_4:
0xc: {  	vm1 =	veq.s32 v0, $0x80000000;
	v62 =	vand.u32 $0x3FF, v0;
	v2 =	vand.u32 $0xFFFF, v2  }
0xd: {  	v0 =	vsel vm1, $0xFFFFFFFF, v62;
	v2 =	vsel vm1, $0xFFFFFFFF, v2  }
0xe: {  	v3 =	vshll.u32 v0, $0x10;
	v4 =	vshll.u32 v2, $0x3  }
0xf: {  	v0 =	vshll.u32 v0, $0x7;
	v3 =	vand.u32 $0xFFF80000, v3;
	v4 =	vand.u32 $0xFFFFFC00, v4  }
0x10: {  	v0 =	vand.u32 $0x380, v0;
	v3 =	vadd.s32 v3, v4  }
0x11: {  	v2 =	vand.u32 $0x7F, v2;
	v0 =	vor.u32 v0, v3  }
0x12: {  	v0 =	vor.u32 v2, v0;
	_ =	sdelay $0x1  }
0x13: {  	(ifvalue) =	ssetifvalue $0x7FFFFFFF;
	s14 =	sadd.s32 $0x10, s14  }
0x14: {  	[tilespmem:s14], [sflag:$0x1] =	stream.indirect_vreg.gather [hbm4b:s2+s10], $0x1, v1, vm0, $0x4038;
	v63 =	vld [tilespmem:$0x0]  }
0x15: {  	(ifvalue) =	ssetifvalue $0x7FFFFFFF;
	s14 =	sadd.s32 $0x10, s14  }
0x16: {  	[tilespmem:s14], [sflag:$0x1] =	stream.indirect_vreg.gather [hbm4b:s2+s10], $0x1, v0, vm0, $0x4038;
	v63 =	vld [tilespmem:$0x0]  }
0x17: {  	_ =	swait.ge [sflag:s6], $0x8000  }
0x18: {  	s30 =	sshrl.u32 s13, $0x3;
	[sflag:s6] =	ssyncset.done $0x0  }
0x19: {  	s31 =	sand.u32 $0x7, s13;
	s14 =	sadd.s32 s5, s30;
	[sflag:s6] =	ssyncadd.s32 $0xFFFF8000  }
0x1a: {  	[hbm4b:s14+s31] =	stream.linear.scatter [tilespmem:s15], [sflag:$0x3], $0x8000, $0x38;
	v63 =	vld [tilespmem:$0x0]  }
.LBB2_5:
0x1b: {  	s15 =	sadd.s32 $0x100000, s11  }
0x1c: {  	p2 =	sgt.s32 s15, $0x1FFFFF  }
0x1d: {  	s15 =	smov.u32 @p2 s3;
	p2 =	sne.s32 s12, s9  }
.Ltmp1:
0x1e: {  	p1 =	slt.u32 s12, $0x2;
	(pc) =	sbr.rel @!p2 .LBB2_6-.Ltmp1, $4  }
0x1f: {  	s14 =	simm.s32 @!p1 $0x3  }
0x20: {  	s16 =	sadd.s32 $0x1, s12;
	_ =	swait.ge @!p1 [sflag:s14], $0x8000  }
0x21: {  	s13 =	smov.u32 s11;
	p0 =	por !p0, !p0;
	[sflag:s14] =	ssyncset.done @!p1 $0x0  }
0x22: {  	s12 =	smov.u32 s16;
	s11 =	smov.u32 s15;
	[sflag:s14] =	ssyncadd.s32 @!p1 $0xFFFF8000  }
.LBB2_1:
0x23: {  	p1 =	sge.u32 s12, s8  }
0x24: {  	s14 =	sxor.u32 @!p1 $0xFFFFFFFF, s12  }
0x25: {  	s31 =	sadd.s32 $0xFFFFFFFF, s12;
	s15 =	sshrl.u32 @!p1 s11, $0x3;
	s14 =	sshll.u32 @!p1 s14, $0xF  }
0x26: {  	s16 =	sand.u32 @!p1 $0x7, s11;
	s15 =	sadd.s32 @!p1 s4, s15;
	s14 =	sand.u32 @!p1 $0x8000, s14  }
0x27: {  	[tilespmem:s14], [sflag:$0x2] =	stream.linear.gather @!p1 [hbm4b:s15+s16], $0x8000, $0x38;
	v63 =	vld [tilespmem:$0x0]  }
0x28: {  	p1 =	sge.u32 s31, s8  }
.Ltmp2:
0x29: {  	_ = 	snop;
	(pc) =	sbr.rel @p1 .LBB2_5-.Ltmp2, $1  }
0x2a: {  	_ =	sdelay $0x3  }
0x2b: {  	s14 =	simm.s32 $0x1  }
0x2c: {  	_ =	swait.ge [sflag:s7], $0x8000;
	s14 =	simm.s32 @!p0 $0x0  }
0x2d: {  	[sflag:s7] =	ssyncset.done $0x0;
	s14 =	sshll.u32 s14, $0xF  }
0x2e: {  	[sflag:s7] =	ssyncadd.s32 $0xFFFF8000;
	(ifvalue) =	ssetifvalue $0x7FFFFFFF;
	v0 =	vld.msk [tilespmem:s14+$0x0 ss:$0x1], $0xffff;
	_ =	sdelay $0x3  }
0x2f: {  	s15 =	sadd.s32 $0x10, s14  }
0x30: {  	v2 =	vld.msk [tilespmem:s15+$0x0 ss:$0x1], $0xffff;
	v1 =	vshrl.u32 v0, $0xA  }
0x31: {  	vm1 =	veq.s32 v0, $0x80000000;
	v0 =	vand.u32 $0x3FF, v0;
	v1 =	vand.u32 $0xFFFF, v1  }
0x32: {  	v0 =	vsel vm1, $0xFFFFFFFF, v0;
	v1 =	vsel vm1, $0xFFFFFFFF, v1  }
0x33: {  	v3 =	vshll.u32 v0, $0x10;
	v4 =	vshll.u32 v1, $0x3  }
0x34: {  	v0 =	vshll.u32 v0, $0x7;
	v3 =	vand.u32 $0xFFF80000, v3;
	v4 =	vand.u32 $0xFFFFFC00, v4  }
0x35: {  	vm1 =	veq.s32 v2, $0x80000000;
	v0 =	vand.u32 $0x380, v0;
	v3 =	vadd.s32 v3, v4  }
0x36: {  	v1 =	vand.u32 $0x7F, v1;
	v0 =	vor.u32 v0, v3;
	v3 =	vshrl.u32 v2, $0xA  }
0x37: {  	s17 =	sadd.s32 $0x10, s15;
	v2 =	vand.u32 $0x3FF, v2;
	v1 =	vor.u32 v1, v0;
	v3 =	vand.u32 $0xFFFF, v3  }
0x38: {  	v0 =	vld.msk [tilespmem:s17+$0x0 ss:$0x1], $0xffff;
	v2 =	vsel vm1, $0xFFFFFFFF, v2;
	v3 =	vsel vm1, $0xFFFFFFFF, v3  }
0x39: {  	v62 =	vshll.u32 v2, $0x10;
	v5 =	vshll.u32 v3, $0x3  }
0x3a: {  	s31 =	sshll.u32 s12, $0xF;
	v2 =	vshll.u32 v2, $0x7;
	v4 =	vand.u32 $0xFFF80000, v62;
	v5 =	vand.u32 $0xFFFFFC00, v5  }
0x3b: {  	s14 =	sor.u32 $0x10000, s14;
	s15 =	sand.u32 $0x8000, s31;
	(ifvalue) =	ssetifvalue $0x7FFFFFFF;
	v2 =	vand.u32 $0x380, v2;
	v4 =	vadd.s32 v4, v5  }
0x3c: {  	[tilespmem:s14], [sflag:$0x1] =	stream.indirect_vreg.gather [hbm4b:s2+s10], $0x1, v1, vm0, $0x4038;
	v1 =	vand.u32 $0x7F, v3;
	v3 =	vor.u32 v2, v4;
	v63 =	vld [tilespmem:$0x0]  }
0x3d: {  	s16 =	simm.s32 $0x20;
	s15 =	sor.u32 $0x10000, s15;
	s17 =	sadd.s32 $0x10, s17;
	v2 =	vshrl.u32 v0, $0xA;
	v1 =	vor.u32 v1, v3  }
.LBB2_3:
0x3e: {  	s16 =	sadd.s32 $0x10, s16;
	vm1 =	veq.s32 v0, $0x80000000;
	v3 =	vand.u32 $0x3FF, v0;
	v0 =	vld.msk [tilespmem:s17+$0x0 ss:$0x1], $0xffff;
	v2 =	vand.u32 $0xFFFF, v2  }
0x3f: {  	p1 =	slt.u32 s16, $0x7FF0;
	v3 =	vsel vm1, $0xFFFFFFFF, v3;
	v2 =	vsel vm1, $0xFFFFFFFF, v2  }
.Ltmp3:
0x40: {  	v4 =	vshll.u32 v3, $0x10;
	v5 =	vshll.u32 v2, $0x3;
	(pc) =	sbr.rel @p1 .LBB2_3-.Ltmp3, $4  }
0x41: {  	s14 =	sadd.s32 $0x10, s14;
	v3 =	vshll.u32 v3, $0x7;
	v4 =	vand.u32 $0xFFF80000, v4;
	v5 =	vand.u32 $0xFFFFFC00, v5;
	(ifvalue) =	ssetifvalue $0x7FFFFFFF  }
0x42: {  	v3 =	vand.u32 $0x380, v3;
	v4 =	vadd.s32 v4, v5;
	[tilespmem:s14], [sflag:$0x1] =	stream.indirect_vreg.gather [hbm4b:s2+s10], $0x1, v1, vm0, $0x4038;
	v63 =	vld [tilespmem:$0x0]  }
0x43: {  	v1 =	vand.u32 $0x7F, v2;
	v3 =	vor.u32 v3, v4  }
0x44: {  	s17 =	sadd.s32 $0x10, s17;
	v2 =	vshrl.u32 v0, $0xA;
	v1 =	vor.u32 v1, v3  }
.Ltmp4:
0x45: {  	_ = 	snop;
	(pc) =	sbr.rel .LBB2_4-.Ltmp4, $1  }
0x46: {  	_ =	sdelay $0x3  }
.LBB2_6:
0x47: {  	_ =	sfence.sel $0x180000  }
0x48: {  	s2 =	simm.s32 $0x2;
	[bflag:$0x0] =	sbarrier.arrive $0xFFFF  }
0x49: {  	s30 =	simm.s32 $0x3;
	[sflag:s2] =	ssyncpa.u1 $0x1  }
0x4a: {  	s31 =	simm.s32 $0x1;
	[sflag:s30] =	ssyncpa.u1 $0x1  }
0x4b: {  	[sflag:s31] =	ssyncpa.u1 $0x1  }
0x4c: {  	p0 =	sne.s32 s1, $0x0;
	_ =	strace $0x90000059  }
0x4d: {  	s0 =	sadd.s32 @!p0 $0x100000, s0;
	[bflag:$0x2] =	sbarrier.arrive $0xFFFF  }
0x4e: {  	[sflag:s0] =	ssyncadd.tile.s32 @!p0 $0x1;
	_ =	shalt  }
.Lfunc_end2:
_tile_overlayer_lowered:
.L_overlay_start_2:
0x4f: {  	(tag) =	ssettag $0x2  }
0x50: {  	s0 =	rddreg [dreg:$0x0];
	s2 =	stileid.u32  }
0x51: {  	s1 =	rddreg [dreg:$0x1];
	p0 =	sne.s32 s2, $0x0  }
0x52: {  	s3 =	rddreg [dreg:$0x2];
	[bflag:$0x3] =	sbarrier.arrive $0xFFFF;
	s2 =	simm.s32 @!p0 $0x1C01  }
0x53: {  	[timem:s3], [sflag:s2] =	dma.local @!p0 [hbm:s0], s1  }
0x54: {  	s0 =	simm.s32 @!p0 $0x1  }
0x55: {  	_ =	swait.ge @!p0 [sflag:s0], s1  }
0x56: {  	s1 =	ssub.s32 @!p0 $0x0, s1;
	[sflag:s0] =	ssyncset.done @!p0 $0x0  }
0x57: {  	[sflag:s0] =	ssyncadd.s32 @!p0 s1  }
0x58: {  	[bflag:$0x3] =	sbarrier.arrive $0xFFFF  }
0x59: {  	_ =	shalt  }

// kernel: kernel.7.cloned.1.call-start
scs
__scs_entry_jumppad:
0x0: {  	(pc) =	sbr.rel $0x88, $3  }
0x1: {  	(tag) =	ssettag $0x0;
	lr =	simm.s32 $0x1  }
0x2: {  	[smem:$0x3F9F] =	sst lr;
	_ =	strace $0xD0000000  }
0x3: {  	_ = 	snop  }
0x4: {  	_ = 	snop  }
0x5: {  	_ = 	snop  }
0x6: {  	_ = 	snop  }
0x7: {  	_ = 	snop  }
__scs_overlays_trampoline_lowered:
0x8: {  	[smem:$0x3FAE] =	sst s0  }
0x9: {  	[smem:$0x3FAF] =	sst s1  }
0xa: {  	[smem:$0x3FB0] =	sst s2  }
0xb: {  	[smem:$0x3FB1] =	sst s3  }
0xc: {  	[smem:$0x3FB2] =	sst s4  }
0xd: {  	[smem:$0x3FB3] =	sst s5  }
0xe: {  	[smem:$0x3FB4] =	sst s6  }
0xf: {  	[smem:$0x3FB5] =	sst s7  }
0x10: {  	[smem:$0x3FB6] =	sst s8  }
0x11: {  	[smem:$0x3FB7] =	sst s9;
	s0 =	simm.s32 @!p0 $0x0  }
0x12: {  	s1 =	sld [smem:$0x3F9D];
	s0 =	simm.s32 @p0 $0x1  }
0x13: {  	[smem:$0x3FB8] =	sst s0;
	s0 =	simm.s32 @!p1 $0x0  }
0x14: {  	s2 =	sld [smem:$0x3F9C];
	s0 =	simm.s32 @p1 $0x1  }
0x15: {  	[smem:$0x3FB9] =	sst s0;
	s0 =	simm.s32 @!p2 $0x0  }
0x16: {  	s3 =	sld [smem:$0x3FDB];
	s0 =	simm.s32 @p2 $0x1  }
0x17: {  	s4 =	simm.s32 $0x1BF5;
	[smem:$0x3FBB] =	sst s0  }
0x18: {  	s0 =	sld [smem:$0x3F9E];
	_ =	swait.ge [sflag:s4], $0x0  }
0x19: {  	s7 =	sld [smem:$0x3F9F]  }
0x1a: {  	s8 =	sadd.s32 $0xFFFFE003, lr  }
0x1b: {  	s9 =	sadd.s32 $0xFFFFFEF7, lr;
	s5 =	simm.s32 $0xFFFFFFFF;
	p2 =	slt.u32 s8, $0xFFFFF086  }
0x1c: {  	p1 =	slt.u32 s9, $0xF7A;
	s5 =	simm.s32 @!p2 $0x0  }
0x1d: {  	s5 =	simm.s32 @p1 $0x1;
	p0 =	seq.s32 s7, s2  }
0x1e: {  	s7 =	smul.u32 @!p0 $0xF7A, s2;
	p2 =	seq.s32 @!p0 s5, $0x0  }
0x1f: {  	s9 =	smul.u32 $0xF7A, s1;
	s8 =	simm.s32 @!p0 $0x1BF5;
	p2 =	por !p2, p0  }
0x20: {  	[sflag:s8] =	ssyncset.s32 @!p0 $0xFFFFF086;
	s6 =	sadd.s32 @!p0 s3, s7;
	s7 =	simm.s32 @!p0 $0x108  }
0x21: {  	s3 =	sadd.s32 s3, s9;
	s6 =	sadd.s32 @!p0 $0x88, s6;
	s7 =	simm.s32 @p2 $0x1082  }
0x22: {  	[simem:s7], [sflag:s8] =	dma.local @!p0 [hbm:s6], $0xF7A  }
0x23: {  	s9 =	sor.u32 $0xD0000000, s2;
	s6 =	simm.s32 $0x108;
	_ =	swait.ge @!p0 [sflag:s8], $0x0  }
0x24: {  	s3 =	sadd.s32 $0x88, s3;
	s6 =	simm.s32 @!p1 $0x1082;
	[sflag:s4] =	ssyncset.s32 $0xFFFFF086  }
0x25: {  	[simem:s6], [sflag:s4] =	dma.local [hbm:s3], $0xF7A  }
0x26: {  	[smem:$0x3F9F] =	sst s1;
	(tag) =	ssettag s2;
	_ =	strace s9  }
0x27: {  	s1 =	sld [smem:$0x3FAF]  }
0x28: {  	s2 =	sld [smem:$0x3FB0]  }
0x29: {  	s4 =	sld [smem:$0x3FB2]  }
0x2a: {  	p0 =	seq.s32 s5, $0x0;
	s5 =	sld [smem:$0x3FB3]  }
0x2b: {  	s6 =	sld [smem:$0x3FB4]  }
0x2c: {  	s7 =	sld [smem:$0x3FB5]  }
0x2d: {  	s3 =	simm.s32 $0x108;
	s8 =	sld [smem:$0x3FB6]  }
0x2e: {  	s3 =	simm.s32 @!p0 $0x1082;
	s9 =	sld [smem:$0x3FB7]  }
0x2f: {  	lr =	sadd.s32 s0, s3;
	s0 =	sld [smem:$0x3FAE]  }
0x30: {  	s3 =	sld [smem:$0x3FB1]  }
0x31: {  	[smem:$0x3FBA] =	sst s10  }
0x32: {  	s10 =	sld [smem:$0x3FB8];
	_ =	sdelay $0x3  }
0x33: {  	p0 =	seq.s32 s10, $0x1;
	s10 =	sld [smem:$0x3FBA];
	_ =	sdelay $0x3  }
0x34: {  	[smem:$0x3FBA] =	sst s10  }
0x35: {  	s10 =	sld [smem:$0x3FB9];
	_ =	sdelay $0x3  }
0x36: {  	p1 =	seq.s32 s10, $0x1;
	s10 =	sld [smem:$0x3FBA];
	_ =	sdelay $0x3  }
0x37: {  	[smem:$0x3FBA] =	sst s10  }
0x38: {  	s10 =	sld [smem:$0x3FBB]  }
0x39: {  	_ = 	snop;
	(pc) =	sbr.ind lr, $3  }
0x3a: {  	_ = 	snop  }
0x3b: {  	_ = 	snop  }
0x3c: {  	p2 =	seq.s32 s10, $0x1;
	s10 =	sld [smem:$0x3FBA]  }
0x3d: {  	_ =	shalt  }
0x3e: {  	_ =	shalt  }
0x3f: {  	_ =	shalt  }
0x40: {  	_ =	shalt  }
0x41: {  	_ =	shalt  }
0x42: {  	_ =	shalt  }
0x43: {  	_ =	shalt  }
0x44: {  	_ =	shalt  }
0x45: {  	_ =	shalt  }
0x46: {  	_ =	shalt  }
0x47: {  	_ =	shalt  }
0x48: {  	_ =	shalt  }
0x49: {  	_ =	shalt  }
0x4a: {  	_ =	shalt  }
0x4b: {  	_ =	shalt  }
0x4c: {  	_ =	shalt  }
0x4d: {  	_ =	shalt  }
0x4e: {  	_ =	shalt  }
0x4f: {  	_ =	shalt  }
0x50: {  	_ =	shalt  }
0x51: {  	_ =	shalt  }
0x52: {  	_ =	shalt  }
0x53: {  	_ =	shalt  }
0x54: {  	_ =	shalt  }
0x55: {  	_ =	shalt  }
0x56: {  	_ =	shalt  }
0x57: {  	_ =	shalt  }
0x58: {  	_ =	shalt  }
0x59: {  	_ =	shalt  }
0x5a: {  	_ =	shalt  }
0x5b: {  	_ =	shalt  }
0x5c: {  	_ =	shalt  }
0x5d: {  	_ =	shalt  }
0x5e: {  	_ =	shalt  }
0x5f: {  	_ =	shalt  }
0x60: {  	_ =	shalt  }
0x61: {  	_ =	shalt  }
0x62: {  	_ =	shalt  }
0x63: {  	_ =	shalt  }
0x64: {  	_ =	shalt  }
0x65: {  	_ =	shalt  }
0x66: {  	_ =	shalt  }
0x67: {  	_ =	shalt  }
0x68: {  	_ =	shalt  }
0x69: {  	_ =	shalt  }
0x6a: {  	_ =	shalt  }
0x6b: {  	_ =	shalt  }
0x6c: {  	_ =	shalt  }
0x6d: {  	_ =	shalt  }
0x6e: {  	_ =	shalt  }
0x6f: {  	_ =	shalt  }
0x70: {  	_ =	shalt  }
0x71: {  	_ =	shalt  }
0x72: {  	_ =	shalt  }
0x73: {  	_ =	shalt  }
0x74: {  	_ =	shalt  }
0x75: {  	_ =	shalt  }
0x76: {  	_ =	shalt  }
0x77: {  	_ =	shalt  }
0x78: {  	_ =	shalt  }
0x79: {  	_ =	shalt  }
0x7a: {  	_ =	shalt  }
0x7b: {  	_ =	shalt  }
0x7c: {  	_ =	shalt  }
0x7d: {  	_ =	shalt  }
0x7e: {  	_ =	shalt  }
0x7f: {  	_ =	shalt  }
0x80: {  	_ =	shalt  }
0x81: {  	_ =	shalt  }
0x82: {  	_ =	shalt  }
0x83: {  	_ =	shalt  }
0x84: {  	_ =	shalt  }
0x85: {  	_ =	shalt  }
0x86: {  	_ =	shalt  }
0x87: {  	_ =	shalt  }
.Lfunc_end0:
.L_simem_size_0:
called_computation.6_lowered:
.L_overlay_start_0:
0x88: {  	s2 =	sld [smem:$0x3FD9]  }
0x89: {  	s3 =	sld [smem:$0x3FFE];
	_ =	sdelay $0x1  }
0x8a: {  	s1 =	srdreg.scid  }
0x8b: {  	s0 =	sand.u32 $0x1, s1  }
0x8c: {  	s16 =	sshll.u32 s0, $0xA;
	s2 =	sadd.s32 s3, s2  }
0x8d: {  	s2 =	sadd.s32 s2, s16  }
0x8e: {  	[smem:$0x3FC6] =	sst s2  }
0x8f: {  	_ = 	snop  }
0x90: {  	(tm) =	ssettm $0x1  }
0x91: {  	s17 =	sld [smem:$0x3FFB];
	_ =	sdelay $0x3  }
0x92: {  	_ =	strace s17  }
0x93: {  	s2 =	sld [smem:$0x3FFC];
	_ =	sdelay $0x3  }
0x94: {  	_ =	strace s2  }
0x95: {  	s2 =	sld [smem:$0x3FFD];
	_ =	sdelay $0x3  }
0x96: {  	_ =	strace s2  }
0x97: {  	_ =	strace $0x8FFFFFFF  }
0x98: {  	s18 =	sld [smem:$0x3FDB];
	_ =	sdelay $0x1  }
0x99: {  	s19 =	simm.s32 $_scs_section_size  }
0x9a: {  	s4 =	simm.s32 $_size__tile_overlayer_lowered;
	s5 =	simm.s32 $_tile_overlayer_lowered  }
0x9b: {  	s22 =	simm.s32 $0x1BFF;
	s21 =	sshll.u32 s5, $0x1;
	s2 =	sadd.s32 s19, s18  }
0x9c: {  	s6 =	simm.s32 $0x0;
	s20 =	sshll.u32 s4, $0x1;
	s4 =	sadd.s32 s21, s2  }
0x9d: {  	[timem:s6], [sflag:s22] =	dma.local [hbm:s4], s20  }
0x9e: {  	_ =	swait.ge [sflag:s22], s20  }
0x9f: {  	s3 =	ssub.s32 $0x0, s20;
	[sflag:s22] =	ssyncset.done $0x0  }
0xa0: {  	[sflag:s22] =	ssyncadd.s32 s3;
	_ =	sdelay $0x1  }
0xa1: {  	s23 =	simm.s32 $0x1B8B  }
0xa2: {  	_ =	swait.ge [sflag:s23], $0x1  }
0xa3: {  	[sflag:s23] =	ssyncset.done $0x0  }
0xa4: {  	s25 =	simm.s32 $0x1B8E;
	s24 =	sld [smem:$0x3FFE];
	[sflag:s23] =	ssyncadd.s32 $0xFFFFFFFF  }
0xa5: {  	s26 =	simm.s32 $execute0_lowered;
	[smem:$0x3FD2] =	sst s25  }
0xa6: {  	s4 =	sshll.u32 s26, $0x1;
	_ =	strace $0x80000055;
	[dreg:$0x1] =	wrdreg $0xFFFFFFFF  }
0xa7: {  	s28 =	simm.s32 $_size_execute0_lowered;
	s2 =	sadd.s32 s2, s4;
	[dreg:$0x0] =	wrdreg $0x0  }
0xa8: {  	s4 =	sshll.u32 s28, $0x1;
	[dreg:$0x2] =	wrdreg s2  }
0xa9: {  	[dreg:$0x3] =	wrdreg s4  }
0xaa: {  	[dreg:$0x4] =	wrdreg $0xC0  }
0xab: {  	_ =	task [dreg:s6], $0x5FFFF  }
0xac: {  	[dreg:$0x1] =	wrdreg $0xFFFFFFFF  }
0xad: {  	[dreg:$0x0] =	wrdreg $0x60  }
0xae: {  	[dreg:$0x2] =	wrdreg s24  }
0xaf: {  	[dreg:$0x3] =	wrdreg $0x9  }
0xb0: {  	_ =	task.clear_ibuf [dreg:s6], $0x4FFFF;
	_ =	strace $0x90000055  }
0xb1: {  	s29 =	simm.s32 $0x9;
	_ =	strace $0x80000057  }
0xb2: {  	_ =	swait.ge [sflag:s29], $0x1  }
0xb3: {  	[sflag:s29] =	ssyncadd.s32 $0xFFFFFFFF  }
0xb4: {  	_ =	strace $0x90000057  }
0xb5: {  	_ =	sfence  }
0xb6: {  	s30 =	sld [smem:$0x0];
	_ =	sdelay $0x2  }
0xb7: {  	s31 =	sshll.u32 s1, $0xD;
	s1 =	sshrl.u32 s1, $0x2  }
0xb8: {  	s3 =	sand.u32 $0x4000, s31;
	s1 =	sadd.s32 s1, s30  }
0xb9: {  	s0 =	sor.u32 s3, s0;
	s1 =	sshll.u32 s1, $0x11  }
0xba: {  	s0 =	sor.u32 s1, s0  }
0xbb: {  	s0 =	sadd.s32 $0x8F2B, s0  }
0xbc: {  	[sflag:s0] =	ssyncadd.remote.s32 $0x1  }
0xbd: {  	_ =	sfence.sel $0xFFFF  }
0xbe: {  	[dreg:$0x0] =	wrdreg $0xFFFFFFFF;
	(pc) =	sbr.abs _section_cstart, $3  }
0xbf: {  	[dreg:$0x1] =	wrdreg $0xFFFFFFFF  }
0xc0: {  	_ =	task.clear_ibuf [dreg:s6], $0x2FFFF;
	_ =	strace $0x9FFFFFFF  }
0xc1: {  	(tm) =	ssettm $0x7FFFFFFF  }
tec
execute0_lowered:
.L_overlay_start_1:
0x0: {  	(tag) =	ssettag $0x1  }
0x1: {  	s0 =	rddreg [dreg:$0x0]  }
0x2: {  	s19 =	simm.s32 $0x0;
	s1 =	srdreg.scid;
	s11 =	stileid.u32;
	v0 =	vimm.s32 $0xEFCDAB89;
	v1 =	vimm.s32 $0x67452301  }
0x3: {  	s17 =	simm.s32 $0x180;
	s18 =	simm.s32 $0x200;
	s22 =	simm.s32 $0x400;
	v2 =	vimm.s32 $0xDCFE98BA;
	v0 =	vunpack.c.l.s4.s8 v0;
	v1 =	vunpack.c.l.s4.s8 v1  }
0x4: {  	s14 =	simm.s32 $0x2;
	s15 =	simm.s32 $0x80;
	s16 =	simm.s32 $0x100;
	v3 =	vimm.s32 $0x54761032;
	v4 =	vimm.s32 $0x32107654;
	v5 =	vimm.s32 $0xFEDCBA98  }
0x5: {  	v6 =	vimm.s32 $0x76543210;
	s25 =	simm.s32 $0x1;
	s21 =	simm.s32 $0xDD00;
	s23 =	simm.s32 $0xE500;
	v0 =	vunpack.c.0.s8.s32 v0;
	v1 =	vunpack.c.0.s8.s32 v1  }
0x6: {  	v8 =	vlaneseq.u32;
	s24 =	simm.s32 $0xED00;
	vm0 =	vmmov $0xffff;
	s26 =	simm.s32 $0xF500;
	s28 =	simm.s32 $0xFD00;
	v2 =	vunpack.c.l.s4.s8 v2  }
0x7: {  	s29 =	simm.s32 $0x10500;
	[smem:$0x7FF] =	sst s19;
	s2 =	sadd.s32 $0x204C00, s0;
	v3 =	vunpack.c.l.s4.s8 v3;
	v0 =	vcombine.low v1, v0;
	v1 =	vimm.s32 $0xBA98FEDC  }
0x8: {  	s3 =	sadd.s32 $0x224C00, s0;
	s4 =	sadd.s32 $0x1A94C00, s0;
	s1 =	sand.u32 $0x1, s1;
	v4 =	vunpack.c.l.s4.s8 v4;
	v5 =	vunpack.c.l.s4.s8 v5;
	v1 =	vunpack.c.l.s4.s8 v1  }
0x9: {  	s5 =	sadd.s32 $0x1A90C00, s0;
	s6 =	sadd.s32 $0x1A8CC00, s0;
	v6 =	vunpack.c.l.s4.s8 v6;
	s7 =	ssub.s32 $0x2, s1;
	v2 =	vunpack.c.0.s8.s32 v2;
	v3 =	vunpack.c.0.s8.s32 v3  }
0xa: {  	s8 =	sadd.s32 $0x1A88C00, s0;
	s9 =	sadd.s32 $0x4C00, s0;
	s12 =	sshrl.u32 s7, $0x1;
	v4 =	vunpack.c.0.s8.s32 v4;
	v5 =	vunpack.c.0.s8.s32 v5;
	v7 =	vunpack.c.0.s8.s32 v1  }
0xb: {  	s10 =	sadd.s32 $0x244C00, s0;
	s13 =	sshll.u32 s11, $0x6;
	v9 =	vshrl.u32 v8, $0x3;
	v6 =	vunpack.c.0.s8.s32 v6;
	s31 =	ssub.s32 s7, s12;
	v1 =	vcombine.low v3, v2  }
0xc: {  	s11 =	sadd.s32 $0x254C00, s0;
	s1 =	sshll.u32 s1, $0x5;
	s0 =	smax.u32 s31, $0x1;
	v3 =	vand.u32 $0x7, v8;
	v2 =	vcombine.low v4, v7;
	v7 =	vand.u32 $0xF, v5  }
0xd: {  	_ =	strace $0x80000056;
	s12 =	sor.u32 s1, s13;
	[dreg:$0x3] =	wrdreg s0;
	v4 =	vmul.u32 $0x8, v9;
	v5 =	vor.u32 $0x8, v8;
	v6 =	vcombine.low v7, v6  }
.LBB2_1:
0xe: {  	[dreg:$0x2] =	wrdreg s19;
	s30 =	simm.s32 $0x0  }
.LBB2_2:
0xf: {  	s0 =	sadd.s32 s12, s30  }
0x10: {  	s13 =	sshll.u32 s30, $0x7;
	s31 =	sshrl.u32 s0, $0x3  }
0x11: {  	s0 =	sand.u32 $0x380, s13;
	s1 =	sshll.u32 s31, $0xA  }
0x12: {  	s1 =	sor.u32 s0, s1  }
0x13: {  	s1 =	sshrl.u32 s1, $0x3  }
0x14: {  	s7 =	simm.s32 $0x0;
	s13 =	sadd.s32 s4, s1  }
0x15: {  	[tilespmem:s7], [sflag:$0x2] =	stream.linear.gather [hbm4b:s13+s7], $0x80, $0x38;
	[tilespmem:$0x10D00] =	vst v63  }
0x16: {  	_ =	swait.ge [sflag:s14], $0x80  }
0x17: {  	[sflag:s14] =	ssyncset.done $0x0  }
0x18: {  	s19 =	sadd.s32 s5, s1;
	[sflag:s14] =	ssyncadd.s32 $0xFFFFFF80  }
0x19: {  	[tilespmem:s15], [sflag:$0x2] =	stream.linear.gather [hbm4b:s19+s7], $0x80, $0x38;
	[tilespmem:$0x10D00] =	vst v63  }
0x1a: {  	_ =	swait.ge [sflag:s14], $0x80  }
0x1b: {  	[sflag:s14] =	ssyncset.done $0x0  }
0x1c: {  	s20 =	sadd.s32 s6, s1;
	[sflag:s14] =	ssyncadd.s32 $0xFFFFFF80  }
0x1d: {  	[tilespmem:s16], [sflag:$0x2] =	stream.linear.gather [hbm4b:s20+s7], $0x80, $0x38;
	[tilespmem:$0x10D00] =	vst v63  }
0x1e: {  	_ =	swait.ge [sflag:s14], $0x80  }
0x1f: {  	[sflag:s14] =	ssyncset.done $0x0  }
0x20: {  	s1 =	sadd.s32 s8, s1;
	[sflag:s14] =	ssyncadd.s32 $0xFFFFFF80  }
0x21: {  	[tilespmem:s17], [sflag:$0x2] =	stream.linear.gather [hbm4b:s1+s7], $0x80, $0x38;
	[tilespmem:$0x10D00] =	vst v63  }
0x22: {  	_ =	swait.ge [sflag:s14], $0x80  }
0x23: {  	[sflag:s14] =	ssyncset.done $0x0  }
0x24: {  	[sflag:s14] =	ssyncadd.s32 $0xFFFFFF80  }
0x25: {  	[tilespmem:s18], [sflag:$0x2] =	stream.indirect.gather [hbm4b:s2+s15], $0x1, s7, s15, $0xb8;
	[tilespmem:$0x10D00] =	vst v63  }
0x26: {  	_ =	swait.ge [sflag:s14], $0x80  }
0x27: {  	[sflag:s14] =	ssyncset.done $0x0  }
0x28: {  	s13 =	simm.s32 $0x280;
	[sflag:s14] =	ssyncadd.s32 $0xFFFFFF80  }
0x29: {  	[tilespmem:s13], [sflag:$0x2] =	stream.indirect.gather [hbm4b:s2+s15], $0x1, s15, s15, $0xb8;
	[tilespmem:$0x10D00] =	vst v63  }
0x2a: {  	_ =	swait.ge [sflag:s14], $0x80  }
0x2b: {  	[sflag:s14] =	ssyncset.done $0x0  }
0x2c: {  	s19 =	simm.s32 $0x300;
	[sflag:s14] =	ssyncadd.s32 $0xFFFFFF80  }
0x2d: {  	[tilespmem:s19], [sflag:$0x2] =	stream.indirect.gather [hbm4b:s2+s15], $0x1, s16, s15, $0xb8;
	[tilespmem:$0x10D00] =	vst v63  }
0x2e: {  	_ =	swait.ge [sflag:s14], $0x80  }
0x2f: {  	[sflag:s14] =	ssyncset.done $0x0  }
0x30: {  	s20 =	simm.s32 $0x380;
	[sflag:s14] =	ssyncadd.s32 $0xFFFFFF80  }
0x31: {  	[tilespmem:s20], [sflag:$0x2] =	stream.indirect.gather [hbm4b:s2+s15], $0x1, s17, s15, $0xb8;
	[tilespmem:$0x10D00] =	vst v63  }
0x32: {  	_ =	swait.ge [sflag:s14], $0x80  }
0x33: {  	[sflag:s14] =	ssyncset.done $0x0  }
0x34: {  	[sflag:s14] =	ssyncadd.s32 $0xFFFFFF80  }
0x35: {  	[tilespmem:s22], [sflag:$0x2] =	stream.indirect.gather [hbm4b:s3+s15], $0x1, s16, s15, $0xb8;
	[tilespmem:$0x10D00] =	vst v63  }
0x36: {  	_ =	swait.ge [sflag:s14], $0x80  }
0x37: {  	[sflag:s14] =	ssyncset.done $0x0  }
0x38: {  	s13 =	simm.s32 $0x480;
	[sflag:s14] =	ssyncadd.s32 $0xFFFFFF80  }
0x39: {  	[tilespmem:s13], [sflag:$0x2] =	stream.indirect.gather [hbm4b:s3+s15], $0x1, s17, s15, $0xb8;
	[tilespmem:$0x10D00] =	vst v63  }
0x3a: {  	_ =	swait.ge [sflag:s14], $0x80  }
0x3b: {  	[sflag:s14] =	ssyncset.done $0x0  }
0x3c: {  	[sflag:s14] =	ssyncadd.s32 $0xFFFFFF80  }
0x3d: {  	v7 =	vld [tilespmem:$0x400];
	_ =	sdelay $0x4  }
0x3e: {  	v8 =	vshll.u32 v7, $0x1  }
0x3f: {  	v7 =	vand.u32 $0x7, v7;
	v8 =	vand.u32 $0xFFFFFFF0, v8  }
0x40: {  	v7 =	vor.u32 v7, v8  }
0x41: {  	v8 =	vperm.xlane v7, v3;
	_ =	sdelay $0x1  }
0x42: {  	v7 =	vperm.xlane v7, v5;
	v8 =	vadd.s32 v4, v8;
	_ =	sdelay $0x1  }
0x43: {  	v7 =	vadd.s32 v4, v7;
	_ =	sdelay $0x1  }
0x44: {  	s19 =	simm.s32 $0x500  }
0x45: {  	[tilespmem:s19], [sflag:$0x1] =	stream.indirect_vreg.gather [hbm4b:s9+s7], $0x80, v8, vm0, $0xb8;
	[tilespmem:$0x10D00] =	vst v63  }
0x46: {  	s20 =	simm.s32 $0xD00  }
0x47: {  	[tilespmem:s20], [sflag:$0x1] =	stream.indirect_vreg.gather [hbm4b:s9+s7], $0x80, v7, vm0, $0xb8;
	[tilespmem:$0x10D00] =	vst v63  }
0x48: {  	v7 =	vld [tilespmem:$0x410];
	_ =	sdelay $0x4  }
0x49: {  	v8 =	vshll.u32 v7, $0x1  }
0x4a: {  	v7 =	vand.u32 $0x7, v7;
	v8 =	vand.u32 $0xFFFFFFF0, v8  }
0x4b: {  	v7 =	vor.u32 v7, v8  }
0x4c: {  	v8 =	vperm.xlane v7, v3;
	_ =	sdelay $0x1  }
0x4d: {  	v7 =	vperm.xlane v7, v5;
	v8 =	vadd.s32 v4, v8;
	_ =	sdelay $0x1  }
0x4e: {  	v7 =	vadd.s32 v4, v7;
	_ =	sdelay $0x1  }
0x4f: {  	s13 =	simm.s32 $0x1500  }
0x50: {  	[tilespmem:s13], [sflag:$0x1] =	stream.indirect_vreg.gather [hbm4b:s9+s7], $0x80, v8, vm0, $0xb8;
	[tilespmem:$0x10D00] =	vst v63  }
0x51: {  	s19 =	simm.s32 $0x1D00  }
0x52: {  	[tilespmem:s19], [sflag:$0x1] =	stream.indirect_vreg.gather [hbm4b:s9+s7], $0x80, v7, vm0, $0xb8;
	[tilespmem:$0x10D00] =	vst v63  }
0x53: {  	v7 =	vld [tilespmem:$0x420];
	_ =	sdelay $0x4  }
0x54: {  	v8 =	vshll.u32 v7, $0x1  }
0x55: {  	v7 =	vand.u32 $0x7, v7;
	v8 =	vand.u32 $0xFFFFFFF0, v8  }
0x56: {  	v7 =	vor.u32 v7, v8  }
0x57: {  	v8 =	vperm.xlane v7, v3;
	_ =	sdelay $0x1  }
0x58: {  	v7 =	vperm.xlane v7, v5;
	v8 =	vadd.s32 v4, v8;
	_ =	sdelay $0x1  }
0x59: {  	v7 =	vadd.s32 v4, v7;
	_ =	sdelay $0x1  }
0x5a: {  	s20 =	simm.s32 $0x2500  }
0x5b: {  	[tilespmem:s20], [sflag:$0x1] =	stream.indirect_vreg.gather [hbm4b:s9+s7], $0x80, v8, vm0, $0xb8;
	[tilespmem:$0x10D00] =	vst v63  }
0x5c: {  	s13 =	simm.s32 $0x2D00  }
0x5d: {  	[tilespmem:s13], [sflag:$0x1] =	stream.indirect_vreg.gather [hbm4b:s9+s7], $0x80, v7, vm0, $0xb8;
	[tilespmem:$0x10D00] =	vst v63  }
0x5e: {  	v7 =	vld [tilespmem:$0x430];
	_ =	sdelay $0x4  }
0x5f: {  	v8 =	vshll.u32 v7, $0x1  }
0x60: {  	v7 =	vand.u32 $0x7, v7;
	v8 =	vand.u32 $0xFFFFFFF0, v8  }
0x61: {  	v7 =	vor.u32 v7, v8  }
0x62: {  	v8 =	vperm.xlane v7, v3;
	_ =	sdelay $0x1  }
0x63: {  	v7 =	vperm.xlane v7, v5;
	v8 =	vadd.s32 v4, v8;
	_ =	sdelay $0x1  }
0x64: {  	v7 =	vadd.s32 v4, v7;
	_ =	sdelay $0x1  }
0x65: {  	s19 =	simm.s32 $0x3500  }
0x66: {  	[tilespmem:s19], [sflag:$0x1] =	stream.indirect_vreg.gather [hbm4b:s9+s7], $0x80, v8, vm0, $0xb8;
	[tilespmem:$0x10D00] =	vst v63  }
0x67: {  	s20 =	simm.s32 $0x3D00  }
0x68: {  	[tilespmem:s20], [sflag:$0x1] =	stream.indirect_vreg.gather [hbm4b:s9+s7], $0x80, v7, vm0, $0xb8;
	[tilespmem:$0x10D00] =	vst v63  }
0x69: {  	v7 =	vld [tilespmem:$0x440];
	_ =	sdelay $0x4  }
0x6a: {  	v8 =	vshll.u32 v7, $0x1  }
0x6b: {  	v7 =	vand.u32 $0x7, v7;
	v8 =	vand.u32 $0xFFFFFFF0, v8  }
0x6c: {  	v7 =	vor.u32 v7, v8  }
0x6d: {  	v8 =	vperm.xlane v7, v3;
	_ =	sdelay $0x1  }
0x6e: {  	v7 =	vperm.xlane v7, v5;
	v8 =	vadd.s32 v4, v8;
	_ =	sdelay $0x1  }
0x6f: {  	v7 =	vadd.s32 v4, v7;
	_ =	sdelay $0x1  }
0x70: {  	s13 =	simm.s32 $0x4500  }
0x71: {  	[tilespmem:s13], [sflag:$0x1] =	stream.indirect_vreg.gather [hbm4b:s9+s7], $0x80, v8, vm0, $0xb8;
	[tilespmem:$0x10D00] =	vst v63  }
0x72: {  	s19 =	simm.s32 $0x4D00  }
0x73: {  	[tilespmem:s19], [sflag:$0x1] =	stream.indirect_vreg.gather [hbm4b:s9+s7], $0x80, v7, vm0, $0xb8;
	[tilespmem:$0x10D00] =	vst v63  }
0x74: {  	v7 =	vld [tilespmem:$0x450];
	_ =	sdelay $0x4  }
0x75: {  	v8 =	vshll.u32 v7, $0x1  }
0x76: {  	v7 =	vand.u32 $0x7, v7;
	v8 =	vand.u32 $0xFFFFFFF0, v8  }
0x77: {  	v7 =	vor.u32 v7, v8  }
0x78: {  	v8 =	vperm.xlane v7, v3;
	_ =	sdelay $0x1  }
0x79: {  	v7 =	vperm.xlane v7, v5;
	v8 =	vadd.s32 v4, v8;
	_ =	sdelay $0x1  }
0x7a: {  	v7 =	vadd.s32 v4, v7;
	_ =	sdelay $0x1  }
0x7b: {  	s20 =	simm.s32 $0x5500  }
0x7c: {  	[tilespmem:s20], [sflag:$0x1] =	stream.indirect_vreg.gather [hbm4b:s9+s7], $0x80, v8, vm0, $0xb8;
	[tilespmem:$0x10D00] =	vst v63  }
0x7d: {  	s13 =	simm.s32 $0x5D00  }
0x7e: {  	[tilespmem:s13], [sflag:$0x1] =	stream.indirect_vreg.gather [hbm4b:s9+s7], $0x80, v7, vm0, $0xb8;
	[tilespmem:$0x10D00] =	vst v63  }
0x7f: {  	v7 =	vld [tilespmem:$0x460];
	_ =	sdelay $0x4  }
0x80: {  	v8 =	vshll.u32 v7, $0x1  }
0x81: {  	v7 =	vand.u32 $0x7, v7;
	v8 =	vand.u32 $0xFFFFFFF0, v8  }
0x82: {  	v7 =	vor.u32 v7, v8  }
0x83: {  	v8 =	vperm.xlane v7, v3;
	_ =	sdelay $0x1  }
0x84: {  	v7 =	vperm.xlane v7, v5;
	v8 =	vadd.s32 v4, v8;
	_ =	sdelay $0x1  }
0x85: {  	v7 =	vadd.s32 v4, v7;
	_ =	sdelay $0x1  }
0x86: {  	s19 =	simm.s32 $0x6500  }
0x87: {  	[tilespmem:s19], [sflag:$0x1] =	stream.indirect_vreg.gather [hbm4b:s9+s7], $0x80, v8, vm0, $0xb8;
	[tilespmem:$0x10D00] =	vst v63  }
0x88: {  	s20 =	simm.s32 $0x6D00  }
0x89: {  	[tilespmem:s20], [sflag:$0x1] =	stream.indirect_vreg.gather [hbm4b:s9+s7], $0x80, v7, vm0, $0xb8;
	[tilespmem:$0x10D00] =	vst v63  }
0x8a: {  	v7 =	vld [tilespmem:$0x470];
	_ =	sdelay $0x4  }
0x8b: {  	v8 =	vshll.u32 v7, $0x1  }
0x8c: {  	v7 =	vand.u32 $0x7, v7;
	v8 =	vand.u32 $0xFFFFFFF0, v8  }
0x8d: {  	v7 =	vor.u32 v7, v8  }
0x8e: {  	v8 =	vperm.xlane v7, v3;
	_ =	sdelay $0x1  }
0x8f: {  	v7 =	vperm.xlane v7, v5;
	v8 =	vadd.s32 v4, v8;
	_ =	sdelay $0x1  }
0x90: {  	v7 =	vadd.s32 v4, v7;
	_ =	sdelay $0x1  }
0x91: {  	s13 =	simm.s32 $0x7500  }
0x92: {  	[tilespmem:s13], [sflag:$0x1] =	stream.indirect_vreg.gather [hbm4b:s9+s7], $0x80, v8, vm0, $0xb8;
	[tilespmem:$0x10D00] =	vst v63  }
0x93: {  	s19 =	simm.s32 $0x7D00  }
0x94: {  	[tilespmem:s19], [sflag:$0x1] =	stream.indirect_vreg.gather [hbm4b:s9+s7], $0x80, v7, vm0, $0xb8;
	[tilespmem:$0x10D00] =	vst v63  }
0x95: {  	_ =	swait.ge [sflag:s25], $0x8000  }
0x96: {  	[sflag:s25] =	ssyncset.done $0x0  }
0x97: {  	[sflag:s25] =	ssyncadd.s32 $0xFFFF8000  }
0x98: {  	v7 =	vld [tilespmem:$0x480];
	_ =	sdelay $0x4  }
0x99: {  	v8 =	vshll.u32 v7, $0x1  }
0x9a: {  	v7 =	vand.u32 $0x7, v7;
	v8 =	vand.u32 $0xFFFFFFF0, v8  }
0x9b: {  	v7 =	vor.u32 v7, v8  }
0x9c: {  	v8 =	vperm.xlane v7, v3;
	_ =	sdelay $0x1  }
0x9d: {  	v7 =	vperm.xlane v7, v5;
	v8 =	vadd.s32 v4, v8;
	_ =	sdelay $0x1  }
0x9e: {  	v7 =	vadd.s32 v4, v7;
	_ =	sdelay $0x1  }
0x9f: {  	s20 =	simm.s32 $0x8500  }
0xa0: {  	[tilespmem:s20], [sflag:$0x1] =	stream.indirect_vreg.gather [hbm4b:s9+s7], $0x80, v8, vm0, $0xb8;
	[tilespmem:$0x10D00] =	vst v63  }
0xa1: {  	s13 =	simm.s32 $0x8D00  }
0xa2: {  	[tilespmem:s13], [sflag:$0x1] =	stream.indirect_vreg.gather [hbm4b:s9+s7], $0x80, v7, vm0, $0xb8;
	[tilespmem:$0x10D00] =	vst v63  }
0xa3: {  	v7 =	vld [tilespmem:$0x490];
	_ =	sdelay $0x4  }
0xa4: {  	v8 =	vshll.u32 v7, $0x1  }
0xa5: {  	v7 =	vand.u32 $0x7, v7;
	v8 =	vand.u32 $0xFFFFFFF0, v8  }
0xa6: {  	v7 =	vor.u32 v7, v8  }
0xa7: {  	v8 =	vperm.xlane v7, v3;
	_ =	sdelay $0x1  }
0xa8: {  	v7 =	vperm.xlane v7, v5;
	v8 =	vadd.s32 v4, v8;
	_ =	sdelay $0x1  }
0xa9: {  	v7 =	vadd.s32 v4, v7;
	_ =	sdelay $0x1  }
0xaa: {  	s19 =	simm.s32 $0x9500  }
0xab: {  	[tilespmem:s19], [sflag:$0x1] =	stream.indirect_vreg.gather [hbm4b:s9+s7], $0x80, v8, vm0, $0xb8;
	[tilespmem:$0x10D00] =	vst v63  }
0xac: {  	s20 =	simm.s32 $0x9D00  }
0xad: {  	[tilespmem:s20], [sflag:$0x1] =	stream.indirect_vreg.gather [hbm4b:s9+s7], $0x80, v7, vm0, $0xb8;
	[tilespmem:$0x10D00] =	vst v63  }
0xae: {  	v7 =	vld [tilespmem:$0x4A0];
	_ =	sdelay $0x4  }
0xaf: {  	v8 =	vshll.u32 v7, $0x1  }
0xb0: {  	v7 =	vand.u32 $0x7, v7;
	v8 =	vand.u32 $0xFFFFFFF0, v8  }
0xb1: {  	v7 =	vor.u32 v7, v8  }
0xb2: {  	v8 =	vperm.xlane v7, v3;
	_ =	sdelay $0x1  }
0xb3: {  	v7 =	vperm.xlane v7, v5;
	v8 =	vadd.s32 v4, v8;
	_ =	sdelay $0x1  }
0xb4: {  	v7 =	vadd.s32 v4, v7;
	_ =	sdelay $0x1  }
0xb5: {  	s13 =	simm.s32 $0xA500  }
0xb6: {  	[tilespmem:s13], [sflag:$0x1] =	stream.indirect_vreg.gather [hbm4b:s9+s7], $0x80, v8, vm0, $0xb8;
	[tilespmem:$0x10D00] =	vst v63  }
0xb7: {  	s19 =	simm.s32 $0xAD00  }
0xb8: {  	[tilespmem:s19], [sflag:$0x1] =	stream.indirect_vreg.gather [hbm4b:s9+s7], $0x80, v7, vm0, $0xb8;
	[tilespmem:$0x10D00] =	vst v63  }
0xb9: {  	v7 =	vld [tilespmem:$0x4B0];
	_ =	sdelay $0x4  }
0xba: {  	v8 =	vshll.u32 v7, $0x1  }
0xbb: {  	v7 =	vand.u32 $0x7, v7;
	v8 =	vand.u32 $0xFFFFFFF0, v8  }
0xbc: {  	v7 =	vor.u32 v7, v8  }
0xbd: {  	v8 =	vperm.xlane v7, v3;
	_ =	sdelay $0x1  }
0xbe: {  	v7 =	vperm.xlane v7, v5;
	v8 =	vadd.s32 v4, v8;
	_ =	sdelay $0x1  }
0xbf: {  	v7 =	vadd.s32 v4, v7;
	_ =	sdelay $0x1  }
0xc0: {  	s20 =	simm.s32 $0xB500  }
0xc1: {  	[tilespmem:s20], [sflag:$0x1] =	stream.indirect_vreg.gather [hbm4b:s9+s7], $0x80, v8, vm0, $0xb8;
	[tilespmem:$0x10D00] =	vst v63  }
0xc2: {  	s13 =	simm.s32 $0xBD00  }
0xc3: {  	[tilespmem:s13], [sflag:$0x1] =	stream.indirect_vreg.gather [hbm4b:s9+s7], $0x80, v7, vm0, $0xb8;
	[tilespmem:$0x10D00] =	vst v63  }
0xc4: {  	v7 =	vld [tilespmem:$0x4C0];
	_ =	sdelay $0x4  }
0xc5: {  	v8 =	vshll.u32 v7, $0x1  }
0xc6: {  	v7 =	vand.u32 $0x7, v7;
	v8 =	vand.u32 $0xFFFFFFF0, v8  }
0xc7: {  	v7 =	vor.u32 v7, v8  }
0xc8: {  	v8 =	vperm.xlane v7, v3;
	_ =	sdelay $0x1  }
0xc9: {  	v7 =	vperm.xlane v7, v5;
	v8 =	vadd.s32 v4, v8;
	_ =	sdelay $0x1  }
0xca: {  	v7 =	vadd.s32 v4, v7;
	_ =	sdelay $0x1  }
0xcb: {  	s19 =	simm.s32 $0xC500  }
0xcc: {  	[tilespmem:s19], [sflag:$0x1] =	stream.indirect_vreg.gather [hbm4b:s9+s7], $0x80, v8, vm0, $0xb8;
	[tilespmem:$0x10D00] =	vst v63  }
0xcd: {  	s20 =	simm.s32 $0xCD00  }
0xce: {  	[tilespmem:s20], [sflag:$0x1] =	stream.indirect_vreg.gather [hbm4b:s9+s7], $0x80, v7, vm0, $0xb8;
	[tilespmem:$0x10D00] =	vst v63  }
0xcf: {  	v7 =	vld [tilespmem:$0x4D0];
	_ =	sdelay $0x4  }
0xd0: {  	v8 =	vshll.u32 v7, $0x1  }
0xd1: {  	v7 =	vand.u32 $0x7, v7;
	v8 =	vand.u32 $0xFFFFFFF0, v8  }
0xd2: {  	v7 =	vor.u32 v7, v8  }
0xd3: {  	v8 =	vperm.xlane v7, v3;
	_ =	sdelay $0x1  }
0xd4: {  	v7 =	vperm.xlane v7, v5;
	v8 =	vadd.s32 v4, v8;
	_ =	sdelay $0x1  }
0xd5: {  	v7 =	vadd.s32 v4, v7;
	_ =	sdelay $0x1  }
0xd6: {  	s13 =	simm.s32 $0xD500  }
0xd7: {  	[tilespmem:s13], [sflag:$0x1] =	stream.indirect_vreg.gather [hbm4b:s9+s7], $0x80, v8, vm0, $0xb8;
	[tilespmem:$0x10D00] =	vst v63  }
0xd8: {  	_ = 	snop  }
0xd9: {  	[tilespmem:s21], [sflag:$0x1] =	stream.indirect_vreg.gather [hbm4b:s9+s7], $0x80, v7, vm0, $0xb8;
	[tilespmem:$0x10D00] =	vst v63  }
0xda: {  	v7 =	vld [tilespmem:$0x4E0];
	_ =	sdelay $0x4  }
0xdb: {  	v8 =	vshll.u32 v7, $0x1  }
0xdc: {  	v7 =	vand.u32 $0x7, v7;
	v8 =	vand.u32 $0xFFFFFFF0, v8  }
0xdd: {  	v7 =	vor.u32 v7, v8  }
0xde: {  	v8 =	vperm.xlane v7, v3;
	_ =	sdelay $0x1  }
0xdf: {  	v7 =	vperm.xlane v7, v5;
	v8 =	vadd.s32 v4, v8;
	_ =	sdelay $0x1  }
0xe0: {  	v7 =	vadd.s32 v4, v7;
	_ =	sdelay $0x2  }
0xe1: {  	[tilespmem:s23], [sflag:$0x1] =	stream.indirect_vreg.gather [hbm4b:s9+s7], $0x80, v8, vm0, $0xb8;
	[tilespmem:$0x10D00] =	vst v63  }
0xe2: {  	_ = 	snop  }
0xe3: {  	[tilespmem:s24], [sflag:$0x1] =	stream.indirect_vreg.gather [hbm4b:s9+s7], $0x80, v7, vm0, $0xb8;
	[tilespmem:$0x10D00] =	vst v63  }
0xe4: {  	v7 =	vld [tilespmem:$0x4F0];
	_ =	sdelay $0x4  }
0xe5: {  	v8 =	vshll.u32 v7, $0x1  }
0xe6: {  	v7 =	vand.u32 $0x7, v7;
	v8 =	vand.u32 $0xFFFFFFF0, v8  }
0xe7: {  	v7 =	vor.u32 v7, v8  }
0xe8: {  	v8 =	vperm.xlane v7, v3;
	_ =	sdelay $0x1  }
0xe9: {  	v7 =	vperm.xlane v7, v5;
	v8 =	vadd.s32 v4, v8;
	_ =	sdelay $0x1  }
0xea: {  	v7 =	vadd.s32 v4, v7;
	_ =	sdelay $0x2  }
0xeb: {  	[tilespmem:s26], [sflag:$0x1] =	stream.indirect_vreg.gather [hbm4b:s9+s7], $0x80, v8, vm0, $0xb8;
	[tilespmem:$0x10D00] =	vst v63  }
0xec: {  	_ = 	snop  }
0xed: {  	[tilespmem:s28], [sflag:$0x1] =	stream.indirect_vreg.gather [hbm4b:s9+s7], $0x80, v7, vm0, $0xb8;
	[tilespmem:$0x10D00] =	vst v63  }
0xee: {  	_ =	swait.ge [sflag:s25], $0x8000  }
0xef: {  	s19 =	sand.u32 $0x7800, s7;
	s7 =	sand.u32 $0x380, s7;
	[sflag:s25] =	ssyncset.done $0x0  }
0xf0: {  	s1 =	sor.u32 s7, s19;
	[sflag:s25] =	ssyncadd.s32 $0xFFFF8000  }
0xf1: {  	v7 =	vld [tilespmem:s1+$0x8500]  }
0xf2: {  	v8 =	vld [tilespmem:s1+$0x500]  }
0xf3: {  	v9 =	vld [tilespmem:s1+$0x510]  }
0xf4: {  	v10 =	vld [tilespmem:s1+$0x8510]  }
0xf5: {  	v11 =	vld [tilespmem:s1+$0x520]  }
0xf6: {  	v12 =	vld [tilespmem:s1+$0x8520]  }
0xf7: {  	v13 =	vld [tilespmem:s1+$0x8530];
	v7 =	vmul.f32 v7, v8  }
0xf8: {  	v8 =	vld [tilespmem:s1+$0x530]  }
0xf9: {  	v40 =	vld [tilespmem:s1+$0x540];
	v9 =	vmul.f32 v10, v9;
	v7 =	vadd.f32 $0.0e+00, v7  }
0xfa: {  	v14 =	vld [tilespmem:s1+$0x8540]  }
0xfb: {  	v42 =	vld [tilespmem:s1+$0x550];
	v41 =	vmul.f32 v12, v11;
	v7 =	vadd.f32 v9, v7  }
0xfc: {  	v43 =	vld [tilespmem:s1+$0x8550]  }
0xfd: {  	v44 =	vld [tilespmem:s1+$0x560];
	v8 =	vmul.f32 v13, v8;
	v7 =	vadd.f32 v41, v7  }
0xfe: {  	v45 =	vld [tilespmem:s1+$0x8560]  }
0xff: {  	v46 =	vld [tilespmem:s1+$0x570];
	v7 =	vadd.f32 v8, v7;
	v8 =	vmul.f32 v14, v40  }
0x100: {  	v47 =	vld [tilespmem:s1+$0x8570]  }
0x101: {  	v48 =	vld [tilespmem:s1+$0x900];
	v7 =	vadd.f32 v8, v7;
	v8 =	vmul.f32 v43, v42  }
0x102: {  	v49 =	vld [tilespmem:s1+$0x8900]  }
0x103: {  	v50 =	vld [tilespmem:s1+$0x910];
	v7 =	vadd.f32 v8, v7;
	v8 =	vmul.f32 v45, v44  }
0x104: {  	v51 =	vld [tilespmem:s1+$0x8910]  }
0x105: {  	v52 =	vld [tilespmem:s1+$0x920];
	v7 =	vadd.f32 v8, v7;
	v8 =	vmul.f32 v47, v46  }
0x106: {  	v53 =	vld [tilespmem:s1+$0x8920]  }
0x107: {  	v54 =	vld [tilespmem:s1+$0x930];
	v7 =	vadd.f32 v8, v7;
	v8 =	vmul.f32 v49, v48  }
0x108: {  	v55 =	vld [tilespmem:s1+$0x8930]  }
0x109: {  	v56 =	vld [tilespmem:s1+$0x940];
	v7 =	vadd.f32 v8, v7;
	v8 =	vmul.f32 v51, v50  }
0x10a: {  	v57 =	vld [tilespmem:s1+$0x8940]  }
0x10b: {  	v58 =	vld [tilespmem:s1+$0x950];
	v7 =	vadd.f32 v8, v7;
	v8 =	vmul.f32 v53, v52  }
0x10c: {  	v59 =	vld [tilespmem:s1+$0x8950]  }
0x10d: {  	v60 =	vld [tilespmem:s1+$0x960];
	v7 =	vadd.f32 v8, v7;
	v8 =	vmul.f32 v55, v54  }
0x10e: {  	v61 =	vld [tilespmem:s1+$0x8960]  }
0x10f: {  	v62 =	vld [tilespmem:s1+$0x970];
	v7 =	vadd.f32 v8, v7;
	v8 =	vmul.f32 v57, v56  }
0x110: {  	v63 =	vld [tilespmem:s1+$0x8970]  }
0x111: {  	v7 =	vadd.f32 v8, v7;
	v8 =	vmul.f32 v59, v58;
	_ =	sdelay $0x1  }
0x112: {  	v7 =	vadd.f32 v8, v7;
	v8 =	vmul.f32 v61, v60;
	_ =	sdelay $0x1  }
0x113: {  	v7 =	vadd.f32 v8, v7;
	v8 =	vmul.f32 v63, v62;
	_ =	sdelay $0x1  }
0x114: {  	v7 =	vadd.f32 v8, v7;
	_ =	sdelay $0x1  }
0x115: {  	v8 =	vperm.xlane v7, v0;
	_ =	sdelay $0x1  }
0x116: {  	v7 =	vadd.f32 v7, v8;
	_ =	sdelay $0x1  }
0x117: {  	v8 =	vperm.xlane v7, v1;
	_ =	sdelay $0x1  }
0x118: {  	v7 =	vadd.f32 v7, v8;
	_ =	sdelay $0x1  }
0x119: {  	v8 =	vperm.xlane v7, v2;
	_ =	sdelay $0x1  }
0x11a: {  	v7 =	vadd.f32 v7, v8;
	_ =	sdelay $0x1  }
0x11b: {  	v8 =	vperm.xlane v7, v6;
	_ =	sdelay $0x1  }
0x11c: {  	s20 =	simm.s32 $0x100;
	s1 =	simm.s32 $0x80;
	v7 =	vadd.f32 v7, v8  }
0x11d: {  	s13 =	sand.u32 $0x7800, s20;
	s7 =	simm.s32 $0x10500;
	s19 =	sand.u32 $0x380, s1  }
0x11e: {  	s13 =	sor.u32 s19, s13;
	s19 =	simm.s32 $0x200;
	[tilespmem:s7+$0x0] =	vst v7  }
.LBB2_3:
0x11f: {  	p0 =	sne.s32 s19, $0x7F00;
	v7 =	vld [tilespmem:s13+$0x8500]  }
0x120: {  	v8 =	vld [tilespmem:s13+$0x500]  }
0x121: {  	v9 =	vld [tilespmem:s13+$0x510]  }
0x122: {  	v10 =	vld [tilespmem:s13+$0x8510]  }
0x123: {  	v11 =	vld [tilespmem:s13+$0x520]  }
0x124: {  	v12 =	vld [tilespmem:s13+$0x8520]  }
0x125: {  	v7 =	vmul.f32 v7, v8;
	v8 =	vld [tilespmem:s13+$0x530]  }
0x126: {  	v13 =	vld [tilespmem:s13+$0x8530]  }
0x127: {  	v7 =	vadd.f32 $0.0e+00, v7;
	v9 =	vmul.f32 v10, v9;
	v10 =	vld [tilespmem:s13+$0x540]  }
0x128: {  	v14 =	vld [tilespmem:s13+$0x8540]  }
0x129: {  	v7 =	vadd.f32 v9, v7;
	v9 =	vmul.f32 v12, v11;
	v11 =	vld [tilespmem:s13+$0x550]  }
0x12a: {  	v12 =	vld [tilespmem:s13+$0x8550]  }
0x12b: {  	v7 =	vadd.f32 v9, v7;
	v8 =	vmul.f32 v13, v8;
	v9 =	vld [tilespmem:s13+$0x560]  }
0x12c: {  	v13 =	vld [tilespmem:s13+$0x8560]  }
0x12d: {  	v7 =	vadd.f32 v8, v7;
	v8 =	vmul.f32 v14, v10;
	v10 =	vld [tilespmem:s13+$0x570]  }
0x12e: {  	v14 =	vld [tilespmem:s13+$0x8570]  }
0x12f: {  	v7 =	vadd.f32 v8, v7;
	v8 =	vmul.f32 v12, v11;
	v11 =	vld [tilespmem:s13+$0x900]  }
0x130: {  	v12 =	vld [tilespmem:s13+$0x8900]  }
0x131: {  	v7 =	vadd.f32 v8, v7;
	v8 =	vmul.f32 v13, v9;
	v9 =	vld [tilespmem:s13+$0x910]  }
0x132: {  	v13 =	vld [tilespmem:s13+$0x8910]  }
0x133: {  	v7 =	vadd.f32 v8, v7;
	v8 =	vmul.f32 v14, v10;
	v10 =	vld [tilespmem:s13+$0x920]  }
0x134: {  	v14 =	vld [tilespmem:s13+$0x8920]  }
0x135: {  	v7 =	vadd.f32 v8, v7;
	v8 =	vmul.f32 v12, v11;
	v11 =	vld [tilespmem:s13+$0x930]  }
0x136: {  	v12 =	vld [tilespmem:s13+$0x8930]  }
0x137: {  	v7 =	vadd.f32 v8, v7;
	v8 =	vmul.f32 v13, v9;
	v9 =	vld [tilespmem:s13+$0x940]  }
0x138: {  	v13 =	vld [tilespmem:s13+$0x8940]  }
0x139: {  	v7 =	vadd.f32 v8, v7;
	v8 =	vmul.f32 v14, v10;
	v10 =	vld [tilespmem:s13+$0x950]  }
0x13a: {  	v14 =	vld [tilespmem:s13+$0x8950]  }
0x13b: {  	v7 =	vadd.f32 v8, v7;
	v8 =	vmul.f32 v12, v11;
	v11 =	vld [tilespmem:s13+$0x960]  }
0x13c: {  	v12 =	vld [tilespmem:s13+$0x8960]  }
0x13d: {  	v7 =	vadd.f32 v8, v7;
	v8 =	vmul.f32 v13, v9;
	v9 =	vld [tilespmem:s13+$0x970]  }
0x13e: {  	v13 =	vld [tilespmem:s13+$0x8970]  }
0x13f: {  	v7 =	vadd.f32 v8, v7;
	v8 =	vmul.f32 v14, v10;
	_ =	sdelay $0x1  }
0x140: {  	v7 =	vadd.f32 v8, v7;
	v8 =	vmul.f32 v12, v11;
	_ =	sdelay $0x1  }
0x141: {  	v7 =	vadd.f32 v8, v7;
	v8 =	vmul.f32 v13, v9;
	_ =	sdelay $0x1  }
0x142: {  	v7 =	vadd.f32 v8, v7;
	_ =	sdelay $0x1  }
0x143: {  	v8 =	vperm.xlane v7, v0;
	_ =	sdelay $0x1  }
0x144: {  	v7 =	vadd.f32 v7, v8;
	_ =	sdelay $0x1  }
0x145: {  	v8 =	vperm.xlane v7, v1;
	_ =	sdelay $0x1  }
0x146: {  	v7 =	vadd.f32 v7, v8;
	_ =	sdelay $0x1  }
0x147: {  	v8 =	vperm.xlane v7, v2;
	_ =	sdelay $0x1  }
0x148: {  	v7 =	vadd.f32 v7, v8;
	_ =	sdelay $0x1  }
.Ltmp0:
0x149: {  	v8 =	vperm.xlane v7, v6;
	(pc) =	sbr.rel @p0 .LBB2_3-.Ltmp0, $4  }
0x14a: {  	_ = 	snop  }
0x14b: {  	s1 =	sadd.s32 $0x80, s1;
	v7 =	vadd.f32 v7, v8  }
0x14c: {  	s7 =	sadd.s32 $0x10, s7;
	s20 =	sand.u32 $0x380, s1;
	s13 =	sand.u32 $0x7800, s19  }
0x14d: {  	s19 =	sadd.s32 $0x100, s19;
	s13 =	sor.u32 s20, s13;
	[tilespmem:s7+$0x0] =	vst v7  }
0x14e: {  	v7 =	vld [tilespmem:s13+$0x8500]  }
0x14f: {  	v8 =	vld [tilespmem:s13+$0x500]  }
0x150: {  	v9 =	vld [tilespmem:s13+$0x510]  }
0x151: {  	v10 =	vld [tilespmem:s13+$0x8510]  }
0x152: {  	v11 =	vld [tilespmem:s13+$0x520]  }
0x153: {  	v12 =	vld [tilespmem:s13+$0x8520]  }
0x154: {  	v13 =	vld [tilespmem:s13+$0x8530];
	v7 =	vmul.f32 v7, v8  }
0x155: {  	v8 =	vld [tilespmem:s13+$0x530]  }
0x156: {  	v40 =	vld [tilespmem:s13+$0x540];
	v9 =	vmul.f32 v10, v9;
	v7 =	vadd.f32 $0.0e+00, v7  }
0x157: {  	v14 =	vld [tilespmem:s13+$0x8540]  }
0x158: {  	v42 =	vld [tilespmem:s13+$0x550];
	v41 =	vmul.f32 v12, v11;
	v7 =	vadd.f32 v9, v7  }
0x159: {  	v43 =	vld [tilespmem:s13+$0x8550]  }
0x15a: {  	v44 =	vld [tilespmem:s13+$0x560];
	v8 =	vmul.f32 v13, v8;
	v7 =	vadd.f32 v41, v7  }
0x15b: {  	v45 =	vld [tilespmem:s13+$0x8560]  }
0x15c: {  	v46 =	vld [tilespmem:s13+$0x570];
	v7 =	vadd.f32 v8, v7;
	v8 =	vmul.f32 v14, v40  }
0x15d: {  	v47 =	vld [tilespmem:s13+$0x8570]  }
0x15e: {  	v48 =	vld [tilespmem:s13+$0x900];
	v7 =	vadd.f32 v8, v7;
	v8 =	vmul.f32 v43, v42  }
0x15f: {  	v49 =	vld [tilespmem:s13+$0x8900]  }
0x160: {  	v50 =	vld [tilespmem:s13+$0x910];
	v7 =	vadd.f32 v8, v7;
	v8 =	vmul.f32 v45, v44  }
0x161: {  	v51 =	vld [tilespmem:s13+$0x8910]  }
0x162: {  	v52 =	vld [tilespmem:s13+$0x920];
	v7 =	vadd.f32 v8, v7;
	v8 =	vmul.f32 v47, v46  }
0x163: {  	v53 =	vld [tilespmem:s13+$0x8920]  }
0x164: {  	v54 =	vld [tilespmem:s13+$0x930];
	v7 =	vadd.f32 v8, v7;
	v8 =	vmul.f32 v49, v48  }
0x165: {  	v55 =	vld [tilespmem:s13+$0x8930]  }
0x166: {  	v56 =	vld [tilespmem:s13+$0x940];
	v7 =	vadd.f32 v8, v7;
	v8 =	vmul.f32 v51, v50  }
0x167: {  	v57 =	vld [tilespmem:s13+$0x8940]  }
0x168: {  	v58 =	vld [tilespmem:s13+$0x950];
	v7 =	vadd.f32 v8, v7;
	v8 =	vmul.f32 v53, v52  }
0x169: {  	v59 =	vld [tilespmem:s13+$0x8950]  }
0x16a: {  	v60 =	vld [tilespmem:s13+$0x960];
	v7 =	vadd.f32 v8, v7;
	v8 =	vmul.f32 v55, v54  }
0x16b: {  	v61 =	vld [tilespmem:s13+$0x8960]  }
0x16c: {  	v62 =	vld [tilespmem:s13+$0x970];
	v7 =	vadd.f32 v8, v7;
	v8 =	vmul.f32 v57, v56  }
0x16d: {  	v63 =	vld [tilespmem:s13+$0x8970]  }
0x16e: {  	v7 =	vadd.f32 v8, v7;
	v8 =	vmul.f32 v59, v58;
	_ =	sdelay $0x1  }
0x16f: {  	v7 =	vadd.f32 v8, v7;
	v8 =	vmul.f32 v61, v60;
	_ =	sdelay $0x1  }
0x170: {  	v7 =	vadd.f32 v8, v7;
	v8 =	vmul.f32 v63, v62;
	_ =	sdelay $0x1  }
0x171: {  	v7 =	vadd.f32 v8, v7;
	_ =	sdelay $0x1  }
0x172: {  	v8 =	vperm.xlane v7, v0;
	_ =	sdelay $0x1  }
0x173: {  	v7 =	vadd.f32 v7, v8;
	_ =	sdelay $0x1  }
0x174: {  	v8 =	vperm.xlane v7, v1;
	_ =	sdelay $0x1  }
0x175: {  	v7 =	vadd.f32 v7, v8;
	_ =	sdelay $0x1  }
0x176: {  	v8 =	vperm.xlane v7, v2;
	_ =	sdelay $0x1  }
0x177: {  	v7 =	vadd.f32 v7, v8;
	_ =	sdelay $0x1  }
0x178: {  	v8 =	vperm.xlane v7, v6  }
0x179: {  	s1 =	sshll.u32 s31, $0xC  }
0x17a: {  	s1 =	sor.u32 s0, s1;
	v7 =	vadd.f32 v7, v8  }
0x17b: {  	s7 =	sadd.s32 $0x10, s7;
	s1 =	sshrl.u32 s1, $0x3  }
0x17c: {  	s20 =	sshll.u32 s31, $0xE;
	s1 =	sadd.s32 s10, s1;
	[tilespmem:s7+$0x0] =	vst v7  }
0x17d: {  	[hbm4b:s1+s15] =	stream.strided.scatter [tilespmem:s18], [sflag:$0x2], $0x200, s22, s15, $0x38;
	[tilespmem:$0x10D00] =	vst v63  }
0x17e: {  	s30 =	sadd.s32 $0x1, s30;
	s31 =	sor.u32 s0, s20;
	_ =	swait.ge [sflag:s14], $0x200  }
0x17f: {  	p0 =	sne.s32 s30, $0x20;
	s0 =	sshrl.u32 s31, $0x3;
	[sflag:s14] =	ssyncset.done $0x0  }
.Ltmp1:
0x180: {  	s0 =	sadd.s32 s11, s0;
	[sflag:s14] =	ssyncadd.s32 $0xFFFFFE00;
	(pc) =	sbr.rel @p0 .LBB2_2-.Ltmp1, $4  }
0x181: {  	[hbm4b:s0+s15] =	stream.strided.scatter [tilespmem:s29], [sflag:$0x2], $0x800, s22, s15, $0x38;
	[tilespmem:$0x10D00] =	vst v63  }
0x182: {  	_ =	swait.ge [sflag:s14], $0x800  }
0x183: {  	[sflag:s14] =	ssyncset.done $0x0  }
0x184: {  	[sflag:s14] =	ssyncadd.s32 $0xFFFFF800  }
0x185: {  	s19 =	rddreg [dreg:$0x2]  }
0x186: {  	s0 =	rddreg [dreg:$0x3];
	s19 =	sadd.s32 $0x1, s19  }
0x187: {  	p0 =	sne.s32 s19, s0  }
.Ltmp2:
0x188: {  	_ = 	snop;
	(pc) =	sbr.rel @p0 .LBB2_1-.Ltmp2, $1  }
0x189: {  	_ =	sdelay $0x3  }
0x18a: {  	_ =	sfence.sel $0x180000  }
0x18b: {  	[bflag:$0x0] =	sbarrier.arrive $0xFFFF  }
0x18c: {  	_ =	strace $0x90000056  }
0x18d: {  	s0 =	stileid.u32;
	[bflag:$0x2] =	sbarrier.arrive $0xFFFF  }
0x18e: {  	p0 =	sne.s32 s0, $0x0;
	s0 =	rddreg [dreg:$0x1]  }
0x18f: {  	s0 =	sadd.s32 @!p0 $0x100000, s0  }
0x190: {  	[sflag:s0] =	ssyncadd.tile.s32 @!p0 $0x1;
	_ =	shalt  }
.Lfunc_end2:
_tile_overlayer_lowered:
.L_overlay_start_2:
0x191: {  	(tag) =	ssettag $0x2  }
0x192: {  	s0 =	rddreg [dreg:$0x0];
	s2 =	stileid.u32  }
0x193: {  	s1 =	rddreg [dreg:$0x1];
	p0 =	sne.s32 s2, $0x0  }
0x194: {  	s3 =	rddreg [dreg:$0x2];
	[bflag:$0x3] =	sbarrier.arrive $0xFFFF;
	s2 =	simm.s32 @!p0 $0x1C02  }
0x195: {  	[timem:s3], [sflag:s2] =	dma.local @!p0 [hbm:s0], s1  }
0x196: {  	s0 =	simm.s32 @!p0 $0x2  }
0x197: {  	_ =	swait.ge @!p0 [sflag:s0], s1  }
0x198: {  	s1 =	ssub.s32 @!p0 $0x0, s1;
	[sflag:s0] =	ssyncset.done @!p0 $0x0  }
0x199: {  	[sflag:s0] =	ssyncadd.s32 @!p0 s1  }
0x19a: {  	[bflag:$0x3] =	sbarrier.arrive $0xFFFF  }
0x19b: {  	_ =	shalt  }

// kernel: sparse-core-data-format-call.1.cloned.1.call-start
scs
called_computation.1_lowered:
.L_overlay_start_0:
0x0: {  	s1 =	sld [smem:$0x3FD9]  }
0x1: {  	s2 =	sld [smem:$0x3FFE];
	_ =	sdelay $0x1  }
0x2: {  	s3 =	srdreg.scid  }
0x3: {  	s0 =	sand.u32 $0x1, s3  }
0x4: {  	s17 =	sshll.u32 s0, $0xA;
	s1 =	sadd.s32 s2, s1  }
0x5: {  	s1 =	sadd.s32 s1, s17  }
0x6: {  	[smem:$0x3FC6] =	sst s1  }
0x7: {  	_ = 	snop  }
0x8: {  	(tm) =	ssettm $0x1  }
0x9: {  	s18 =	sld [smem:$0x3FFB];
	_ =	sdelay $0x3  }
0xa: {  	_ =	strace s18  }
0xb: {  	s1 =	sld [smem:$0x3FFC];
	_ =	sdelay $0x3  }
0xc: {  	_ =	strace s1  }
0xd: {  	s1 =	sld [smem:$0x3FFD];
	_ =	sdelay $0x3  }
0xe: {  	_ =	strace s1  }
0xf: {  	_ =	strace $0x8FFFFFFF  }
0x10: {  	s19 =	sld [smem:$0x3FDB];
	_ =	sdelay $0x1  }
0x11: {  	s20 =	simm.s32 $_scs_section_size  }
0x12: {  	s4 =	simm.s32 $_size__tile_overlayer_lowered;
	s5 =	simm.s32 $_tile_overlayer_lowered  }
0x13: {  	s23 =	simm.s32 $0x1BFF;
	s22 =	sshll.u32 s5, $0x1;
	s1 =	sadd.s32 s20, s19  }
0x14: {  	s6 =	simm.s32 $0x0;
	s21 =	sshll.u32 s4, $0x1;
	s4 =	sadd.s32 s22, s1  }
0x15: {  	[timem:s6], [sflag:s23] =	dma.local [hbm:s4], s21  }
0x16: {  	_ =	swait.ge [sflag:s23], s21  }
0x17: {  	s2 =	ssub.s32 $0x0, s21;
	[sflag:s23] =	ssyncset.done $0x0  }
0x18: {  	[sflag:s23] =	ssyncadd.s32 s2;
	_ =	sdelay $0x1  }
0x19: {  	s24 =	simm.s32 $0x1B8B  }
0x1a: {  	_ =	swait.ge [sflag:s24], $0x1  }
0x1b: {  	[sflag:s24] =	ssyncset.done $0x0  }
0x1c: {  	s26 =	simm.s32 $0x1B8E;
	s25 =	sld [smem:$0x3FFE];
	[sflag:s24] =	ssyncadd.s32 $0xFFFFFFFF  }
0x1d: {  	s27 =	simm.s32 $execute0_lowered;
	[smem:$0x3FD2] =	sst s26  }
0x1e: {  	s4 =	sshll.u32 s27, $0x1;
	_ =	strace $0x8000004C;
	[dreg:$0x1] =	wrdreg $0xFFFFFFFF  }
0x1f: {  	s28 =	simm.s32 $_size_execute0_lowered;
	s1 =	sadd.s32 s1, s4;
	[dreg:$0x0] =	wrdreg $0x0  }
0x20: {  	s4 =	sshll.u32 s28, $0x1;
	[dreg:$0x2] =	wrdreg s1  }
0x21: {  	[dreg:$0x3] =	wrdreg s4  }
0x22: {  	[dreg:$0x4] =	wrdreg $0xC0  }
0x23: {  	_ =	task [dreg:s6], $0x5FFFF  }
0x24: {  	[dreg:$0x1] =	wrdreg $0xFFFFFFFF  }
0x25: {  	[dreg:$0x0] =	wrdreg $0x60  }
0x26: {  	[dreg:$0x2] =	wrdreg s25  }
0x27: {  	[dreg:$0x3] =	wrdreg $0x9  }
0x28: {  	_ =	task.clear_ibuf [dreg:s6], $0x4FFFF;
	_ =	strace $0x9000004C  }
0x29: {  	s29 =	simm.s32 $0x9;
	_ =	strace $0x8000004E  }
0x2a: {  	_ =	swait.ge [sflag:s29], $0x1  }
0x2b: {  	[sflag:s29] =	ssyncadd.s32 $0xFFFFFFFF  }
0x2c: {  	_ =	strace $0x9000004E  }
0x2d: {  	_ =	sfence  }
0x2e: {  	s30 =	sld [smem:$0x0];
	_ =	sdelay $0x2  }
0x2f: {  	s31 =	sshll.u32 s3, $0xD;
	s3 =	sshrl.u32 s3, $0x2  }
0x30: {  	s2 =	sand.u32 $0x4000, s31;
	s1 =	sadd.s32 s3, s30  }
0x31: {  	s0 =	sor.u32 s2, s0;
	s1 =	sshll.u32 s1, $0x11  }
0x32: {  	s0 =	sor.u32 s1, s0  }
0x33: {  	s0 =	sadd.s32 $0x8F2B, s0  }
0x34: {  	[sflag:s0] =	ssyncadd.remote.s32 $0x1  }
0x35: {  	_ =	sfence.sel $0xFFFF  }
0x36: {  	[dreg:$0x0] =	wrdreg $0xFFFFFFFF;
	(pc) =	sbr.abs _section_cstart, $3  }
0x37: {  	[dreg:$0x1] =	wrdreg $0xFFFFFFFF  }
0x38: {  	_ =	task.clear_ibuf [dreg:s6], $0x2FFFF;
	_ =	strace $0x9FFFFFFF  }
0x39: {  	(tm) =	ssettm $0x7FFFFFFF  }
tec
execute0_lowered:
.L_overlay_start_1:
0x0: {  	(tag) =	ssettag $0x1  }
0x1: {  	s1 =	rddreg [dreg:$0x0]  }
0x2: {  	s0 =	rddreg [dreg:$0x1];
	_ =	strace $0x8000004D  }
0x3: {  	s4 =	srdreg.scid;
	s6 =	simm.s32 $0x2;
	s11 =	simm.s32 $0x0  }
0x4: {  	p0 =	por $0x0, $0x0;
	s12 =	simm.s32 $0x0;
	s13 =	simm.s32 $0x0  }
.Ltmp0:
0x5: {  	s8 =	simm.s32 $0x0;
	s9 =	simm.s32 $0x0;
	(pc) =	sbr.rel .LBB1_1-.Ltmp0, $4  }
0x6: {  	s2 =	sadd.s32 $0xA08C00, s1;
	s3 =	sadd.s32 $0x208C00, s1;
	s4 =	sshll.u32 s4, $0x4  }
0x7: {  	s1 =	stileid.u32;
	s5 =	sand.u32 $0x10, s4;
	s4 =	simm.s32 $0x1  }
0x8: {  	s7 =	simm.s32 $0x0;
	s5 =	sor.u32 s1, s5;
	[sflag:s4] =	ssyncpa.u1 $0x0  }
0x9: {  	[sflag:s6] =	ssyncpa.u1 $0x0;
	s6 =	simm.s32 $0x20000;
	s10 =	smov.u32 s5  }
.LBB1_5:
0xa: {  	s14 =	sadd.s32 $0x80, s8  }
0xb: {  	s11 =	sadd.s32 $0x80, s9;
	s15 =	smov.u32 s9;
	p2 =	sgt.s32 s14, $0x1FF  }
0xc: {  	s15 =	smov.u32 @p2 s11  }
0xd: {  	s17 =	smov.u32 s10;
	s11 =	sadd.s32 $0x20, s10;
	p3 =	sgt.s32 s15, $0x3FF  }
0xe: {  	p1 =	slt.u32 s7, $0x2;
	s17 =	smov.u32 @p3 s11  }
0xf: {  	s7 =	sadd.s32 $0x1, s7;
	s14 =	simm.s32 @p2 $0x0;
	p2 =	sgt.s32 s17, $0x7F  }
0x10: {  	s17 =	smov.u32 @p2 s5;
	p2 =	sne.s32 s7, $0x82  }
.Ltmp1:
0x11: {  	s16 =	simm.s32 @!p1 $0x2;
	(pc) =	sbr.rel @!p2 .LBB1_6-.Ltmp1, $4  }
0x12: {  	s12 =	smov.u32 s9;
	_ =	swait.ge @!p1 [sflag:s16], $0x4000  }
0x13: {  	s13 =	smov.u32 s10;
	p0 =	por !p0, !p0;
	[sflag:s16] =	ssyncset.done @!p1 $0x0  }
0x14: {  	s15 =	simm.s32 @p3 $0x0;
	s11 =	smov.u32 s8;
	[sflag:s16] =	ssyncadd.s32 @!p1 $0xFFFFC000  }
0x15: {  	s8 =	smov.u32 s14;
	s9 =	smov.u32 s15;
	s10 =	smov.u32 s17  }
.LBB1_1:
0x16: {  	p1 =	sgt.u32 s7, $0x7F  }
0x17: {  	s14 =	sxor.u32 @!p1 $0xFFFFFFFF, s7  }
0x18: {  	s15 =	sshll.u32 @!p1 s9, $0x9;
	s16 =	sshll.u32 @!p1 s8, $0x3;
	s17 =	sshll.u32 @!p1 s9, $0x7  }
0x19: {  	s18 =	sand.u32 @!p1 $0x78, s8;
	s15 =	sand.u32 @!p1 $0x7F000, s15;
	s16 =	sand.u32 @!p1 $0x7FC00, s16  }
0x1a: {  	s14 =	sshll.u32 @!p1 s14, $0xE;
	s15 =	sadd.s32 @!p1 s15, s16;
	s16 =	sand.u32 @!p1 $0x200, s17  }
0x1b: {  	s14 =	sand.u32 @!p1 $0x4000, s14;
	s15 =	sor.u32 @!p1 s16, s15;
	s16 =	sand.u32 @!p1 $0x180, s17  }
0x1c: {  	s17 =	sshll.u32 @!p1 s10, $0x10;
	s16 =	sor.u32 @!p1 s18, s16;
	s15 =	sshrl.u32 @!p1 s15, $0x3  }
0x1d: {  	s17 =	sadd.s32 @!p1 s2, s17;
	s18 =	sand.u32 @!p1 $0x7, s8;
	s16 =	sshrl.u32 @!p1 s16, $0x3  }
0x1e: {  	s15 =	sand.u32 @!p1 $0xFFC0, s15;
	s16 =	sadd.s32 @!p1 s16, s17;
	s17 =	sshll.u32 @!p1 s18, $0x12  }
0x1f: {  	s15 =	sadd.s32 @!p1 s15, s16;
	s16 =	sor.u32 @!p1 $0x400, s17;
	s17 =	simm.s32 @!p1 $0x1000  }
0x20: {  	[tilespmem:s14], [sflag:$0x1] =	stream.strided.gather @!p1 [hbm4b:s15+s16], $0x4000, s17, s16, $0x38;
	[tilespmem:$0x10100] =	vst v63  }
0x21: {  	p1 =	seq.s32 s7, $0x0  }
0x22: {  	p2 =	seq.s32 @!p1 s7, $0x81  }
0x23: {  	p1 =	por p1, p2  }
.Ltmp2:
0x24: {  	_ = 	snop;
	(pc) =	sbr.rel @p1 .LBB1_5-.Ltmp2, $1  }
0x25: {  	_ =	sdelay $0x3  }
0x26: {  	s14 =	simm.s32 $0x1  }
0x27: {  	_ =	swait.ge [sflag:s4], $0x4000;
	s14 =	simm.s32 @!p0 $0x0  }
0x28: {  	[sflag:s4] =	ssyncset.done $0x0;
	s15 =	sshll.u32 s14, $0xE  }
0x29: {  	[sflag:s4] =	ssyncadd.s32 $0xFFFFC000;
	s17 =	sor.u32 $0x40, s15  }
0x2a: {  	s14 =	smul.u32 $0x10200, s14;
	v0 =	vld [tilespmem:s17+$0x30]  }
0x2b: {  	v3 =	vld [tilespmem:s17+$0xFFFFFFD0]  }
0x2c: {  	s14 =	sshrl.u32 s14, $0x2;
	v4 =	vld [tilespmem:s17+$0xFFFFFFE0]  }
0x2d: {  	v5 =	vld [tilespmem:s17+$0xFFFFFFF0];
	s15 =	sor.u32 $0x8000, s14  }
0x2e: {  	s31 =	sand.u32 $0x1, s7;
	v1 =	vld [tilespmem:s17+$0x0];
	s16 =	sadd.s32 $0x0, s15  }
0x2f: {  	v2 =	vld [tilespmem:s17+$0x10];
	s14 =	smul.u32 $0x10200, s31;
	[tilespmem:s16+$0x3870 ss:$0x81] =	vst.msk $0xffff, v0  }
0x30: {  	[tilespmem:s16+$0x810 ss:$0x81] =	vst.msk $0xffff, v3;
	v3 =	vld [tilespmem:s17+$0x20]  }
0x31: {  	s14 =	sshrl.u32 s14, $0x2;
	v0 =	vld [tilespmem:s17+$0xFFFFFFC0];
	[tilespmem:s16+$0x1020 ss:$0x81] =	vst.msk $0xffff, v4;
	s17 =	sadd.s32 $0x80, s17  }
0x32: {  	s18 =	simm.s32 $0x4;
	s19 =	simm.s32 $0x8;
	s14 =	sor.u32 $0x8000, s14;
	[tilespmem:s16+$0x1830 ss:$0x81] =	vst.msk $0xffff, v5;
	v4 =	vld [tilespmem:s17+$0x30]  }
.LBB1_3:
0x33: {  	p1 =	sne.s32 s19, $0x1FC;
	v5 =	vld [tilespmem:s17+$0xFFFFFFD0];
	[tilespmem:s16+$0x2040 ss:$0x81] =	vst.msk $0xffff, v1  }
0x34: {  	v6 =	vld [tilespmem:s17+$0xFFFFFFE0];
	[tilespmem:s16+$0x2850 ss:$0x81] =	vst.msk $0xffff, v2  }
0x35: {  	s20 =	sshra.s32 s18, $0x2;
	s18 =	smov.u32 s19;
	v7 =	vld [tilespmem:s17+$0xFFFFFFF0];
	[tilespmem:s16+$0x3060 ss:$0x81] =	vst.msk $0xffff, v3  }
.Ltmp3:
0x36: {  	v1 =	vld [tilespmem:s17+$0x0];
	[tilespmem:s16+$0x0 ss:$0x81] =	vst.msk $0xffff, v0;
	s16 =	sadd.s32 s20, s15;
	(pc) =	sbr.rel @p1 .LBB1_3-.Ltmp3, $4  }
0x37: {  	v2 =	vld [tilespmem:s17+$0x10];
	[tilespmem:s16+$0x3870 ss:$0x81] =	vst.msk $0xffff, v4  }
0x38: {  	[tilespmem:s16+$0x810 ss:$0x81] =	vst.msk $0xffff, v5;
	v3 =	vld [tilespmem:s17+$0x20]  }
0x39: {  	v0 =	vld [tilespmem:s17+$0xFFFFFFC0];
	[tilespmem:s16+$0x1020 ss:$0x81] =	vst.msk $0xffff, v6;
	s17 =	sadd.s32 $0x80, s17  }
0x3a: {  	s19 =	sadd.s32 $0x4, s19;
	v4 =	vld [tilespmem:s17+$0x30];
	[tilespmem:s16+$0x1830 ss:$0x81] =	vst.msk $0xffff, v7  }
0x3b: {  	v5 =	vld [tilespmem:s17+$0xFFFFFFD0];
	[tilespmem:s16+$0x2040 ss:$0x81] =	vst.msk $0xffff, v1  }
0x3c: {  	v58 =	vld [tilespmem:s17+$0xFFFFFFE0];
	[tilespmem:s16+$0x2850 ss:$0x81] =	vst.msk $0xffff, v2  }
0x3d: {  	s18 =	sshra.s32 s18, $0x2;
	v59 =	vld [tilespmem:s17+$0xFFFFFFF0];
	[tilespmem:s16+$0x3060 ss:$0x81] =	vst.msk $0xffff, v3  }
0x3e: {  	v60 =	vld [tilespmem:s17+$0x0];
	s15 =	sadd.s32 s18, s15;
	[tilespmem:s16+$0x0 ss:$0x81] =	vst.msk $0xffff, v0  }
0x3f: {  	v61 =	vld [tilespmem:s17+$0x10];
	[tilespmem:s15+$0x3870 ss:$0x81] =	vst.msk $0xffff, v4  }
0x40: {  	v62 =	vld [tilespmem:s17+$0x20];
	[tilespmem:s15+$0x810 ss:$0x81] =	vst.msk $0xffff, v5  }
0x41: {  	v63 =	vld [tilespmem:s17+$0xFFFFFFC0];
	s13 =	sshll.u32 s13, $0x7;
	s29 =	sand.u32 $0x78, s12;
	[tilespmem:s15+$0x1020 ss:$0x81] =	vst.msk $0xffff, v58  }
0x42: {  	s11 =	sshll.u32 s11, $0xE;
	s31 =	sand.u32 $0x7, s12;
	s30 =	sand.u32 $0x380, s13;
	[tilespmem:s15+$0x1830 ss:$0x81] =	vst.msk $0xffff, v59  }
.Ltmp4:
0x43: {  	s13 =	sand.u32 $0x3C00, s13;
	s16 =	sor.u32 s29, s30;
	[tilespmem:s15+$0x2040 ss:$0x81] =	vst.msk $0xffff, v60;
	(pc) =	sbr.rel .LBB1_5-.Ltmp4, $4  }
0x44: {  	s11 =	sadd.s32 s3, s11;
	s13 =	sadd.s32 s12, s13;
	s16 =	sshrl.u32 s16, $0x3;
	[tilespmem:s15+$0x2850 ss:$0x81] =	vst.msk $0xffff, v61  }
0x45: {  	s12 =	sshll.u32 s31, $0x12;
	s13 =	sand.u32 $0x3F80, s13;
	[tilespmem:s15+$0x3060 ss:$0x81] =	vst.msk $0xffff, v62;
	s11 =	sadd.s32 s16, s11  }
0x46: {  	s12 =	sor.u32 $0x80, s12;
	[tilespmem:s15+$0x0 ss:$0x81] =	vst.msk $0xffff, v63;
	s11 =	sadd.s32 s13, s11  }
0x47: {  	[hbm4b:s11+s12] =	stream.strided.scatter [tilespmem:s14], [sflag:$0x2], $0x4000, s6, s12, $0x20;
	[tilespmem:$0x10100] =	vst v63  }
.LBB1_6:
0x48: {  	_ =	sfence.sel $0x180000  }
0x49: {  	s2 =	simm.s32 $0x1;
	[bflag:$0x0] =	sbarrier.arrive $0xFFFF  }
0x4a: {  	s31 =	simm.s32 $0x2;
	[sflag:s2] =	ssyncpa.u1 $0x1  }
0x4b: {  	[sflag:s31] =	ssyncpa.u1 $0x1  }
0x4c: {  	p0 =	sne.s32 s1, $0x0;
	_ =	strace $0x9000004D  }
0x4d: {  	s0 =	sadd.s32 @!p0 $0x100000, s0;
	[bflag:$0x2] =	sbarrier.arrive $0xFFFF  }
0x4e: {  	[sflag:s0] =	ssyncadd.tile.s32 @!p0 $0x1;
	_ =	shalt  }
.Lfunc_end1:
_tile_overlayer_lowered:
.L_overlay_start_2:
0x4f: {  	(tag) =	ssettag $0x2  }
0x50: {  	s0 =	rddreg [dreg:$0x0];
	s2 =	stileid.u32  }
0x51: {  	s1 =	rddreg [dreg:$0x1];
	p0 =	sne.s32 s2, $0x0  }
0x52: {  	s3 =	rddreg [dreg:$0x2];
	[bflag:$0x3] =	sbarrier.arrive $0xFFFF;
	s2 =	simm.s32 @!p0 $0x1C01  }
0x53: {  	[timem:s3], [sflag:s2] =	dma.local @!p0 [hbm:s0], s1  }
0x54: {  	s0 =	simm.s32 @!p0 $0x1  }
0x55: {  	_ =	swait.ge @!p0 [sflag:s0], s1  }
0x56: {  	s1 =	ssub.s32 @!p0 $0x0, s1;
	[sflag:s0] =	ssyncset.done @!p0 $0x0  }
0x57: {  	[sflag:s0] =	ssyncadd.s32 @!p0 s1  }
0x58: {  	[bflag:$0x3] =	sbarrier.arrive $0xFFFF  }
0x59: {  	_ =	shalt  }

// kernel: sparse-core-data-format-call.2.cloned.1.call-start
scs
called_computation.2_lowered:
.L_overlay_start_0:
0x0: {  	s1 =	sld [smem:$0x3FD9]  }
0x1: {  	s2 =	sld [smem:$0x3FFE];
	_ =	sdelay $0x1  }
0x2: {  	s3 =	srdreg.scid  }
0x3: {  	s0 =	sand.u32 $0x1, s3  }
0x4: {  	s17 =	sshll.u32 s0, $0xA;
	s1 =	sadd.s32 s2, s1  }
0x5: {  	s1 =	sadd.s32 s1, s17  }
0x6: {  	[smem:$0x3FC6] =	sst s1  }
0x7: {  	_ = 	snop  }
0x8: {  	(tm) =	ssettm $0x1  }
0x9: {  	s18 =	sld [smem:$0x3FFB];
	_ =	sdelay $0x3  }
0xa: {  	_ =	strace s18  }
0xb: {  	s1 =	sld [smem:$0x3FFC];
	_ =	sdelay $0x3  }
0xc: {  	_ =	strace s1  }
0xd: {  	s1 =	sld [smem:$0x3FFD];
	_ =	sdelay $0x3  }
0xe: {  	_ =	strace s1  }
0xf: {  	_ =	strace $0x8FFFFFFF  }
0x10: {  	s19 =	sld [smem:$0x3FDB];
	_ =	sdelay $0x1  }
0x11: {  	s20 =	simm.s32 $_scs_section_size  }
0x12: {  	s4 =	simm.s32 $_size__tile_overlayer_lowered;
	s5 =	simm.s32 $_tile_overlayer_lowered  }
0x13: {  	s23 =	simm.s32 $0x1BFF;
	s22 =	sshll.u32 s5, $0x1;
	s1 =	sadd.s32 s20, s19  }
0x14: {  	s6 =	simm.s32 $0x0;
	s21 =	sshll.u32 s4, $0x1;
	s4 =	sadd.s32 s22, s1  }
0x15: {  	[timem:s6], [sflag:s23] =	dma.local [hbm:s4], s21  }
0x16: {  	_ =	swait.ge [sflag:s23], s21  }
0x17: {  	s2 =	ssub.s32 $0x0, s21;
	[sflag:s23] =	ssyncset.done $0x0  }
0x18: {  	[sflag:s23] =	ssyncadd.s32 s2;
	_ =	sdelay $0x1  }
0x19: {  	s24 =	simm.s32 $0x1B8B  }
0x1a: {  	_ =	swait.ge [sflag:s24], $0x1  }
0x1b: {  	[sflag:s24] =	ssyncset.done $0x0  }
0x1c: {  	s26 =	simm.s32 $0x1B8E;
	s25 =	sld [smem:$0x3FFE];
	[sflag:s24] =	ssyncadd.s32 $0xFFFFFFFF  }
0x1d: {  	s27 =	simm.s32 $execute0_lowered;
	[smem:$0x3FD2] =	sst s26  }
0x1e: {  	s4 =	sshll.u32 s27, $0x1;
	_ =	strace $0x80000049;
	[dreg:$0x1] =	wrdreg $0xFFFFFFFF  }
0x1f: {  	s28 =	simm.s32 $_size_execute0_lowered;
	s1 =	sadd.s32 s1, s4;
	[dreg:$0x0] =	wrdreg $0x0  }
0x20: {  	s4 =	sshll.u32 s28, $0x1;
	[dreg:$0x2] =	wrdreg s1  }
0x21: {  	[dreg:$0x3] =	wrdreg s4  }
0x22: {  	[dreg:$0x4] =	wrdreg $0xC0  }
0x23: {  	_ =	task [dreg:s6], $0x5FFFF  }
0x24: {  	[dreg:$0x1] =	wrdreg $0xFFFFFFFF  }
0x25: {  	[dreg:$0x0] =	wrdreg $0x60  }
0x26: {  	[dreg:$0x2] =	wrdreg s25  }
0x27: {  	[dreg:$0x3] =	wrdreg $0x9  }
0x28: {  	_ =	task.clear_ibuf [dreg:s6], $0x4FFFF;
	_ =	strace $0x90000049  }
0x29: {  	s29 =	simm.s32 $0x9;
	_ =	strace $0x8000004B  }
0x2a: {  	_ =	swait.ge [sflag:s29], $0x1  }
0x2b: {  	[sflag:s29] =	ssyncadd.s32 $0xFFFFFFFF  }
0x2c: {  	_ =	strace $0x9000004B  }
0x2d: {  	_ =	sfence  }
0x2e: {  	s30 =	sld [smem:$0x0];
	_ =	sdelay $0x2  }
0x2f: {  	s31 =	sshll.u32 s3, $0xD;
	s3 =	sshrl.u32 s3, $0x2  }
0x30: {  	s2 =	sand.u32 $0x4000, s31;
	s1 =	sadd.s32 s3, s30  }
0x31: {  	s0 =	sor.u32 s2, s0;
	s1 =	sshll.u32 s1, $0x11  }
0x32: {  	s0 =	sor.u32 s1, s0  }
0x33: {  	s0 =	sadd.s32 $0x8F2B, s0  }
0x34: {  	[sflag:s0] =	ssyncadd.remote.s32 $0x1  }
0x35: {  	_ =	sfence.sel $0xFFFF  }
0x36: {  	[dreg:$0x0] =	wrdreg $0xFFFFFFFF;
	(pc) =	sbr.abs _section_cstart, $3  }
0x37: {  	[dreg:$0x1] =	wrdreg $0xFFFFFFFF  }
0x38: {  	_ =	task.clear_ibuf [dreg:s6], $0x2FFFF;
	_ =	strace $0x9FFFFFFF  }
0x39: {  	(tm) =	ssettm $0x7FFFFFFF  }
tec
execute0_lowered:
.L_overlay_start_1:
0x0: {  	(tag) =	ssettag $0x1  }
0x1: {  	s4 =	rddreg [dreg:$0x0]  }
0x2: {  	s0 =	rddreg [dreg:$0x1];
	_ =	strace $0x8000004A;
	s3 =	srdreg.scid  }
0x3: {  	s1 =	stileid.u32;
	s6 =	simm.s32 $0x2;
	s10 =	simm.s32 $0x0  }
.Ltmp0:
0x4: {  	p0 =	por $0x0, $0x0;
	s11 =	simm.s32 $0x0;
	(pc) =	sbr.rel .LBB1_1-.Ltmp0, $4  }
0x5: {  	s8 =	simm.s32 $0x0;
	s7 =	simm.s32 $0x0;
	s5 =	sshll.u32 s3, $0x4  }
0x6: {  	s2 =	sadd.s32 $0xA08C00, s4;
	s3 =	simm.s32 $0x1;
	s5 =	sand.u32 $0x10, s5  }
0x7: {  	s4 =	sadd.s32 $0x208C00, s4;
	[sflag:s3] =	ssyncpa.u1 $0x0;
	s5 =	sor.u32 s1, s5  }
0x8: {  	[sflag:s6] =	ssyncpa.u1 $0x0;
	s6 =	simm.s32 $0x80000;
	s9 =	smov.u32 s5  }
.LBB1_5:
0x9: {  	s12 =	sadd.s32 $0x80, s8  }
0xa: {  	s10 =	sadd.s32 $0x20, s9;
	s14 =	smov.u32 s9;
	p2 =	sgt.s32 s12, $0x1FF  }
0xb: {  	p1 =	slt.u32 s7, $0x2;
	s14 =	smov.u32 @p2 s10  }
0xc: {  	s7 =	sadd.s32 $0x1, s7;
	s12 =	simm.s32 @p2 $0x0;
	p2 =	sgt.s32 s14, $0x3FF  }
0xd: {  	s14 =	smov.u32 @p2 s5;
	p2 =	sne.s32 s7, $0x82  }
.Ltmp1:
0xe: {  	_ = 	snop;
	(pc) =	sbr.rel @!p2 .LBB1_6-.Ltmp1, $4  }
0xf: {  	s13 =	simm.s32 @!p1 $0x2  }
0x10: {  	s11 =	smov.u32 s9;
	_ =	swait.ge @!p1 [sflag:s13], $0x4000  }
0x11: {  	p0 =	por !p0, !p0;
	s10 =	smov.u32 s8;
	[sflag:s13] =	ssyncset.done @!p1 $0x0  }
0x12: {  	s8 =	smov.u32 s12;
	[sflag:s13] =	ssyncadd.s32 @!p1 $0xFFFFC000;
	s9 =	smov.u32 s14  }
.LBB1_1:
0x13: {  	p1 =	sgt.u32 s7, $0x7F  }
0x14: {  	s12 =	sxor.u32 @!p1 $0xFFFFFFFF, s7;
	s13 =	sshll.u32 @!p1 s9, $0xD;
	s14 =	sshll.u32 @!p1 s8, $0x4  }
0x15: {  	s12 =	sshll.u32 @!p1 s12, $0xE;
	s14 =	sand.u32 @!p1 $0x1FF0, s14;
	s13 =	sadd.s32 @!p1 s2, s13  }
0x16: {  	s12 =	sand.u32 @!p1 $0x4000, s12;
	s13 =	sadd.s32 @!p1 s14, s13;
	s14 =	simm.s32 @!p1 $0x0  }
0x17: {  	[tilespmem:s12], [sflag:$0x1] =	stream.linear.gather @!p1 [hbm4b:s13+s14], $0x4000, $0x38;
	[tilespmem:$0x10100] =	vst v63  }
0x18: {  	p1 =	seq.s32 s7, $0x0  }
0x19: {  	p2 =	seq.s32 @!p1 s7, $0x81  }
0x1a: {  	p1 =	por p1, p2  }
.Ltmp2:
0x1b: {  	_ = 	snop;
	(pc) =	sbr.rel @p1 .LBB1_5-.Ltmp2, $1  }
0x1c: {  	_ =	sdelay $0x3  }
0x1d: {  	s12 =	simm.s32 $0x1  }
0x1e: {  	_ =	swait.ge [sflag:s3], $0x4000;
	s12 =	simm.s32 @!p0 $0x0  }
0x1f: {  	[sflag:s3] =	ssyncset.done $0x0;
	s13 =	sshll.u32 s12, $0xE  }
0x20: {  	[sflag:s3] =	ssyncadd.s32 $0xFFFFC000;
	s15 =	sor.u32 $0x40, s13  }
0x21: {  	s12 =	smul.u32 $0x10200, s12;
	v0 =	vld [tilespmem:s15+$0x30]  }
0x22: {  	v3 =	vld [tilespmem:s15+$0xFFFFFFD0]  }
0x23: {  	s12 =	sshrl.u32 s12, $0x2;
	v4 =	vld [tilespmem:s15+$0xFFFFFFE0]  }
0x24: {  	v5 =	vld [tilespmem:s15+$0xFFFFFFF0];
	s13 =	sor.u32 $0x8000, s12  }
0x25: {  	s31 =	sand.u32 $0x1, s7;
	v1 =	vld [tilespmem:s15+$0x0];
	s14 =	sadd.s32 $0x0, s13  }
0x26: {  	v2 =	vld [tilespmem:s15+$0x10];
	s12 =	smul.u32 $0x10200, s31;
	[tilespmem:s14+$0x3870 ss:$0x81] =	vst.msk $0xffff, v0  }
0x27: {  	[tilespmem:s14+$0x810 ss:$0x81] =	vst.msk $0xffff, v3;
	v3 =	vld [tilespmem:s15+$0x20]  }
0x28: {  	s12 =	sshrl.u32 s12, $0x2;
	v0 =	vld [tilespmem:s15+$0xFFFFFFC0];
	[tilespmem:s14+$0x1020 ss:$0x81] =	vst.msk $0xffff, v4;
	s15 =	sadd.s32 $0x80, s15  }
0x29: {  	s16 =	simm.s32 $0x4;
	s17 =	simm.s32 $0x8;
	s12 =	sor.u32 $0x8000, s12;
	[tilespmem:s14+$0x1830 ss:$0x81] =	vst.msk $0xffff, v5;
	v4 =	vld [tilespmem:s15+$0x30]  }
.LBB1_3:
0x2a: {  	p1 =	sne.s32 s17, $0x1FC;
	v5 =	vld [tilespmem:s15+$0xFFFFFFD0];
	[tilespmem:s14+$0x2040 ss:$0x81] =	vst.msk $0xffff, v1  }
0x2b: {  	v6 =	vld [tilespmem:s15+$0xFFFFFFE0];
	[tilespmem:s14+$0x2850 ss:$0x81] =	vst.msk $0xffff, v2  }
0x2c: {  	s18 =	sshra.s32 s16, $0x2;
	s16 =	smov.u32 s17;
	v7 =	vld [tilespmem:s15+$0xFFFFFFF0];
	[tilespmem:s14+$0x3060 ss:$0x81] =	vst.msk $0xffff, v3  }
.Ltmp3:
0x2d: {  	v1 =	vld [tilespmem:s15+$0x0];
	[tilespmem:s14+$0x0 ss:$0x81] =	vst.msk $0xffff, v0;
	s14 =	sadd.s32 s18, s13;
	(pc) =	sbr.rel @p1 .LBB1_3-.Ltmp3, $4  }
0x2e: {  	v2 =	vld [tilespmem:s15+$0x10];
	[tilespmem:s14+$0x3870 ss:$0x81] =	vst.msk $0xffff, v4  }
0x2f: {  	[tilespmem:s14+$0x810 ss:$0x81] =	vst.msk $0xffff, v5;
	v3 =	vld [tilespmem:s15+$0x20]  }
0x30: {  	v0 =	vld [tilespmem:s15+$0xFFFFFFC0];
	[tilespmem:s14+$0x1020 ss:$0x81] =	vst.msk $0xffff, v6;
	s15 =	sadd.s32 $0x80, s15  }
0x31: {  	s17 =	sadd.s32 $0x4, s17;
	v4 =	vld [tilespmem:s15+$0x30];
	[tilespmem:s14+$0x1830 ss:$0x81] =	vst.msk $0xffff, v7  }
0x32: {  	v5 =	vld [tilespmem:s15+$0xFFFFFFD0];
	[tilespmem:s14+$0x2040 ss:$0x81] =	vst.msk $0xffff, v1  }
0x33: {  	v58 =	vld [tilespmem:s15+$0xFFFFFFE0];
	[tilespmem:s14+$0x2850 ss:$0x81] =	vst.msk $0xffff, v2  }
0x34: {  	s16 =	sshra.s32 s16, $0x2;
	v59 =	vld [tilespmem:s15+$0xFFFFFFF0];
	[tilespmem:s14+$0x3060 ss:$0x81] =	vst.msk $0xffff, v3  }
0x35: {  	v60 =	vld [tilespmem:s15+$0x0];
	s13 =	sadd.s32 s16, s13;
	[tilespmem:s14+$0x0 ss:$0x81] =	vst.msk $0xffff, v0  }
0x36: {  	v61 =	vld [tilespmem:s15+$0x10];
	[tilespmem:s13+$0x3870 ss:$0x81] =	vst.msk $0xffff, v4  }
0x37: {  	v62 =	vld [tilespmem:s15+$0x20];
	s27 =	sshll.u32 s11, $0x9;
	[tilespmem:s13+$0x810 ss:$0x81] =	vst.msk $0xffff, v5  }
0x38: {  	v63 =	vld [tilespmem:s15+$0xFFFFFFC0];
	s28 =	sshll.u32 s10, $0x3;
	s29 =	sshll.u32 s11, $0x7;
	s14 =	sand.u32 $0x7F000, s27;
	[tilespmem:s13+$0x1020 ss:$0x81] =	vst.msk $0xffff, v58  }
0x39: {  	s30 =	sand.u32 $0x78, s10;
	s11 =	sand.u32 $0x380, s29;
	s14 =	sadd.s32 s14, s28;
	[tilespmem:s13+$0x1830 ss:$0x81] =	vst.msk $0xffff, v59  }
.Ltmp4:
0x3a: {  	s11 =	sor.u32 s11, s30;
	[tilespmem:s13+$0x2040 ss:$0x81] =	vst.msk $0xffff, v60;
	s14 =	sand.u32 $0x7FC00, s14;
	(pc) =	sbr.rel .LBB1_5-.Ltmp4, $4  }
0x3b: {  	s31 =	sand.u32 $0x7, s10;
	[tilespmem:s13+$0x2850 ss:$0x81] =	vst.msk $0xffff, v61;
	s11 =	sor.u32 s14, s11  }
0x3c: {  	s10 =	sshll.u32 s31, $0x12;
	[tilespmem:s13+$0x3060 ss:$0x81] =	vst.msk $0xffff, v62;
	s11 =	sshrl.u32 s11, $0x3  }
0x3d: {  	s10 =	sor.u32 $0x80, s10;
	[tilespmem:s13+$0x0 ss:$0x81] =	vst.msk $0xffff, v63;
	s11 =	sadd.s32 s4, s11  }
0x3e: {  	[hbm4b:s11+s10] =	stream.strided.scatter [tilespmem:s12], [sflag:$0x2], $0x4000, s6, s10, $0x20;
	[tilespmem:$0x10100] =	vst v63  }
.LBB1_6:
0x3f: {  	_ =	sfence.sel $0x180000  }
0x40: {  	s2 =	simm.s32 $0x1;
	[bflag:$0x0] =	sbarrier.arrive $0xFFFF  }
0x41: {  	s31 =	simm.s32 $0x2;
	[sflag:s2] =	ssyncpa.u1 $0x1  }
0x42: {  	[sflag:s31] =	ssyncpa.u1 $0x1  }
0x43: {  	p0 =	sne.s32 s1, $0x0;
	_ =	strace $0x9000004A  }
0x44: {  	s0 =	sadd.s32 @!p0 $0x100000, s0;
	[bflag:$0x2] =	sbarrier.arrive $0xFFFF  }
0x45: {  	[sflag:s0] =	ssyncadd.tile.s32 @!p0 $0x1;
	_ =	shalt  }
.Lfunc_end1:
_tile_overlayer_lowered:
.L_overlay_start_2:
0x46: {  	(tag) =	ssettag $0x2  }
0x47: {  	s0 =	rddreg [dreg:$0x0];
	s2 =	stileid.u32  }
0x48: {  	s1 =	rddreg [dreg:$0x1];
	p0 =	sne.s32 s2, $0x0  }
0x49: {  	s3 =	rddreg [dreg:$0x2];
	[bflag:$0x3] =	sbarrier.arrive $0xFFFF;
	s2 =	simm.s32 @!p0 $0x1C01  }
0x4a: {  	[timem:s3], [sflag:s2] =	dma.local @!p0 [hbm:s0], s1  }
0x4b: {  	s0 =	simm.s32 @!p0 $0x1  }
0x4c: {  	_ =	swait.ge @!p0 [sflag:s0], s1  }
0x4d: {  	s1 =	ssub.s32 @!p0 $0x0, s1;
	[sflag:s0] =	ssyncset.done @!p0 $0x0  }
0x4e: {  	[sflag:s0] =	ssyncadd.s32 @!p0 s1  }
0x4f: {  	[bflag:$0x3] =	sbarrier.arrive $0xFFFF  }
0x50: {  	_ =	shalt  }

// kernel: sparse-core-data-format-call.3.cloned.1.call-start
scs
called_computation.3_lowered:
.L_overlay_start_0:
0x0: {  	s1 =	sld [smem:$0x3FD9]  }
0x1: {  	s2 =	sld [smem:$0x3FFE];
	_ =	sdelay $0x1  }
0x2: {  	s3 =	srdreg.scid  }
0x3: {  	s0 =	sand.u32 $0x1, s3  }
0x4: {  	s17 =	sshll.u32 s0, $0xA;
	s1 =	sadd.s32 s2, s1  }
0x5: {  	s1 =	sadd.s32 s1, s17  }
0x6: {  	[smem:$0x3FC6] =	sst s1  }
0x7: {  	_ = 	snop  }
0x8: {  	(tm) =	ssettm $0x1  }
0x9: {  	s18 =	sld [smem:$0x3FFB];
	_ =	sdelay $0x3  }
0xa: {  	_ =	strace s18  }
0xb: {  	s1 =	sld [smem:$0x3FFC];
	_ =	sdelay $0x3  }
0xc: {  	_ =	strace s1  }
0xd: {  	s1 =	sld [smem:$0x3FFD];
	_ =	sdelay $0x3  }
0xe: {  	_ =	strace s1  }
0xf: {  	_ =	strace $0x8FFFFFFF  }
0x10: {  	s19 =	sld [smem:$0x3FDB];
	_ =	sdelay $0x1  }
0x11: {  	s20 =	simm.s32 $_scs_section_size  }
0x12: {  	s4 =	simm.s32 $_size__tile_overlayer_lowered;
	s5 =	simm.s32 $_tile_overlayer_lowered  }
0x13: {  	s23 =	simm.s32 $0x1BFF;
	s22 =	sshll.u32 s5, $0x1;
	s1 =	sadd.s32 s20, s19  }
0x14: {  	s6 =	simm.s32 $0x0;
	s21 =	sshll.u32 s4, $0x1;
	s4 =	sadd.s32 s22, s1  }
0x15: {  	[timem:s6], [sflag:s23] =	dma.local [hbm:s4], s21  }
0x16: {  	_ =	swait.ge [sflag:s23], s21  }
0x17: {  	s2 =	ssub.s32 $0x0, s21;
	[sflag:s23] =	ssyncset.done $0x0  }
0x18: {  	[sflag:s23] =	ssyncadd.s32 s2;
	_ =	sdelay $0x1  }
0x19: {  	s24 =	simm.s32 $0x1B8B  }
0x1a: {  	_ =	swait.ge [sflag:s24], $0x1  }
0x1b: {  	[sflag:s24] =	ssyncset.done $0x0  }
0x1c: {  	s26 =	simm.s32 $0x1B8E;
	s25 =	sld [smem:$0x3FFE];
	[sflag:s24] =	ssyncadd.s32 $0xFFFFFFFF  }
0x1d: {  	s27 =	simm.s32 $execute0_lowered;
	[smem:$0x3FD2] =	sst s26  }
0x1e: {  	s4 =	sshll.u32 s27, $0x1;
	_ =	strace $0x80000046;
	[dreg:$0x1] =	wrdreg $0xFFFFFFFF  }
0x1f: {  	s28 =	simm.s32 $_size_execute0_lowered;
	s1 =	sadd.s32 s1, s4;
	[dreg:$0x0] =	wrdreg $0x0  }
0x20: {  	s4 =	sshll.u32 s28, $0x1;
	[dreg:$0x2] =	wrdreg s1  }
0x21: {  	[dreg:$0x3] =	wrdreg s4  }
0x22: {  	[dreg:$0x4] =	wrdreg $0xC0  }
0x23: {  	_ =	task [dreg:s6], $0x5FFFF  }
0x24: {  	[dreg:$0x1] =	wrdreg $0xFFFFFFFF  }
0x25: {  	[dreg:$0x0] =	wrdreg $0x60  }
0x26: {  	[dreg:$0x2] =	wrdreg s25  }
0x27: {  	[dreg:$0x3] =	wrdreg $0x9  }
0x28: {  	_ =	task.clear_ibuf [dreg:s6], $0x4FFFF;
	_ =	strace $0x90000046  }
0x29: {  	s29 =	simm.s32 $0x9;
	_ =	strace $0x80000048  }
0x2a: {  	_ =	swait.ge [sflag:s29], $0x1  }
0x2b: {  	[sflag:s29] =	ssyncadd.s32 $0xFFFFFFFF  }
0x2c: {  	_ =	strace $0x90000048  }
0x2d: {  	_ =	sfence  }
0x2e: {  	s30 =	sld [smem:$0x0];
	_ =	sdelay $0x2  }
0x2f: {  	s31 =	sshll.u32 s3, $0xD;
	s3 =	sshrl.u32 s3, $0x2  }
0x30: {  	s2 =	sand.u32 $0x4000, s31;
	s1 =	sadd.s32 s3, s30  }
0x31: {  	s0 =	sor.u32 s2, s0;
	s1 =	sshll.u32 s1, $0x11  }
0x32: {  	s0 =	sor.u32 s1, s0  }
0x33: {  	s0 =	sadd.s32 $0x8F2B, s0  }
0x34: {  	[sflag:s0] =	ssyncadd.remote.s32 $0x1  }
0x35: {  	_ =	sfence.sel $0xFFFF  }
0x36: {  	[dreg:$0x0] =	wrdreg $0xFFFFFFFF;
	(pc) =	sbr.abs _section_cstart, $3  }
0x37: {  	[dreg:$0x1] =	wrdreg $0xFFFFFFFF  }
0x38: {  	_ =	task.clear_ibuf [dreg:s6], $0x2FFFF;
	_ =	strace $0x9FFFFFFF  }
0x39: {  	(tm) =	ssettm $0x7FFFFFFF  }
tec
execute0_lowered:
.L_overlay_start_1:
0x0: {  	(tag) =	ssettag $0x1  }
0x1: {  	s1 =	rddreg [dreg:$0x0]  }
0x2: {  	s0 =	rddreg [dreg:$0x1]  }
0x3: {  	_ =	strace $0x80000047;
	s4 =	srdreg.scid;
	s6 =	simm.s32 $0x2  }
0x4: {  	s11 =	simm.s32 $0x0;
	p0 =	por $0x0, $0x0;
	s7 =	simm.s32 $0x10000  }
.Ltmp0:
0x5: {  	s12 =	simm.s32 $0x0;
	s9 =	simm.s32 $0x0;
	(pc) =	sbr.rel .LBB1_1-.Ltmp0, $4  }
0x6: {  	s2 =	sadd.s32 $0x208C00, s1;
	s3 =	sadd.s32 $0xA08C00, s1;
	s5 =	sshll.u32 s4, $0x4  }
0x7: {  	s1 =	stileid.u32;
	s4 =	simm.s32 $0x1;
	s5 =	sand.u32 $0x10, s5  }
0x8: {  	s8 =	simm.s32 $0x0;
	[sflag:s4] =	ssyncpa.u1 $0x0;
	s5 =	sor.u32 s1, s5  }
0x9: {  	[sflag:s6] =	ssyncpa.u1 $0x0;
	s6 =	simm.s32 $0x800;
	s10 =	smov.u32 s5  }
.LBB1_7:
0xa: {  	s13 =	sadd.s32 $0x10, s9  }
0xb: {  	s11 =	sadd.s32 $0x20, s10;
	s15 =	smov.u32 s10;
	p2 =	sgt.s32 s13, $0x1FF  }
0xc: {  	p1 =	slt.u32 s8, $0x2;
	s15 =	smov.u32 @p2 s11  }
0xd: {  	s8 =	sadd.s32 $0x1, s8;
	s13 =	simm.s32 @p2 $0x0;
	p2 =	sgt.s32 s15, $0x7F  }
0xe: {  	s15 =	smov.u32 @p2 s5;
	p2 =	sne.s32 s8, $0x82  }
.Ltmp1:
0xf: {  	_ = 	snop;
	(pc) =	sbr.rel @!p2 .LBB1_8-.Ltmp1, $4  }
0x10: {  	s14 =	simm.s32 @!p1 $0x2  }
0x11: {  	s12 =	smov.u32 s10;
	_ =	swait.ge @!p1 [sflag:s14], $0x4000  }
0x12: {  	p0 =	por !p0, !p0;
	s11 =	smov.u32 s9;
	[sflag:s14] =	ssyncset.done @!p1 $0x0  }
0x13: {  	s9 =	smov.u32 s13;
	[sflag:s14] =	ssyncadd.s32 @!p1 $0xFFFFC000;
	s10 =	smov.u32 s15  }
.LBB1_1:
0x14: {  	p1 =	sgt.u32 s8, $0x7F  }
0x15: {  	s13 =	sxor.u32 @!p1 $0xFFFFFFFF, s8;
	s14 =	sshll.u32 @!p1 s10, $0x10  }
0x16: {  	s15 =	sshll.u32 @!p1 s9, $0x7;
	s13 =	sshll.u32 @!p1 s13, $0xE;
	s14 =	sadd.s32 @!p1 s2, s14  }
0x17: {  	s13 =	sand.u32 @!p1 $0x4000, s13;
	s14 =	sadd.s32 @!p1 s15, s14;
	s15 =	simm.s32 @!p1 $0x0  }
0x18: {  	[tilespmem:s13], [sflag:$0x1] =	stream.linear.gather @!p1 [hbm4b:s14+s15], $0x4000, $0x38;
	[tilespmem:$0x10000] =	vst v63  }
0x19: {  	p1 =	seq.s32 s8, $0x0  }
0x1a: {  	p2 =	seq.s32 @!p1 s8, $0x81  }
0x1b: {  	p1 =	por p1, p2  }
.Ltmp2:
0x1c: {  	_ = 	snop;
	(pc) =	sbr.rel @p1 .LBB1_7-.Ltmp2, $1  }
0x1d: {  	_ =	sdelay $0x3  }
0x1e: {  	s13 =	simm.s32 $0x1;
	_ =	swait.ge [sflag:s4], $0x4000;
	s16 =	sshll.u32 s8, $0xE  }
0x1f: {  	s13 =	simm.s32 @!p0 $0x0;
	[sflag:s4] =	ssyncset.done $0x0;
	s31 =	sand.u32 $0x4000, s16  }
0x20: {  	s16 =	simm.s32 $0x0;
	s14 =	sshll.u32 s13, $0xE;
	[sflag:s4] =	ssyncadd.s32 $0xFFFFC000  }
0x21: {  	s13 =	sor.u32 $0x8040, s14;
	s15 =	sor.u32 $0x40, s14;
	s14 =	sor.u32 $0x8000, s31  }
.LBB1_3:
0x22: {  	v0 =	vmov s15;
	_ =	sdelay $0x3  }
0x23: {  	s18 =	simm.s32 $0x0  }
0x24: {  	v6 =	vld.idx.msk [tilespmem:v0+s18+$0x30 ss:$0x1], $0xffff  }
0x25: {  	v7 =	vld.idx.msk [tilespmem:v0+s18+$0xFFFFFFC0 ss:$0x1], $0xffff  }
0x26: {  	v5 =	vld.idx.msk [tilespmem:v0+s18+$0xFFFFFFD0 ss:$0x1], $0xffff  }
0x27: {  	v4 =	vld.idx.msk [tilespmem:v0+s18+$0xFFFFFFE0 ss:$0x1], $0xffff  }
0x28: {  	v3 =	vld.idx.msk [tilespmem:v0+s18+$0xFFFFFFF0 ss:$0x1], $0xffff  }
0x29: {  	v1 =	vld.idx.msk [tilespmem:v0+s18+$0x0 ss:$0x1], $0xffff  }
0x2a: {  	v2 =	vld.idx.msk [tilespmem:v0+s18+$0x10 ss:$0x1], $0xffff;
	[tilespmem:s13+$0x30] =	vst v6  }
0x2b: {  	s17 =	simm.s32 $0x80;
	s19 =	simm.s32 $0x400;
	[tilespmem:s13+$0xFFFFFFC0] =	vst v7;
	v6 =	vld.idx.msk [tilespmem:v0+s18+$0x20 ss:$0x1], $0xffff;
	s18 =	smov.u32 s13  }
.LBB1_4:
0x2c: {  	p1 =	sne.s32 s19, $0xE00;
	v7 =	vld.idx.msk [tilespmem:v0+s17+$0x30 ss:$0x1], $0xffff;
	[tilespmem:s18+$0xFFFFFFD0] =	vst v5  }
0x2d: {  	v8 =	vld.idx.msk [tilespmem:v0+s17+$0xFFFFFFC0 ss:$0x1], $0xffff;
	[tilespmem:s18+$0xFFFFFFE0] =	vst v4  }
0x2e: {  	v5 =	vld.idx.msk [tilespmem:v0+s17+$0xFFFFFFD0 ss:$0x1], $0xffff;
	[tilespmem:s18+$0xFFFFFFF0] =	vst v3  }
.Ltmp3:
0x2f: {  	v4 =	vld.idx.msk [tilespmem:v0+s17+$0xFFFFFFE0 ss:$0x1], $0xffff;
	[tilespmem:s18+$0x0] =	vst v1;
	(pc) =	sbr.rel @p1 .LBB1_4-.Ltmp3, $4  }
0x30: {  	v3 =	vld.idx.msk [tilespmem:v0+s17+$0xFFFFFFF0 ss:$0x1], $0xffff;
	[tilespmem:s18+$0x10] =	vst v2  }
0x31: {  	v1 =	vld.idx.msk [tilespmem:v0+s17+$0x0 ss:$0x1], $0xffff;
	[tilespmem:s18+$0x20] =	vst v6;
	s18 =	sadd.s32 $0x800, s18  }
0x32: {  	v2 =	vld.idx.msk [tilespmem:v0+s17+$0x10 ss:$0x1], $0xffff;
	[tilespmem:s18+$0x30] =	vst v7  }
0x33: {  	[tilespmem:s18+$0xFFFFFFC0] =	vst v8;
	v6 =	vld.idx.msk [tilespmem:v0+s17+$0x20 ss:$0x1], $0xffff;
	s17 =	sshra.s32 s19, $0x2;
	s19 =	sadd.s32 $0x200, s19  }
0x34: {  	_ =	sdelay $0x2  }
0x35: {  	[tilespmem:s18+$0xFFFFFFD0] =	vst v5  }
0x36: {  	v56 =	vld.idx.msk [tilespmem:v0+s17+$0x30 ss:$0x1], $0xffff;
	[tilespmem:s18+$0xFFFFFFE0] =	vst v4  }
0x37: {  	v57 =	vld.idx.msk [tilespmem:v0+s17+$0xFFFFFFC0 ss:$0x1], $0xffff;
	[tilespmem:s18+$0xFFFFFFF0] =	vst v3  }
0x38: {  	v58 =	vld.idx.msk [tilespmem:v0+s17+$0xFFFFFFD0 ss:$0x1], $0xffff;
	[tilespmem:s18+$0x0] =	vst v1  }
0x39: {  	v59 =	vld.idx.msk [tilespmem:v0+s17+$0xFFFFFFE0 ss:$0x1], $0xffff;
	[tilespmem:s18+$0x10] =	vst v2  }
0x3a: {  	v60 =	vld.idx.msk [tilespmem:v0+s17+$0xFFFFFFF0 ss:$0x1], $0xffff;
	s31 =	sadd.s32 $0x800, s18;
	[tilespmem:s18+$0x20] =	vst v6  }
0x3b: {  	v61 =	vld.idx.msk [tilespmem:v0+s17+$0x0 ss:$0x1], $0xffff;
	[tilespmem:s31+$0x30] =	vst v56  }
0x3c: {  	v62 =	vld.idx.msk [tilespmem:v0+s17+$0x10 ss:$0x1], $0xffff;
	s16 =	sadd.s32 $0x1, s16;
	[tilespmem:s31+$0xFFFFFFC0] =	vst v57  }
0x3d: {  	v63 =	vld.idx.msk [tilespmem:v0+s17+$0x20 ss:$0x1], $0xffff;
	p1 =	sne.s32 s16, $0x10;
	[tilespmem:s31+$0xFFFFFFD0] =	vst v58  }
.Ltmp4:
0x3e: {  	[tilespmem:s31+$0xFFFFFFE0] =	vst v59;
	(pc) =	sbr.rel @p1 .LBB1_3-.Ltmp4, $4  }
0x3f: {  	[tilespmem:s31+$0xFFFFFFF0] =	vst v60  }
0x40: {  	[tilespmem:s31+$0x0] =	vst v61  }
0x41: {  	[tilespmem:s31+$0x10] =	vst v62  }
0x42: {  	s13 =	sadd.s32 $0x80, s13;
	s15 =	sadd.s32 $0x400, s15;
	[tilespmem:s31+$0x20] =	vst v63  }
.Ltmp5:
0x43: {  	(pc) =	sbr.rel .LBB1_7-.Ltmp5, $4  }
0x44: {  	s12 =	sshll.u32 s12, $0x10;
	s11 =	sshll.u32 s11, $0x4  }
0x45: {  	s11 =	sand.u32 $0x1FF0, s11;
	s12 =	sadd.s32 s3, s12  }
0x46: {  	s11 =	sadd.s32 s11, s12  }
0x47: {  	[hbm4b:s11+s6] =	stream.strided.scatter [tilespmem:s14], [sflag:$0x2], $0x4000, s7, s6, $0x38;
	[tilespmem:$0x10000] =	vst v63  }
.LBB1_8:
0x48: {  	_ =	sfence.sel $0x180000  }
0x49: {  	s2 =	simm.s32 $0x1;
	[bflag:$0x0] =	sbarrier.arrive $0xFFFF  }
0x4a: {  	s31 =	simm.s32 $0x2;
	[sflag:s2] =	ssyncpa.u1 $0x1  }
0x4b: {  	[sflag:s31] =	ssyncpa.u1 $0x1  }
0x4c: {  	p0 =	sne.s32 s1, $0x0;
	_ =	strace $0x90000047  }
0x4d: {  	s0 =	sadd.s32 @!p0 $0x100000, s0;
	[bflag:$0x2] =	sbarrier.arrive $0xFFFF  }
0x4e: {  	[sflag:s0] =	ssyncadd.tile.s32 @!p0 $0x1;
	_ =	shalt  }
.Lfunc_end1:
_tile_overlayer_lowered:
.L_overlay_start_2:
0x4f: {  	(tag) =	ssettag $0x2  }
0x50: {  	s0 =	rddreg [dreg:$0x0];
	s2 =	stileid.u32  }
0x51: {  	s1 =	rddreg [dreg:$0x1];
	p0 =	sne.s32 s2, $0x0  }
0x52: {  	s3 =	rddreg [dreg:$0x2];
	[bflag:$0x3] =	sbarrier.arrive $0xFFFF;
	s2 =	simm.s32 @!p0 $0x1C01  }
0x53: {  	[timem:s3], [sflag:s2] =	dma.local @!p0 [hbm:s0], s1  }
0x54: {  	s0 =	simm.s32 @!p0 $0x1  }
0x55: {  	_ =	swait.ge @!p0 [sflag:s0], s1  }
0x56: {  	s1 =	ssub.s32 @!p0 $0x0, s1;
	[sflag:s0] =	ssyncset.done @!p0 $0x0  }
0x57: {  	[sflag:s0] =	ssyncadd.s32 @!p0 s1  }
0x58: {  	[bflag:$0x3] =	sbarrier.arrive $0xFFFF  }
0x59: {  	_ =	shalt  }

// kernel: sparse-core-data-format-call.cloned.1.call-start
scs
called_computation_lowered:
.L_overlay_start_0:
0x0: {  	s1 =	sld [smem:$0x3FD9]  }
0x1: {  	s2 =	sld [smem:$0x3FFE];
	_ =	sdelay $0x1  }
0x2: {  	s3 =	srdreg.scid  }
0x3: {  	s0 =	sand.u32 $0x1, s3  }
0x4: {  	s17 =	sshll.u32 s0, $0xA;
	s1 =	sadd.s32 s2, s1  }
0x5: {  	s1 =	sadd.s32 s1, s17  }
0x6: {  	[smem:$0x3FC6] =	sst s1  }
0x7: {  	_ = 	snop  }
0x8: {  	(tm) =	ssettm $0x1  }
0x9: {  	s18 =	sld [smem:$0x3FFB];
	_ =	sdelay $0x3  }
0xa: {  	_ =	strace s18  }
0xb: {  	s1 =	sld [smem:$0x3FFC];
	_ =	sdelay $0x3  }
0xc: {  	_ =	strace s1  }
0xd: {  	s1 =	sld [smem:$0x3FFD];
	_ =	sdelay $0x3  }
0xe: {  	_ =	strace s1  }
0xf: {  	_ =	strace $0x8FFFFFFF  }
0x10: {  	s19 =	sld [smem:$0x3FDB];
	_ =	sdelay $0x1  }
0x11: {  	s20 =	simm.s32 $_scs_section_size  }
0x12: {  	s4 =	simm.s32 $_size__tile_overlayer_lowered;
	s5 =	simm.s32 $_tile_overlayer_lowered  }
0x13: {  	s23 =	simm.s32 $0x1BFF;
	s22 =	sshll.u32 s5, $0x1;
	s1 =	sadd.s32 s20, s19  }
0x14: {  	s6 =	simm.s32 $0x0;
	s21 =	sshll.u32 s4, $0x1;
	s4 =	sadd.s32 s22, s1  }
0x15: {  	[timem:s6], [sflag:s23] =	dma.local [hbm:s4], s21  }
0x16: {  	_ =	swait.ge [sflag:s23], s21  }
0x17: {  	s2 =	ssub.s32 $0x0, s21;
	[sflag:s23] =	ssyncset.done $0x0  }
0x18: {  	[sflag:s23] =	ssyncadd.s32 s2;
	_ =	sdelay $0x1  }
0x19: {  	s24 =	simm.s32 $0x1B8B  }
0x1a: {  	_ =	swait.ge [sflag:s24], $0x1  }
0x1b: {  	[sflag:s24] =	ssyncset.done $0x0  }
0x1c: {  	s26 =	simm.s32 $0x1B8E;
	s25 =	sld [smem:$0x3FFE];
	[sflag:s24] =	ssyncadd.s32 $0xFFFFFFFF  }
0x1d: {  	s27 =	simm.s32 $execute0_lowered;
	[smem:$0x3FD2] =	sst s26  }
0x1e: {  	s4 =	sshll.u32 s27, $0x1;
	_ =	strace $0x8000004F;
	[dreg:$0x1] =	wrdreg $0xFFFFFFFF  }
0x1f: {  	s28 =	simm.s32 $_size_execute0_lowered;
	s1 =	sadd.s32 s1, s4;
	[dreg:$0x0] =	wrdreg $0x0  }
0x20: {  	s4 =	sshll.u32 s28, $0x1;
	[dreg:$0x2] =	wrdreg s1  }
0x21: {  	[dreg:$0x3] =	wrdreg s4  }
0x22: {  	[dreg:$0x4] =	wrdreg $0xC0  }
0x23: {  	_ =	task [dreg:s6], $0x5FFFF  }
0x24: {  	[dreg:$0x1] =	wrdreg $0xFFFFFFFF  }
0x25: {  	[dreg:$0x0] =	wrdreg $0x60  }
0x26: {  	[dreg:$0x2] =	wrdreg s25  }
0x27: {  	[dreg:$0x3] =	wrdreg $0x9  }
0x28: {  	_ =	task.clear_ibuf [dreg:s6], $0x4FFFF;
	_ =	strace $0x9000004F  }
0x29: {  	s29 =	simm.s32 $0x9;
	_ =	strace $0x80000051  }
0x2a: {  	_ =	swait.ge [sflag:s29], $0x1  }
0x2b: {  	[sflag:s29] =	ssyncadd.s32 $0xFFFFFFFF  }
0x2c: {  	_ =	strace $0x90000051  }
0x2d: {  	_ =	sfence  }
0x2e: {  	s30 =	sld [smem:$0x0];
	_ =	sdelay $0x2  }
0x2f: {  	s31 =	sshll.u32 s3, $0xD;
	s3 =	sshrl.u32 s3, $0x2  }
0x30: {  	s2 =	sand.u32 $0x4000, s31;
	s1 =	sadd.s32 s3, s30  }
0x31: {  	s0 =	sor.u32 s2, s0;
	s1 =	sshll.u32 s1, $0x11  }
0x32: {  	s0 =	sor.u32 s1, s0  }
0x33: {  	s0 =	sadd.s32 $0x8F2B, s0  }
0x34: {  	[sflag:s0] =	ssyncadd.remote.s32 $0x1  }
0x35: {  	_ =	sfence.sel $0xFFFF  }
0x36: {  	[dreg:$0x0] =	wrdreg $0xFFFFFFFF;
	(pc) =	sbr.abs _section_cstart, $3  }
0x37: {  	[dreg:$0x1] =	wrdreg $0xFFFFFFFF  }
0x38: {  	_ =	task.clear_ibuf [dreg:s6], $0x2FFFF;
	_ =	strace $0x9FFFFFFF  }
0x39: {  	(tm) =	ssettm $0x7FFFFFFF  }
tec
execute0_lowered:
.L_overlay_start_1:
0x0: {  	(tag) =	ssettag $0x1  }
0x1: {  	s0 =	srdreg.scid  }
0x2: {  	s1 =	sshll.u32 s0, $0x4  }
0x3: {  	s6 =	rddreg [dreg:$0x0];
	s0 =	stileid.u32;
	s1 =	sand.u32 $0x10, s1  }
0x4: {  	s5 =	simm.s32 $0x1;
	s31 =	simm.s32 $0x2;
	s1 =	sor.u32 s0, s1  }
0x5: {  	s13 =	simm.s32 $0x0;
	s8 =	simm.s32 $0x80000;
	s2 =	sshll.u32 s1, $0x7  }
0x6: {  	s12 =	simm.s32 $0x0;
	s9 =	simm.s32 $0x0;
	s3 =	ssub.s32 $0x10000, s2  }
0x7: {  	s11 =	simm.s32 $0x0;
	s1 =	rddreg [dreg:$0x1];
	s4 =	sand.u32 $0xF80, s3  }
.Ltmp0:
0x8: {  	_ =	strace $0x80000050;
	p0 =	sne.s32 s4, $0x0;
	(pc) =	sbr.rel .LBB1_1-.Ltmp0, $4  }
0x9: {  	s10 =	smov.u32 s2;
	s7 =	sshrl.u32 s3, $0xC;
	s5 =	simm.s32 @!p0 $0x0  }
0xa: {  	s3 =	sadd.s32 $0x208C00, s6;
	s4 =	simm.s32 $0x1;
	s5 =	sadd.s32 s5, s7  }
0xb: {  	s6 =	sadd.s32 $0xA08C00, s6;
	[sflag:s4] =	ssyncpa.u1 $0x0;
	s5 =	sshll.u32 s5, $0x3  }
0xc: {  	p0 =	por $0x0, $0x0;
	[sflag:s31] =	ssyncpa.u1 $0x0;
	s7 =	sor.u32 $0x1, s5  }
.LBB1_4:
0xd: {  	v5 =	vld [tilespmem:s16+$0xFFFFFFD0];
	[tilespmem:s17+$0x2040 ss:$0x81] =	vst.msk $0xffff, v1  }
0xe: {  	v58 =	vld [tilespmem:s16+$0xFFFFFFE0];
	[tilespmem:s17+$0x2850 ss:$0x81] =	vst.msk $0xffff, v2  }
0xf: {  	s18 =	sshra.s32 s18, $0x2;
	v59 =	vld [tilespmem:s16+$0xFFFFFFF0];
	[tilespmem:s17+$0x3060 ss:$0x81] =	vst.msk $0xffff, v3  }
0x10: {  	v60 =	vld [tilespmem:s16+$0x0];
	[tilespmem:s17+$0x0 ss:$0x81] =	vst.msk $0xffff, v0;
	s15 =	sadd.s32 s18, s15  }
0x11: {  	v61 =	vld [tilespmem:s16+$0x10];
	s26 =	sshll.u32 s13, $0x10;
	[tilespmem:s15+$0x3870 ss:$0x81] =	vst.msk $0xffff, v4  }
0x12: {  	v62 =	vld [tilespmem:s16+$0x20];
	s27 =	sand.u32 $0x78, s12;
	s19 =	sshll.u32 s12, $0x3;
	s29 =	sshll.u32 s13, $0x7;
	[tilespmem:s15+$0x810 ss:$0x81] =	vst.msk $0xffff, v5  }
0x13: {  	v63 =	vld [tilespmem:s16+$0xFFFFFFC0];
	s17 =	sand.u32 $0x3F80000, s26;
	s28 =	sand.u32 $0x3FFFC00, s19;
	s19 =	sand.u32 $0xFC00, s19;
	[tilespmem:s15+$0x1020 ss:$0x81] =	vst.msk $0xffff, v58  }
0x14: {  	s13 =	sand.u32 $0x380, s29;
	s16 =	sadd.s32 s28, s17;
	s30 =	sor.u32 s27, s19;
	[tilespmem:s15+$0x1830 ss:$0x81] =	vst.msk $0xffff, v59  }
0x15: {  	s16 =	sand.u32 $0x3FF0000, s16;
	s13 =	sor.u32 s13, s30;
	[tilespmem:s15+$0x2040 ss:$0x81] =	vst.msk $0xffff, v60  }
0x16: {  	s31 =	sand.u32 $0x7, s12;
	s13 =	sor.u32 s16, s13;
	[tilespmem:s15+$0x2850 ss:$0x81] =	vst.msk $0xffff, v61  }
0x17: {  	s12 =	sshll.u32 s31, $0x12;
	[tilespmem:s15+$0x3060 ss:$0x81] =	vst.msk $0xffff, v62;
	s13 =	sshrl.u32 s13, $0x3  }
0x18: {  	s12 =	sor.u32 $0x400, s12;
	[tilespmem:s15+$0x0 ss:$0x81] =	vst.msk $0xffff, v63;
	s13 =	sadd.s32 s6, s13  }
0x19: {  	[hbm4b:s13+s12] =	stream.strided.scatter [tilespmem:s14], [sflag:$0x2], $0x4000, s8, s12, $0x20;
	[tilespmem:$0x10100] =	vst v63  }
.LBB1_5:
0x1a: {  	s14 =	sadd.s32 $0x80, s9  }
0x1b: {  	s12 =	sadd.s32 $0x1000, s10;
	s16 =	smov.u32 s10;
	p2 =	sgt.s32 s14, $0x3FF  }
0x1c: {  	s16 =	smov.u32 @p2 s12  }
0x1d: {  	s14 =	simm.s32 @p2 $0x0;
	p2 =	sgt.s32 s16, $0xFFFF  }
0x1e: {  	s16 =	smov.u32 @p2 s2;
	p2 =	sne.s32 s11, s7  }
.Ltmp1:
0x1f: {  	p1 =	slt.u32 s11, $0x2;
	(pc) =	sbr.rel @!p2 .LBB1_6-.Ltmp1, $4  }
0x20: {  	s15 =	simm.s32 @!p1 $0x2  }
0x21: {  	s13 =	smov.u32 s9;
	p0 =	por !p0, !p0;
	_ =	swait.ge @!p1 [sflag:s15], $0x4000  }
0x22: {  	s12 =	smov.u32 s10;
	[sflag:s15] =	ssyncset.done @!p1 $0x0;
	s9 =	smov.u32 s14  }
0x23: {  	s11 =	sadd.s32 $0x1, s11;
	[sflag:s15] =	ssyncadd.s32 @!p1 $0xFFFFC000;
	s10 =	smov.u32 s16  }
.LBB1_1:
0x24: {  	p1 =	sge.u32 s11, s5  }
0x25: {  	s31 =	sadd.s32 $0xFFFFFFFF, s11;
	s14 =	sshll.u32 @!p1 s10, $0xA  }
0x26: {  	s15 =	sshll.u32 @!p1 s9, $0x3;
	s16 =	sshll.u32 @!p1 s10, $0x7;
	s14 =	sand.u32 @!p1 $0x3FFE000, s14  }
0x27: {  	s17 =	sand.u32 @!p1 $0x78, s9;
	s14 =	sadd.s32 @!p1 s14, s15;
	s15 =	sand.u32 @!p1 $0x380, s16  }
0x28: {  	s16 =	sxor.u32 @!p1 $0xFFFFFFFF, s11;
	s14 =	sand.u32 @!p1 $0x3FFFC00, s14;
	s15 =	sor.u32 @!p1 s15, s17  }
0x29: {  	s16 =	sshll.u32 @!p1 s16, $0xE;
	s14 =	sor.u32 @!p1 s14, s15;
	s15 =	sand.u32 @!p1 $0x7, s9  }
0x2a: {  	s17 =	simm.s32 @!p1 $0x2000;
	s14 =	sshrl.u32 @!p1 s14, $0x3;
	s15 =	sshll.u32 @!p1 s15, $0x12  }
0x2b: {  	s16 =	sand.u32 @!p1 $0x4000, s16;
	s14 =	sadd.s32 @!p1 s3, s14;
	s15 =	sor.u32 @!p1 $0x400, s15  }
0x2c: {  	[tilespmem:s16], [sflag:$0x1] =	stream.strided.gather @!p1 [hbm4b:s14+s15], $0x4000, s17, s15, $0x38;
	[tilespmem:$0x10100] =	vst v63  }
0x2d: {  	p1 =	sge.u32 s31, s5  }
.Ltmp2:
0x2e: {  	_ = 	snop;
	(pc) =	sbr.rel @p1 .LBB1_5-.Ltmp2, $1  }
0x2f: {  	_ =	sdelay $0x3  }
0x30: {  	s14 =	simm.s32 $0x1  }
0x31: {  	_ =	swait.ge [sflag:s4], $0x4000;
	s14 =	simm.s32 @!p0 $0x0  }
0x32: {  	[sflag:s4] =	ssyncset.done $0x0;
	s15 =	sshll.u32 s14, $0xE  }
0x33: {  	[sflag:s4] =	ssyncadd.s32 $0xFFFFC000;
	s16 =	sor.u32 $0x40, s15  }
0x34: {  	s14 =	smul.u32 $0x10200, s14;
	v0 =	vld [tilespmem:s16+$0x30]  }
0x35: {  	v3 =	vld [tilespmem:s16+$0xFFFFFFD0]  }
0x36: {  	s14 =	sshrl.u32 s14, $0x2;
	v4 =	vld [tilespmem:s16+$0xFFFFFFE0]  }
0x37: {  	v5 =	vld [tilespmem:s16+$0xFFFFFFF0];
	s15 =	sor.u32 $0x8000, s14  }
0x38: {  	s31 =	sand.u32 $0x1, s11;
	v1 =	vld [tilespmem:s16+$0x0];
	s17 =	sadd.s32 $0x0, s15  }
0x39: {  	v2 =	vld [tilespmem:s16+$0x10];
	s14 =	smul.u32 $0x10200, s31;
	[tilespmem:s17+$0x3870 ss:$0x81] =	vst.msk $0xffff, v0  }
0x3a: {  	[tilespmem:s17+$0x810 ss:$0x81] =	vst.msk $0xffff, v3;
	v3 =	vld [tilespmem:s16+$0x20]  }
0x3b: {  	s14 =	sshrl.u32 s14, $0x2;
	v0 =	vld [tilespmem:s16+$0xFFFFFFC0];
	[tilespmem:s17+$0x1020 ss:$0x81] =	vst.msk $0xffff, v4;
	s16 =	sadd.s32 $0x80, s16  }
0x3c: {  	s18 =	simm.s32 $0x4;
	s19 =	simm.s32 $0x8;
	s14 =	sor.u32 $0x8000, s14;
	[tilespmem:s17+$0x1830 ss:$0x81] =	vst.msk $0xffff, v5;
	v4 =	vld [tilespmem:s16+$0x30]  }
.LBB1_3:
0x3d: {  	p1 =	sne.s32 s19, $0x1FC;
	v5 =	vld [tilespmem:s16+$0xFFFFFFD0];
	[tilespmem:s17+$0x2040 ss:$0x81] =	vst.msk $0xffff, v1  }
0x3e: {  	v6 =	vld [tilespmem:s16+$0xFFFFFFE0];
	[tilespmem:s17+$0x2850 ss:$0x81] =	vst.msk $0xffff, v2  }
0x3f: {  	s20 =	sshra.s32 s18, $0x2;
	s18 =	smov.u32 s19;
	v7 =	vld [tilespmem:s16+$0xFFFFFFF0];
	[tilespmem:s17+$0x3060 ss:$0x81] =	vst.msk $0xffff, v3  }
.Ltmp3:
0x40: {  	v1 =	vld [tilespmem:s16+$0x0];
	[tilespmem:s17+$0x0 ss:$0x81] =	vst.msk $0xffff, v0;
	s17 =	sadd.s32 s20, s15;
	(pc) =	sbr.rel @p1 .LBB1_3-.Ltmp3, $4  }
0x41: {  	v2 =	vld [tilespmem:s16+$0x10];
	[tilespmem:s17+$0x3870 ss:$0x81] =	vst.msk $0xffff, v4  }
0x42: {  	[tilespmem:s17+$0x810 ss:$0x81] =	vst.msk $0xffff, v5;
	v3 =	vld [tilespmem:s16+$0x20]  }
0x43: {  	v0 =	vld [tilespmem:s16+$0xFFFFFFC0];
	[tilespmem:s17+$0x1020 ss:$0x81] =	vst.msk $0xffff, v6;
	s16 =	sadd.s32 $0x80, s16  }
0x44: {  	s19 =	sadd.s32 $0x4, s19;
	v4 =	vld [tilespmem:s16+$0x30];
	[tilespmem:s17+$0x1830 ss:$0x81] =	vst.msk $0xffff, v7  }
.Ltmp4:
0x45: {  	_ = 	snop;
	(pc) =	sbr.rel .LBB1_4-.Ltmp4, $1  }
0x46: {  	_ =	sdelay $0x3  }
.LBB1_6:
0x47: {  	_ =	sfence.sel $0x180000  }
0x48: {  	s2 =	simm.s32 $0x1;
	[bflag:$0x0] =	sbarrier.arrive $0xFFFF  }
0x49: {  	s31 =	simm.s32 $0x2;
	[sflag:s2] =	ssyncpa.u1 $0x1  }
0x4a: {  	[sflag:s31] =	ssyncpa.u1 $0x1  }
0x4b: {  	p0 =	sne.s32 s0, $0x0;
	_ =	strace $0x90000050  }
0x4c: {  	s0 =	sadd.s32 @!p0 $0x100000, s1;
	[bflag:$0x2] =	sbarrier.arrive $0xFFFF  }
0x4d: {  	[sflag:s0] =	ssyncadd.tile.s32 @!p0 $0x1;
	_ =	shalt  }
.Lfunc_end1:
_tile_overlayer_lowered:
.L_overlay_start_2:
0x4e: {  	(tag) =	ssettag $0x2  }
0x4f: {  	s0 =	rddreg [dreg:$0x0];
	s2 =	stileid.u32  }
0x50: {  	s1 =	rddreg [dreg:$0x1];
	p0 =	sne.s32 s2, $0x0  }
0x51: {  	s3 =	rddreg [dreg:$0x2];
	[bflag:$0x3] =	sbarrier.arrive $0xFFFF;
	s2 =	simm.s32 @!p0 $0x1C01  }
0x52: {  	[timem:s3], [sflag:s2] =	dma.local @!p0 [hbm:s0], s1  }
0x53: {  	s0 =	simm.s32 @!p0 $0x1  }
0x54: {  	_ =	swait.ge @!p0 [sflag:s0], s1  }
0x55: {  	s1 =	ssub.s32 @!p0 $0x0, s1;
	[sflag:s0] =	ssyncset.done @!p0 $0x0  }
0x56: {  	[sflag:s0] =	ssyncadd.s32 @!p0 s1  }
0x57: {  	[bflag:$0x3] =	sbarrier.arrive $0xFFFF  }
0x58: {  	_ =	shalt  }

</sc_bundles>
